<compile_context>
chip_gen: v7x
topology: tpu7x:2x2x1
jax: 0.10.2.dev20260603
libtpu: 0.0.44.dev20260713+nightly
codegen_flags: <defaults>
</compile_context>

<pallas_src>
import functools

import jax
import jax.numpy as jnp
from jax import lax
from jax.experimental import pallas as pl
from jax.experimental.pallas import tpu as pltpu
from jax.experimental.pallas import tpu_sc as plsc

N = 10000
E = 320000
D = 128
L = 128
DG = 16

NC = 2
NS = 16
NW = NC * NS
EPW = E // NW
C = 80
G = EPW // C
B = 25
NB = G // B
RPT = N // NS
RPTC = 25
KS = RPT // RPTC


def _enc_body(x_ref, w_ref, b_ref, out_ref):
    h = jnp.dot(x_ref[...], w_ref[...], preferred_element_type=jnp.float32)
    h = h + b_ref[...]
    out_ref[...] = jnp.where(h > 0, h, jnp.exp(h) - 1.0)


def _encode(x, w_enc, b_enc):
    R = 2000
    return pl.pallas_call(
        _enc_body,
        grid=(N // R,),
        in_specs=[
            pl.BlockSpec((R, D), lambda i: (i, 0)),
            pl.BlockSpec((D, L), lambda i: (0, 0)),
            pl.BlockSpec((1, L), lambda i: (0, 0)),
        ],
        out_specs=pl.BlockSpec((R, D), lambda i: (i, 0)),
        out_shape=jax.ShapeDtypeStruct((N, D), jnp.float32),
    )(x, w_enc, b_enc.reshape(1, L))


def _sc_body(h_ref, src_ref, dst_ref, out_ref, dout_ref, acc, dacc, stg, dstg,
             ones, rows0, rows1, isA, idA, isB, idB, sem0, sem1, isem0, isem1):
    cid = lax.axis_index("c")
    sid = lax.axis_index("s")
    wid = cid * NS + sid

    lane = lax.iota(jnp.int32, 16)
    degpat = jnp.where(lane == 0, 1.0, 0.0).astype(jnp.float32)
    zero = jnp.zeros((16,), jnp.float32)

    def frow(r, carry):
        ones[r, pl.ds(0, DG)] = degpat
        return carry

    lax.fori_loop(0, C, frow, 0)

    def zrow(r, carry):
        for j in range(D // 16):
            stg[r, pl.ds(j * 16, 16)] = zero
        dstg[r, pl.ds(0, DG)] = zero
        return carry

    lax.fori_loop(0, RPTC, zrow, 0)
    row0 = sid * RPT

    def zcp(k, carry):
        pltpu.sync_copy(stg, acc.at[pl.ds(row0 + k * RPTC, RPTC)])
        pltpu.sync_copy(dstg, dacc.at[pl.ds(row0 + k * RPTC, RPTC)])
        return carry

    lax.fori_loop(0, KS, zcp, 0)
    plsc.subcore_barrier()

    brow = wid * G

    def iload(b, sb, db, isem):
        r = brow + b * B
        pltpu.async_copy(src_ref.at[pl.ds(r, B)], sb, isem)
        pltpu.async_copy(dst_ref.at[pl.ds(r, B)], db, isem)

    def iwait(b, sb, db, isem):
        r = brow + b * B
        pltpu.make_async_copy(src_ref.at[pl.ds(r, B)], sb, isem).wait()
        pltpu.make_async_copy(dst_ref.at[pl.ds(r, B)], db, isem).wait()

    def fire(sb, j, rows, sem):
        pltpu.async_copy(h_ref.at[sb.at[j]], rows, sem)

    def drain(sb, db, j, rows, sem):
        pltpu.make_async_copy(h_ref.at[sb.at[j]], rows, sem).wait()
        pltpu.sync_copy(rows, acc.at[db.at[j]], add=True)
        pltpu.sync_copy(ones, dacc.at[db.at[j]], add=True)

    rbufs = (rows0, rows1)
    sems = (sem0, sem1)
    ibufs = ((isA, idA, isem0), (isB, idB, isem1))

    iload(0, isA, idA, isem0)
    iwait(0, isA, idA, isem0)
    iload(1, isB, idB, isem1)
    fire(isA, 0, rows0, sem0)

    for b in range(NB):
        sb, db, _ = ibufs[b % 2]
        p = b % 2

        def pair(i, carry, sb=sb, db=db, p=p):
            j = i * 2
            fire(sb, j + 1, rbufs[1 - p], sems[1 - p])
            drain(sb, db, j, rbufs[p], sems[p])
            fire(sb, j + 2, rbufs[p], sems[p])
            drain(sb, db, j + 1, rbufs[1 - p], sems[1 - p])
            return carry

        lax.fori_loop(0, (B - 1) // 2, pair, 0)
        if b + 1 < NB:
            nsb, ndb, nisem = ibufs[(b + 1) % 2]
            iwait(b + 1, nsb, ndb, nisem)
            fire(nsb, 0, rbufs[1 - p], sems[1 - p])
            drain(sb, db, B - 1, rbufs[p], sems[p])
            if b + 2 < NB:
                iload(b + 2, sb, db, ibufs[b % 2][2])
        else:
            drain(sb, db, B - 1, rbufs[p], sems[p])
    plsc.subcore_barrier()

    def ocp(k, carry):
        r0 = row0 + k * RPTC
        pltpu.sync_copy(acc.at[pl.ds(r0, RPTC)], stg)
        pltpu.sync_copy(stg, out_ref.at[cid, pl.ds(r0, RPTC)])
        pltpu.sync_copy(dacc.at[pl.ds(r0, RPTC)], dstg)
        pltpu.sync_copy(dstg, dout_ref.at[cid, pl.ds(r0, RPTC)])
        return carry

    lax.fori_loop(0, KS, ocp, 0)


def _scatter(h_aug, src, dst):
    mesh = plsc.VectorSubcoreMesh(core_axis_name="c", subcore_axis_name="s")
    return pl.kernel(
        _sc_body,
        out_type=(
            jax.ShapeDtypeStruct((NC, N, D), jnp.float32),
            jax.ShapeDtypeStruct((NC, N, DG), jnp.float32),
        ),
        mesh=mesh,
        compiler_params=pltpu.CompilerParams(use_tc_tiling_on_sc=False),
        scratch_types=[
            pltpu.VMEM_SHARED((N, D), jnp.float32),
            pltpu.VMEM_SHARED((N, DG), jnp.float32),
            pltpu.VMEM((RPTC, D), jnp.float32),
            pltpu.VMEM((RPTC, DG), jnp.float32),
            pltpu.VMEM((C, DG), jnp.float32),
            pltpu.VMEM((C, D), jnp.float32),
            pltpu.VMEM((C, D), jnp.float32),
            pltpu.VMEM((B, C), jnp.int32),
            pltpu.VMEM((B, C), jnp.int32),
            pltpu.VMEM((B, C), jnp.int32),
            pltpu.VMEM((B, C), jnp.int32),
            pltpu.SemaphoreType.DMA,
            pltpu.SemaphoreType.DMA,
            pltpu.SemaphoreType.DMA,
            pltpu.SemaphoreType.DMA,
        ],
    )(h_aug, src, dst)


def _comb_body(p_ref, dp_ref, h_ref, wm_ref, ws_ref, b_ref, out_ref):
    pre = p_ref[0] + p_ref[1]
    deg = jnp.maximum(dp_ref[0, :, 0:1] + dp_ref[1, :, 0:1], 1.0)
    agg = jnp.dot(pre, wm_ref[...], preferred_element_type=jnp.float32) / deg
    o = agg + jnp.dot(h_ref[...], ws_ref[...],
                      preferred_element_type=jnp.float32) + b_ref[...]
    out_ref[...] = jnp.where(o > 0, o, jnp.exp(o) - 1.0)


def _combine(partials, dpartials, h, w_msg, w_self, b_out):
    R = 2000
    return pl.pallas_call(
        _comb_body,
        grid=(N // R,),
        in_specs=[
            pl.BlockSpec((NC, R, D), lambda i: (0, i, 0)),
            pl.BlockSpec((NC, R, DG), lambda i: (0, i, 0)),
            pl.BlockSpec((R, D), lambda i: (i, 0)),
            pl.BlockSpec((L, L), lambda i: (0, 0)),
            pl.BlockSpec((L, L), lambda i: (0, 0)),
            pl.BlockSpec((1, L), lambda i: (0, 0)),
        ],
        out_specs=pl.BlockSpec((R, L), lambda i: (i, 0)),
        out_shape=jax.ShapeDtypeStruct((N, L), jnp.float32),
    )(partials, dpartials, h, w_msg, w_self, b_out.reshape(1, L))


def kernel(x, edge_index, W_enc, b_enc, W_msg, W_self, b_out):
    src = edge_index[0].astype(jnp.int32).reshape(E // C, C)
    dst = edge_index[1].astype(jnp.int32).reshape(E // C, C)
    h = _encode(x, W_enc, b_enc)
    partials, dpartials = _scatter(h, src, dst)
    return _combine(partials, dpartials, h, W_msg, W_self, b_out)

# --- scband reference (transcript-rebuilt; emitter-appended) ---
"""Pipeline reference for scband-graph-encoder-16741782520434 (READ-ONLY COPY).

The authoritative reference and input builder live on the scoring server;
editing this copy changes nothing except your own understanding.
"""

import jax, jax.numpy as jnp
import numpy as np

N = 10000
E = 320000
D = 128   # num_obs * num_history
L = 128   # num_latent


def elu(x):
    return jnp.where(x > 0, x, jnp.expm1(x))


def setup_inputs(seed: int = 0) -> dict:
    key = jax.random.key(seed)
    k1, k2, k3, k4, k5 = jax.random.split(key, 5)
    x = jax.random.normal(k1, (N, D), dtype=jnp.float32)
    edge_index = jax.random.randint(k2, (2, E), 0, N, dtype=jnp.int64)
    # learned parameters (node observation encoder + message-passing weights)
    W_enc = jax.random.normal(k3, (D, L), dtype=jnp.float32) / np.sqrt(D)
    b_enc = jnp.zeros((L,), dtype=jnp.float32)
    W_msg = jax.random.normal(k4, (L, L), dtype=jnp.float32) / np.sqrt(L)
    W_self = jax.random.normal(k5, (L, L), dtype=jnp.float32) / np.sqrt(L)
    b_out = jnp.zeros((L,), dtype=jnp.float32)
    return {"x": x, "edge_index": edge_index, "W_enc": W_enc, "b_enc": b_enc,
            "W_msg": W_msg, "W_self": W_self, "b_out": b_out}


def reference(x, edge_index, W_enc, b_enc, W_msg, W_self, b_out):
    # per-node observation encoding (ParameterDict node slices -> shared encoder)
    h = elu(jnp.dot(x, W_enc) + b_enc)
    src = edge_index[0]
    dst = edge_index[1]
    # gather source-node latents, transform, scatter-add to destination nodes
    msgs = jnp.dot(jnp.take(h, src, axis=0), W_msg)
    agg = jnp.zeros((N, L), dtype=h.dtype).at[dst].add(msgs)
    deg = jnp.zeros((N,), dtype=h.dtype).at[dst].add(1.0)
    agg = agg / jnp.clip(deg, 1.0)[:, None]
    out = elu(agg + jnp.dot(h, W_self) + b_out)
    return out

if __name__ == "__main__":
    import jax
    _d = setup_inputs()
    print(jax.jit(kernel)(*tuple(_d.values())))

</pallas_src>

<mosaic_0001>
#map = affine_map<(d0, d1) -> (0, 0)>
#map1 = affine_map<(d0, d1) -> (0, 0, 0)>
module attributes {stable_mosaic.version = 14 : i64} {
  func.func @_sc_body(%arg0: i32, %arg1: i32, %arg2: memref<10000x128xf32, #tpu.memory_space<hbm>>, %arg3: memref<4000x80xi32, #tpu.memory_space<hbm>>, %arg4: memref<4000x80xi32, #tpu.memory_space<hbm>>, %arg5: memref<2x10000x128xf32, #tpu.memory_space<hbm>>, %arg6: memref<2x10000x16xf32, #tpu.memory_space<hbm>>, %arg7: memref<10000x128xf32, #tpu.memory_space<vmem_shared>>, %arg8: memref<10000x16xf32, #tpu.memory_space<vmem_shared>>, %arg9: memref<25x128xf32, #tpu.memory_space<vmem>>, %arg10: memref<25x16xf32, #tpu.memory_space<vmem>>, %arg11: memref<80x16xf32, #tpu.memory_space<vmem>>, %arg12: memref<80x128xf32, #tpu.memory_space<vmem>>, %arg13: memref<80x128xf32, #tpu.memory_space<vmem>>, %arg14: memref<25x80xi32, #tpu.memory_space<vmem>>, %arg15: memref<25x80xi32, #tpu.memory_space<vmem>>, %arg16: memref<25x80xi32, #tpu.memory_space<vmem>>, %arg17: memref<25x80xi32, #tpu.memory_space<vmem>>, %arg18: memref<!tpu.dma_semaphore, #tpu.memory_space<semaphore_mem>>, %arg19: memref<!tpu.dma_semaphore, #tpu.memory_space<semaphore_mem>>, %arg20: memref<!tpu.dma_semaphore, #tpu.memory_space<semaphore_mem>>, %arg21: memref<!tpu.dma_semaphore, #tpu.memory_space<semaphore_mem>>) attributes {dimension_semantics = [#tpu.dimension_semantics<core_parallel>, #tpu.dimension_semantics<subcore_parallel>], iteration_bounds = array<i64: 2, 16>, scalar_prefetch = 0 : i64, scratch_operands = 15 : i64, tpu.core_type = #tpu.core_type<sc_vector_subcore>, window_params = [{transform_indices = #map}, {transform_indices = #map}, {transform_indices = #map}, {transform_indices = #map1}, {transform_indices = #map1}]} {
    %mul3A = arith.constant 16 : i32
    %mul3A_0 = arith.muli %arg0, %mul3A : i32
    %add3A = arith.addi %mul3A_0, %arg1 : i32
    %iota3A = tpu.iota {dimensions = array<i32: 0>} : vector<16xi32>
    %eq3A = arith.constant 0 : i32
    %eq3A_1 = vector.broadcast %eq3A : i32 to vector<16xi32>
    %eq3A_2 = arith.cmpi eq, %iota3A, %eq3A_1 : vector<16xi32>
    %jit3A = arith.constant 1.000000e+00 : f32
    %jit3A_3 = arith.constant 0.000000e+00 : f32
    %broadcast_in_dim3A = vector.broadcast %jit3A : f32 to vector<16xf32>
    %broadcast_in_dim3A_4 = vector.broadcast %jit3A_3 : f32 to vector<16xf32>
    %select_n3A = arith.select %eq3A_2, %broadcast_in_dim3A, %broadcast_in_dim3A_4 : vector<16xi1>, vector<16xf32>
    %broadcast_in_dim3A_5 = arith.constant 0.000000e+00 : f32
    %broadcast_in_dim3A_6 = vector.broadcast %broadcast_in_dim3A_5 : f32 to vector<16xf32>
    %scan3A = arith.constant 0 : i32
    %scan3A_7 = arith.constant 0 : i32
    %scan3A_8 = arith.constant 80 : i32
    %scan3A_9 = arith.addi %scan3A_7, %scan3A_8 : i32
    %scan3A_10 = arith.constant 1 : i32
    scf.for %scan3A_242 = %scan3A_7 to %scan3A_9 step %scan3A_10  : i32 {
      %swap3A = arith.index_cast %scan3A_242 : i32 to index
      %swap3A_243 = arith.constant 0 : index
      %swap3A_244 = tpu.vector_load %arg11[%swap3A, %swap3A_243] {strides = array<i32>} : memref<80x16xf32, #tpu.memory_space<vmem>>, vector<1x16xf32>,
      %swap3A_245 = vector.shape_cast %swap3A_244 : vector<1x16xf32> to vector<16xf32>
      %swap3A_246 = vector.shape_cast %select_n3A : vector<16xf32> to vector<1x16xf32>
      tpu.vector_store %arg11[%swap3A, %swap3A_243], %swap3A_246 {strides = array<i32>} : memref<80x16xf32, #tpu.memory_space<vmem>>, vector<1x16xf32>,
    }
    %scan3A_11 = arith.constant 80 : i32
    %scan3A_12 = arith.constant 0 : i32
    %scan3A_13 = arith.constant 0 : i32
    %scan3A_14 = arith.constant 25 : i32
    %scan3A_15 = arith.addi %scan3A_13, %scan3A_14 : i32
    %scan3A_16 = arith.constant 1 : i32
    scf.for %scan3A_242 = %scan3A_13 to %scan3A_15 step %scan3A_16  : i32 {
      %swap3A = arith.index_cast %scan3A_242 : i32 to index
      %swap3A_243 = arith.constant 0 : index
      %swap3A_244 = tpu.vector_load %arg9[%swap3A, %swap3A_243] {strides = array<i32>} : memref<25x128xf32, #tpu.memory_space<vmem>>, vector<1x16xf32>,
      %swap3A_245 = vector.shape_cast %swap3A_244 : vector<1x16xf32> to vector<16xf32>
      %swap3A_246 = vector.shape_cast %broadcast_in_dim3A_6 : vector<16xf32> to vector<1x16xf32>
      tpu.vector_store %arg9[%swap3A, %swap3A_243], %swap3A_246 {strides = array<i32>} : memref<25x128xf32, #tpu.memory_space<vmem>>, vector<1x16xf32>,
      %swap3A_247 = arith.index_cast %scan3A_242 : i32 to index
      %swap3A_248 = arith.constant 16 : index
      %swap3A_249 = tpu.vector_load %arg9[%swap3A_247, %swap3A_248] {strides = array<i32>} : memref<25x128xf32, #tpu.memory_space<vmem>>, vector<1x16xf32>,
      %swap3A_250 = vector.shape_cast %swap3A_249 : vector<1x16xf32> to vector<16xf32>
      %swap3A_251 = vector.shape_cast %broadcast_in_dim3A_6 : vector<16xf32> to vector<1x16xf32>
      tpu.vector_store %arg9[%swap3A_247, %swap3A_248], %swap3A_251 {strides = array<i32>} : memref<25x128xf32, #tpu.memory_space<vmem>>, vector<1x16xf32>,
      %swap3A_252 = arith.index_cast %scan3A_242 : i32 to index
      %swap3A_253 = arith.constant 32 : index
      %swap3A_254 = tpu.vector_load %arg9[%swap3A_252, %swap3A_253] {strides = array<i32>} : memref<25x128xf32, #tpu.memory_space<vmem>>, vector<1x16xf32>,
      %swap3A_255 = vector.shape_cast %swap3A_254 : vector<1x16xf32> to vector<16xf32>
      %swap3A_256 = vector.shape_cast %broadcast_in_dim3A_6 : vector<16xf32> to vector<1x16xf32>
      tpu.vector_store %arg9[%swap3A_252, %swap3A_253], %swap3A_256 {strides = array<i32>} : memref<25x128xf32, #tpu.memory_space<vmem>>, vector<1x16xf32>,
      %swap3A_257 = arith.index_cast %scan3A_242 : i32 to index
      %swap3A_258 = arith.constant 48 : index
      %swap3A_259 = tpu.vector_load %arg9[%swap3A_257, %swap3A_258] {strides = array<i32>} : memref<25x128xf32, #tpu.memory_space<vmem>>, vector<1x16xf32>,
      %swap3A_260 = vector.shape_cast %swap3A_259 : vector<1x16xf32> to vector<16xf32>
      %swap3A_261 = vector.shape_cast %broadcast_in_dim3A_6 : vector<16xf32> to vector<1x16xf32>
      tpu.vector_store %arg9[%swap3A_257, %swap3A_258], %swap3A_261 {strides = array<i32>} : memref<25x128xf32, #tpu.memory_space<vmem>>, vector<1x16xf32>,
      %swap3A_262 = arith.index_cast %scan3A_242 : i32 to index
      %swap3A_263 = arith.constant 64 : index
      %swap3A_264 = tpu.vector_load %arg9[%swap3A_262, %swap3A_263] {strides = array<i32>} : memref<25x128xf32, #tpu.memory_space<vmem>>, vector<1x16xf32>,
      %swap3A_265 = vector.shape_cast %swap3A_264 : vector<1x16xf32> to vector<16xf32>
      %swap3A_266 = vector.shape_cast %broadcast_in_dim3A_6 : vector<16xf32> to vector<1x16xf32>
      tpu.vector_store %arg9[%swap3A_262, %swap3A_263], %swap3A_266 {strides = array<i32>} : memref<25x128xf32, #tpu.memory_space<vmem>>, vector<1x16xf32>,
      %swap3A_267 = arith.index_cast %scan3A_242 : i32 to index
      %swap3A_268 = arith.constant 80 : index
      %swap3A_269 = tpu.vector_load %arg9[%swap3A_267, %swap3A_268] {strides = array<i32>} : memref<25x128xf32, #tpu.memory_space<vmem>>, vector<1x16xf32>,
      %swap3A_270 = vector.shape_cast %swap3A_269 : vector<1x16xf32> to vector<16xf32>
      %swap3A_271 = vector.shape_cast %broadcast_in_dim3A_6 : vector<16xf32> to vector<1x16xf32>
      tpu.vector_store %arg9[%swap3A_267, %swap3A_268], %swap3A_271 {strides = array<i32>} : memref<25x128xf32, #tpu.memory_space<vmem>>, vector<1x16xf32>,
      %swap3A_272 = arith.index_cast %scan3A_242 : i32 to index
      %swap3A_273 = arith.constant 96 : index
      %swap3A_274 = tpu.vector_load %arg9[%swap3A_272, %swap3A_273] {strides = array<i32>} : memref<25x128xf32, #tpu.memory_space<vmem>>, vector<1x16xf32>,
      %swap3A_275 = vector.shape_cast %swap3A_274 : vector<1x16xf32> to vector<16xf32>
      %swap3A_276 = vector.shape_cast %broadcast_in_dim3A_6 : vector<16xf32> to vector<1x16xf32>
      tpu.vector_store %arg9[%swap3A_272, %swap3A_273], %swap3A_276 {strides = array<i32>} : memref<25x128xf32, #tpu.memory_space<vmem>>, vector<1x16xf32>,
      %swap3A_277 = arith.index_cast %scan3A_242 : i32 to index
      %swap3A_278 = arith.constant 112 : index
      %swap3A_279 = tpu.vector_load %arg9[%swap3A_277, %swap3A_278] {strides = array<i32>} : memref<25x128xf32, #tpu.memory_space<vmem>>, vector<1x16xf32>,
      %swap3A_280 = vector.shape_cast %swap3A_279 : vector<1x16xf32> to vector<16xf32>
      %swap3A_281 = vector.shape_cast %broadcast_in_dim3A_6 : vector<16xf32> to vector<1x16xf32>
      tpu.vector_store %arg9[%swap3A_277, %swap3A_278], %swap3A_281 {strides = array<i32>} : memref<25x128xf32, #tpu.memory_space<vmem>>, vector<1x16xf32>,
      %swap3A_282 = arith.index_cast %scan3A_242 : i32 to index
      %swap3A_283 = arith.constant 0 : index
      %swap3A_284 = tpu.vector_load %arg10[%swap3A_282, %swap3A_283] {strides = array<i32>} : memref<25x16xf32, #tpu.memory_space<vmem>>, vector<1x16xf32>,
      %swap3A_285 = vector.shape_cast %swap3A_284 : vector<1x16xf32> to vector<16xf32>
      %swap3A_286 = vector.shape_cast %broadcast_in_dim3A_6 : vector<16xf32> to vector<1x16xf32>
      tpu.vector_store %arg10[%swap3A_282, %swap3A_283], %swap3A_286 {strides = array<i32>} : memref<25x16xf32, #tpu.memory_space<vmem>>, vector<1x16xf32>,
    }
    %scan3A_17 = arith.constant 25 : i32
    %mul3A_18 = arith.constant 625 : i32
    %mul3A_19 = arith.muli %arg1, %mul3A_18 : i32
    %scan3A_20 = arith.constant 0 : i32
    %scan3A_21 = arith.constant 0 : i32
    %scan3A_22 = arith.constant 25 : i32
    %scan3A_23 = arith.addi %scan3A_21, %scan3A_22 : i32
    %scan3A_24 = arith.constant 1 : i32
    scf.for %scan3A_242 = %scan3A_21 to %scan3A_23 step %scan3A_24  : i32 {
      %mul3A_243 = arith.constant 25 : i32
      %mul3A_244 = arith.muli %scan3A_242, %mul3A_243 : i32
      %add3A_245 = arith.addi %mul3A_19, %mul3A_244 : i32
      "tpu.region"() ({
        %run_scoped3A_249 = tpu.sem_alloc : memref<!tpu.dma_semaphore, #tpu.memory_space<semaphore_mem>>
        %dma_start3A_250 = arith.constant 0 : i32
        %dma_start3A_251 = tpu.memref_slice %arg7[%add3A_245, %dma_start3A_250] : memref<10000x128xf32, #tpu.memory_space<vmem_shared>> -> memref<25x128xf32, #tpu.memory_space<vmem_shared>>
        %dma_start3A_252 = arith.constant 0 : i32
        %dma_start3A_253 = tpu.memref_slice %arg7[%add3A_245, %dma_start3A_252] : memref<10000x128xf32, #tpu.memory_space<vmem_shared>> -> memref<25x128xf32, #tpu.memory_space<vmem_shared>>
        tpu.enqueue_dma source(%arg9 : memref<25x128xf32, #tpu.memory_space<vmem>>) target(%dma_start3A_253 : memref<25x128xf32, #tpu.memory_space<vmem_shared>>) target_semaphore(%run_scoped3A_249 : memref<!tpu.dma_semaphore, #tpu.memory_space<semaphore_mem>>)
        %dma_wait3A_254 = arith.constant 0 : i32
        %dma_wait3A_255 = tpu.memref_slice %arg7[%add3A_245, %dma_wait3A_254] : memref<10000x128xf32, #tpu.memory_space<vmem_shared>> -> memref<25x128xf32, #tpu.memory_space<vmem_shared>>
        %dma_wait3A_256 = arith.constant 0 : i32
        %dma_wait3A_257 = tpu.memref_slice %arg7[%add3A_245, %dma_wait3A_256] : memref<10000x128xf32, #tpu.memory_space<vmem_shared>> -> memref<25x128xf32, #tpu.memory_space<vmem_shared>>
        tpu.wait_dma2 semaphore(%run_scoped3A_249 : memref<!tpu.dma_semaphore, #tpu.memory_space<semaphore_mem>>) src(%arg9 : memref<25x128xf32, #tpu.memory_space<vmem>>) dst(%dma_wait3A_257 : memref<25x128xf32, #tpu.memory_space<vmem_shared>>)
        tpu.yield
      }) : () -> ()
      %mul3A_246 = arith.constant 25 : i32
      %mul3A_247 = arith.muli %scan3A_242, %mul3A_246 : i32
      %add3A_248 = arith.addi %mul3A_19, %mul3A_247 : i32
      "tpu.region"() ({
        %run_scoped3A_249 = tpu.sem_alloc : memref<!tpu.dma_semaphore, #tpu.memory_space<semaphore_mem>>
        %dma_start3A_250 = arith.constant 0 : i32
        %dma_start3A_251 = tpu.memref_slice %arg8[%add3A_248, %dma_start3A_250] : memref<10000x16xf32, #tpu.memory_space<vmem_shared>> -> memref<25x16xf32, #tpu.memory_space<vmem_shared>>
        %dma_start3A_252 = arith.constant 0 : i32
        %dma_start3A_253 = tpu.memref_slice %arg8[%add3A_248, %dma_start3A_252] : memref<10000x16xf32, #tpu.memory_space<vmem_shared>> -> memref<25x16xf32, #tpu.memory_space<vmem_shared>>
        tpu.enqueue_dma source(%arg10 : memref<25x16xf32, #tpu.memory_space<vmem>>) target(%dma_start3A_253 : memref<25x16xf32, #tpu.memory_space<vmem_shared>>) target_semaphore(%run_scoped3A_249 : memref<!tpu.dma_semaphore, #tpu.memory_space<semaphore_mem>>)
        %dma_wait3A_254 = arith.constant 0 : i32
        %dma_wait3A_255 = tpu.memref_slice %arg8[%add3A_248, %dma_wait3A_254] : memref<10000x16xf32, #tpu.memory_space<vmem_shared>> -> memref<25x16xf32, #tpu.memory_space<vmem_shared>>
        %dma_wait3A_256 = arith.constant 0 : i32
        %dma_wait3A_257 = tpu.memref_slice %arg8[%add3A_248, %dma_wait3A_256] : memref<10000x16xf32, #tpu.memory_space<vmem_shared>> -> memref<25x16xf32, #tpu.memory_space<vmem_shared>>
        tpu.wait_dma2 semaphore(%run_scoped3A_249 : memref<!tpu.dma_semaphore, #tpu.memory_space<semaphore_mem>>) src(%arg10 : memref<25x16xf32, #tpu.memory_space<vmem>>) dst(%dma_wait3A_257 : memref<25x16xf32, #tpu.memory_space<vmem_shared>>)
        tpu.yield
      }) : () -> ()
    }
    %scan3A_25 = arith.constant 25 : i32
    %barrier3A = arith.constant 0 : index
    tpu.barrier barrier_id(%barrier3A)
    %mul3A_26 = arith.constant 125 : i32
    %mul3A_27 = arith.muli %add3A, %mul3A_26 : i32
    %add3A_28 = arith.constant 0 : i32
    %add3A_29 = arith.addi %mul3A_27, %add3A_28 : i32
    %dma_start3A = arith.constant 0 : i32
    %dma_start3A_30 = tpu.memref_slice %arg3[%add3A_29, %dma_start3A] : memref<4000x80xi32, #tpu.memory_space<hbm>> -> memref<25x80xi32, #tpu.memory_space<hbm>>
    %dma_start3A_31 = arith.constant 0 : i32
    %dma_start3A_32 = tpu.memref_slice %arg3[%add3A_29, %dma_start3A_31] : memref<4000x80xi32, #tpu.memory_space<hbm>> -> memref<25x80xi32, #tpu.memory_space<hbm>>
    tpu.enqueue_dma source(%dma_start3A_32 : memref<25x80xi32, #tpu.memory_space<hbm>>) target(%arg14 : memref<25x80xi32, #tpu.memory_space<vmem>>) target_semaphore(%arg20 : memref<!tpu.dma_semaphore, #tpu.memory_space<semaphore_mem>>)
    %dma_start3A_33 = arith.constant 0 : i32
    %dma_start3A_34 = tpu.memref_slice %arg4[%add3A_29, %dma_start3A_33] : memref<4000x80xi32, #tpu.memory_space<hbm>> -> memref<25x80xi32, #tpu.memory_space<hbm>>
    %dma_start3A_35 = arith.constant 0 : i32
    %dma_start3A_36 = tpu.memref_slice %arg4[%add3A_29, %dma_start3A_35] : memref<4000x80xi32, #tpu.memory_space<hbm>> -> memref<25x80xi32, #tpu.memory_space<hbm>>
    tpu.enqueue_dma source(%dma_start3A_36 : memref<25x80xi32, #tpu.memory_space<hbm>>) target(%arg15 : memref<25x80xi32, #tpu.memory_space<vmem>>) target_semaphore(%arg20 : memref<!tpu.dma_semaphore, #tpu.memory_space<semaphore_mem>>)
    %add3A_37 = arith.constant 0 : i32
    %add3A_38 = arith.addi %mul3A_27, %add3A_37 : i32
    %dma_wait3A = arith.constant 0 : i32
    %dma_wait3A_39 = tpu.memref_slice %arg3[%add3A_38, %dma_wait3A] : memref<4000x80xi32, #tpu.memory_space<hbm>> -> memref<25x80xi32, #tpu.memory_space<hbm>>
    %dma_wait3A_40 = arith.constant 0 : i32
    %dma_wait3A_41 = tpu.memref_slice %arg3[%add3A_38, %dma_wait3A_40] : memref<4000x80xi32, #tpu.memory_space<hbm>> -> memref<25x80xi32, #tpu.memory_space<hbm>>
    tpu.wait_dma2 semaphore(%arg20 : memref<!tpu.dma_semaphore, #tpu.memory_space<semaphore_mem>>) src(%dma_wait3A_41 : memref<25x80xi32, #tpu.memory_space<hbm>>) dst(%arg14 : memref<25x80xi32, #tpu.memory_space<vmem>>)
    %dma_wait3A_42 = arith.constant 0 : i32
    %dma_wait3A_43 = tpu.memref_slice %arg4[%add3A_38, %dma_wait3A_42] : memref<4000x80xi32, #tpu.memory_space<hbm>> -> memref<25x80xi32, #tpu.memory_space<hbm>>
    %dma_wait3A_44 = arith.constant 0 : i32
    %dma_wait3A_45 = tpu.memref_slice %arg4[%add3A_38, %dma_wait3A_44] : memref<4000x80xi32, #tpu.memory_space<hbm>> -> memref<25x80xi32, #tpu.memory_space<hbm>>
    tpu.wait_dma2 semaphore(%arg20 : memref<!tpu.dma_semaphore, #tpu.memory_space<semaphore_mem>>) src(%dma_wait3A_45 : memref<25x80xi32, #tpu.memory_space<hbm>>) dst(%arg15 : memref<25x80xi32, #tpu.memory_space<vmem>>)
    %add3A_46 = arith.constant 25 : i32
    %add3A_47 = arith.addi %mul3A_27, %add3A_46 : i32
    %dma_start3A_48 = arith.constant 0 : i32
    %dma_start3A_49 = tpu.memref_slice %arg3[%add3A_47, %dma_start3A_48] : memref<4000x80xi32, #tpu.memory_space<hbm>> -> memref<25x80xi32, #tpu.memory_space<hbm>>
    %dma_start3A_50 = arith.constant 0 : i32
    %dma_start3A_51 = tpu.memref_slice %arg3[%add3A_47, %dma_start3A_50] : memref<4000x80xi32, #tpu.memory_space<hbm>> -> memref<25x80xi32, #tpu.memory_space<hbm>>
    tpu.enqueue_dma source(%dma_start3A_51 : memref<25x80xi32, #tpu.memory_space<hbm>>) target(%arg16 : memref<25x80xi32, #tpu.memory_space<vmem>>) target_semaphore(%arg21 : memref<!tpu.dma_semaphore, #tpu.memory_space<semaphore_mem>>)
    %dma_start3A_52 = arith.constant 0 : i32
    %dma_start3A_53 = tpu.memref_slice %arg4[%add3A_47, %dma_start3A_52] : memref<4000x80xi32, #tpu.memory_space<hbm>> -> memref<25x80xi32, #tpu.memory_space<hbm>>
    %dma_start3A_54 = arith.constant 0 : i32
    %dma_start3A_55 = tpu.memref_slice %arg4[%add3A_47, %dma_start3A_54] : memref<4000x80xi32, #tpu.memory_space<hbm>> -> memref<25x80xi32, #tpu.memory_space<hbm>>
    tpu.enqueue_dma source(%dma_start3A_55 : memref<25x80xi32, #tpu.memory_space<hbm>>) target(%arg17 : memref<25x80xi32, #tpu.memory_space<vmem>>) target_semaphore(%arg21 : memref<!tpu.dma_semaphore, #tpu.memory_space<semaphore_mem>>)
    %dma_start3A_56 = arith.constant 0 : i32
    %dma_start3A_57 = arith.constant 0 : i32
    %dma_start3A_58 = tpu.memref_slice %arg14[%dma_start3A_56, %dma_start3A_57] : memref<25x80xi32, #tpu.memory_space<vmem>> -> memref<1x80xi32, #tpu.memory_space<vmem>>
    %dma_start3A_59 = tpu.memref_squeeze %dma_start3A_58 : memref<1x80xi32, #tpu.memory_space<vmem>> -> memref<80xi32, #tpu.memory_space<vmem>>
    %dma_start3A_60 = arith.constant 0 : i32
    %dma_start3A_61 = arith.constant 0 : i32
    %dma_start3A_62 = tpu.memref_slice %arg2[%dma_start3A_60, %dma_start3A_61] : memref<10000x128xf32, #tpu.memory_space<hbm>> -> memref<10000x128xf32, #tpu.memory_space<hbm>>
    tpu.enqueue_indirect_dma source(%dma_start3A_62 : memref<10000x128xf32, #tpu.memory_space<hbm>>) target(%arg12 : memref<80x128xf32, #tpu.memory_space<vmem>>) offsets(%dma_start3A_59 : memref<80xi32, #tpu.memory_space<vmem>>) semaphore(%arg18 : memref<!tpu.dma_semaphore, #tpu.memory_space<semaphore_mem>>)
    %scan3A_63 = arith.constant 0 : i32
    %scan3A_64 = arith.constant 0 : i32
    %scan3A_65 = arith.constant 12 : i32
    %scan3A_66 = arith.addi %scan3A_64, %scan3A_65 : i32
    %scan3A_67 = arith.constant 1 : i32
    scf.for %scan3A_242 = %scan3A_64 to %scan3A_66 step %scan3A_67  : i32 {
      %mul3A_243 = arith.constant 2 : i32
      %mul3A_244 = arith.muli %scan3A_242, %mul3A_243 : i32
      %add3A_245 = arith.constant 1 : i32
      %add3A_246 = arith.addi %mul3A_244, %add3A_245 : i32
      %dma_start3A_247 = arith.constant 0 : i32
      %dma_start3A_248 = tpu.memref_slice %arg14[%add3A_246, %dma_start3A_247] : memref<25x80xi32, #tpu.memory_space<vmem>> -> memref<1x80xi32, #tpu.memory_space<vmem>>
      %dma_start3A_249 = tpu.memref_squeeze %dma_start3A_248 : memref<1x80xi32, #tpu.memory_space<vmem>> -> memref<80xi32, #tpu.memory_space<vmem>>
      %dma_start3A_250 = arith.constant 0 : i32
      %dma_start3A_251 = arith.constant 0 : i32
      %dma_start3A_252 = tpu.memref_slice %arg2[%dma_start3A_250, %dma_start3A_251] : memref<10000x128xf32, #tpu.memory_space<hbm>> -> memref<10000x128xf32, #tpu.memory_space<hbm>>
      tpu.enqueue_indirect_dma source(%dma_start3A_252 : memref<10000x128xf32, #tpu.memory_space<hbm>>) target(%arg13 : memref<80x128xf32, #tpu.memory_space<vmem>>) offsets(%dma_start3A_249 : memref<80xi32, #tpu.memory_space<vmem>>) semaphore(%arg19 : memref<!tpu.dma_semaphore, #tpu.memory_space<semaphore_mem>>)
      %dma_wait3A_253 = arith.constant 0 : i32
      %dma_wait3A_254 = tpu.memref_slice %arg14[%mul3A_244, %dma_wait3A_253] : memref<25x80xi32, #tpu.memory_space<vmem>> -> memref<1x80xi32, #tpu.memory_space<vmem>>
      %dma_wait3A_255 = tpu.memref_squeeze %dma_wait3A_254 : memref<1x80xi32, #tpu.memory_space<vmem>> -> memref<80xi32, #tpu.memory_space<vmem>>
      %dma_wait3A_256 = arith.constant 0 : i32
      %dma_wait3A_257 = arith.constant 0 : i32
      %dma_wait3A_258 = tpu.memref_slice %arg2[%dma_wait3A_256, %dma_wait3A_257] : memref<10000x128xf32, #tpu.memory_space<hbm>> -> memref<10000x128xf32, #tpu.memory_space<hbm>>
      tpu.wait_indirect_dma semaphore(%arg18 : memref<!tpu.dma_semaphore, #tpu.memory_space<semaphore_mem>>) src(%dma_wait3A_258 : memref<10000x128xf32, #tpu.memory_space<hbm>>) dst(%arg12 : memref<80x128xf32, #tpu.memory_space<vmem>>)
      "tpu.region"() ({
        %run_scoped3A_275 = tpu.sem_alloc : memref<!tpu.dma_semaphore, #tpu.memory_space<semaphore_mem>>
        %dma_start3A_276 = arith.constant 0 : i32
        %dma_start3A_277 = tpu.memref_slice %arg15[%mul3A_244, %dma_start3A_276] : memref<25x80xi32, #tpu.memory_space<vmem>> -> memref<1x80xi32, #tpu.memory_space<vmem>>
        %dma_start3A_278 = tpu.memref_squeeze %dma_start3A_277 : memref<1x80xi32, #tpu.memory_space<vmem>> -> memref<80xi32, #tpu.memory_space<vmem>>
        %dma_start3A_279 = arith.constant 0 : i32
        %dma_start3A_280 = arith.constant 0 : i32
        %dma_start3A_281 = tpu.memref_slice %arg7[%dma_start3A_279, %dma_start3A_280] : memref<10000x128xf32, #tpu.memory_space<vmem_shared>> -> memref<10000x128xf32, #tpu.memory_space<vmem_shared>>
        tpu.enqueue_indirect_dma source(%arg12 : memref<80x128xf32, #tpu.memory_space<vmem>>) target(%dma_start3A_281 : memref<10000x128xf32, #tpu.memory_space<vmem_shared>>) offsets(%dma_start3A_278 : memref<80xi32, #tpu.memory_space<vmem>>) semaphore(%run_scoped3A_275 : memref<!tpu.dma_semaphore, #tpu.memory_space<semaphore_mem>>) {add = true}
        %dma_wait3A_282 = arith.constant 0 : i32
        %dma_wait3A_283 = tpu.memref_slice %arg15[%mul3A_244, %dma_wait3A_282] : memref<25x80xi32, #tpu.memory_space<vmem>> -> memref<1x80xi32, #tpu.memory_space<vmem>>
        %dma_wait3A_284 = tpu.memref_squeeze %dma_wait3A_283 : memref<1x80xi32, #tpu.memory_space<vmem>> -> memref<80xi32, #tpu.memory_space<vmem>>
        %dma_wait3A_285 = arith.constant 0 : i32
        %dma_wait3A_286 = arith.constant 0 : i32
        %dma_wait3A_287 = tpu.memref_slice %arg7[%dma_wait3A_285, %dma_wait3A_286] : memref<10000x128xf32, #tpu.memory_space<vmem_shared>> -> memref<10000x128xf32, #tpu.memory_space<vmem_shared>>
        tpu.wait_indirect_dma semaphore(%run_scoped3A_275 : memref<!tpu.dma_semaphore, #tpu.memory_space<semaphore_mem>>) src(%arg12 : memref<80x128xf32, #tpu.memory_space<vmem>>) dst(%dma_wait3A_287 : memref<10000x128xf32, #tpu.memory_space<vmem_shared>>)
        tpu.yield
      }) : () -> ()
      "tpu.region"() ({
        %run_scoped3A_275 = tpu.sem_alloc : memref<!tpu.dma_semaphore, #tpu.memory_space<semaphore_mem>>
        %dma_start3A_276 = arith.constant 0 : i32
        %dma_start3A_277 = tpu.memref_slice %arg15[%mul3A_244, %dma_start3A_276] : memref<25x80xi32, #tpu.memory_space<vmem>> -> memref<1x80xi32, #tpu.memory_space<vmem>>
        %dma_start3A_278 = tpu.memref_squeeze %dma_start3A_277 : memref<1x80xi32, #tpu.memory_space<vmem>> -> memref<80xi32, #tpu.memory_space<vmem>>
        %dma_start3A_279 = arith.constant 0 : i32
        %dma_start3A_280 = arith.constant 0 : i32
        %dma_start3A_281 = tpu.memref_slice %arg8[%dma_start3A_279, %dma_start3A_280] : memref<10000x16xf32, #tpu.memory_space<vmem_shared>> -> memref<10000x16xf32, #tpu.memory_space<vmem_shared>>
        tpu.enqueue_indirect_dma source(%arg11 : memref<80x16xf32, #tpu.memory_space<vmem>>) target(%dma_start3A_281 : memref<10000x16xf32, #tpu.memory_space<vmem_shared>>) offsets(%dma_start3A_278 : memref<80xi32, #tpu.memory_space<vmem>>) semaphore(%run_scoped3A_275 : memref<!tpu.dma_semaphore, #tpu.memory_space<semaphore_mem>>) {add = true}
        %dma_wait3A_282 = arith.constant 0 : i32
        %dma_wait3A_283 = tpu.memref_slice %arg15[%mul3A_244, %dma_wait3A_282] : memref<25x80xi32, #tpu.memory_space<vmem>> -> memref<1x80xi32, #tpu.memory_space<vmem>>
        %dma_wait3A_284 = tpu.memref_squeeze %dma_wait3A_283 : memref<1x80xi32, #tpu.memory_space<vmem>> -> memref<80xi32, #tpu.memory_space<vmem>>
        %dma_wait3A_285 = arith.constant 0 : i32
        %dma_wait3A_286 = arith.constant 0 : i32
        %dma_wait3A_287 = tpu.memref_slice %arg8[%dma_wait3A_285, %dma_wait3A_286] : memref<10000x16xf32, #tpu.memory_space<vmem_shared>> -> memref<10000x16xf32, #tpu.memory_space<vmem_shared>>
        tpu.wait_indirect_dma semaphore(%run_scoped3A_275 : memref<!tpu.dma_semaphore, #tpu.memory_space<semaphore_mem>>) src(%arg11 : memref<80x16xf32, #tpu.memory_space<vmem>>) dst(%dma_wait3A_287 : memref<10000x16xf32, #tpu.memory_space<vmem_shared>>)
        tpu.yield
      }) : () -> ()
      %add3A_259 = arith.constant 2 : i32
      %add3A_260 = arith.addi %mul3A_244, %add3A_259 : i32
      %dma_start3A_261 = arith.constant 0 : i32
      %dma_start3A_262 = tpu.memref_slice %arg14[%add3A_260, %dma_start3A_261] : memref<25x80xi32, #tpu.memory_space<vmem>> -> memref<1x80xi32, #tpu.memory_space<vmem>>
      %dma_start3A_263 = tpu.memref_squeeze %dma_start3A_262 : memref<1x80xi32, #tpu.memory_space<vmem>> -> memref<80xi32, #tpu.memory_space<vmem>>
      %dma_start3A_264 = arith.constant 0 : i32
      %dma_start3A_265 = arith.constant 0 : i32
      %dma_start3A_266 = tpu.memref_slice %arg2[%dma_start3A_264, %dma_start3A_265] : memref<10000x128xf32, #tpu.memory_space<hbm>> -> memref<10000x128xf32, #tpu.memory_space<hbm>>
      tpu.enqueue_indirect_dma source(%dma_start3A_266 : memref<10000x128xf32, #tpu.memory_space<hbm>>) target(%arg12 : memref<80x128xf32, #tpu.memory_space<vmem>>) offsets(%dma_start3A_263 : memref<80xi32, #tpu.memory_space<vmem>>) semaphore(%arg18 : memref<!tpu.dma_semaphore, #tpu.memory_space<semaphore_mem>>)
      %add3A_267 = arith.constant 1 : i32
      %add3A_268 = arith.addi %mul3A_244, %add3A_267 : i32
      %dma_wait3A_269 = arith.constant 0 : i32
      %dma_wait3A_270 = tpu.memref_slice %arg14[%add3A_268, %dma_wait3A_269] : memref<25x80xi32, #tpu.memory_space<vmem>> -> memref<1x80xi32, #tpu.memory_space<vmem>>
      %dma_wait3A_271 = tpu.memref_squeeze %dma_wait3A_270 : memref<1x80xi32, #tpu.memory_space<vmem>> -> memref<80xi32, #tpu.memory_space<vmem>>
      %dma_wait3A_272 = arith.constant 0 : i32
      %dma_wait3A_273 = arith.constant 0 : i32
      %dma_wait3A_274 = tpu.memref_slice %arg2[%dma_wait3A_272, %dma_wait3A_273] : memref<10000x128xf32, #tpu.memory_space<hbm>> -> memref<10000x128xf32, #tpu.memory_space<hbm>>
      tpu.wait_indirect_dma semaphore(%arg19 : memref<!tpu.dma_semaphore, #tpu.memory_space<semaphore_mem>>) src(%dma_wait3A_274 : memref<10000x128xf32, #tpu.memory_space<hbm>>) dst(%arg13 : memref<80x128xf32, #tpu.memory_space<vmem>>)
      "tpu.region"() ({
        %run_scoped3A_275 = tpu.sem_alloc : memref<!tpu.dma_semaphore, #tpu.memory_space<semaphore_mem>>
        %dma_start3A_276 = arith.constant 0 : i32
        %dma_start3A_277 = tpu.memref_slice %arg15[%add3A_268, %dma_start3A_276] : memref<25x80xi32, #tpu.memory_space<vmem>> -> memref<1x80xi32, #tpu.memory_space<vmem>>
        %dma_start3A_278 = tpu.memref_squeeze %dma_start3A_277 : memref<1x80xi32, #tpu.memory_space<vmem>> -> memref<80xi32, #tpu.memory_space<vmem>>
        %dma_start3A_279 = arith.constant 0 : i32
        %dma_start3A_280 = arith.constant 0 : i32
        %dma_start3A_281 = tpu.memref_slice %arg7[%dma_start3A_279, %dma_start3A_280] : memref<10000x128xf32, #tpu.memory_space<vmem_shared>> -> memref<10000x128xf32, #tpu.memory_space<vmem_shared>>
        tpu.enqueue_indirect_dma source(%arg13 : memref<80x128xf32, #tpu.memory_space<vmem>>) target(%dma_start3A_281 : memref<10000x128xf32, #tpu.memory_space<vmem_shared>>) offsets(%dma_start3A_278 : memref<80xi32, #tpu.memory_space<vmem>>) semaphore(%run_scoped3A_275 : memref<!tpu.dma_semaphore, #tpu.memory_space<semaphore_mem>>) {add = true}
        %dma_wait3A_282 = arith.constant 0 : i32
        %dma_wait3A_283 = tpu.memref_slice %arg15[%add3A_268, %dma_wait3A_282] : memref<25x80xi32, #tpu.memory_space<vmem>> -> memref<1x80xi32, #tpu.memory_space<vmem>>
        %dma_wait3A_284 = tpu.memref_squeeze %dma_wait3A_283 : memref<1x80xi32, #tpu.memory_space<vmem>> -> memref<80xi32, #tpu.memory_space<vmem>>
        %dma_wait3A_285 = arith.constant 0 : i32
        %dma_wait3A_286 = arith.constant 0 : i32
        %dma_wait3A_287 = tpu.memref_slice %arg7[%dma_wait3A_285, %dma_wait3A_286] : memref<10000x128xf32, #tpu.memory_space<vmem_shared>> -> memref<10000x128xf32, #tpu.memory_space<vmem_shared>>
        tpu.wait_indirect_dma semaphore(%run_scoped3A_275 : memref<!tpu.dma_semaphore, #tpu.memory_space<semaphore_mem>>) src(%arg13 : memref<80x128xf32, #tpu.memory_space<vmem>>) dst(%dma_wait3A_287 : memref<10000x128xf32, #tpu.memory_space<vmem_shared>>)
        tpu.yield
      }) : () -> ()
      "tpu.region"() ({
        %run_scoped3A_275 = tpu.sem_alloc : memref<!tpu.dma_semaphore, #tpu.memory_space<semaphore_mem>>
        %dma_start3A_276 = arith.constant 0 : i32
        %dma_start3A_277 = tpu.memref_slice %arg15[%add3A_268, %dma_start3A_276] : memref<25x80xi32, #tpu.memory_space<vmem>> -> memref<1x80xi32, #tpu.memory_space<vmem>>
        %dma_start3A_278 = tpu.memref_squeeze %dma_start3A_277 : memref<1x80xi32, #tpu.memory_space<vmem>> -> memref<80xi32, #tpu.memory_space<vmem>>
        %dma_start3A_279 = arith.constant 0 : i32
        %dma_start3A_280 = arith.constant 0 : i32
        %dma_start3A_281 = tpu.memref_slice %arg8[%dma_start3A_279, %dma_start3A_280] : memref<10000x16xf32, #tpu.memory_space<vmem_shared>> -> memref<10000x16xf32, #tpu.memory_space<vmem_shared>>
        tpu.enqueue_indirect_dma source(%arg11 : memref<80x16xf32, #tpu.memory_space<vmem>>) target(%dma_start3A_281 : memref<10000x16xf32, #tpu.memory_space<vmem_shared>>) offsets(%dma_start3A_278 : memref<80xi32, #tpu.memory_space<vmem>>) semaphore(%run_scoped3A_275 : memref<!tpu.dma_semaphore, #tpu.memory_space<semaphore_mem>>) {add = true}
        %dma_wait3A_282 = arith.constant 0 : i32
        %dma_wait3A_283 = tpu.memref_slice %arg15[%add3A_268, %dma_wait3A_282] : memref<25x80xi32, #tpu.memory_space<vmem>> -> memref<1x80xi32, #tpu.memory_space<vmem>>
        %dma_wait3A_284 = tpu.memref_squeeze %dma_wait3A_283 : memref<1x80xi32, #tpu.memory_space<vmem>> -> memref<80xi32, #tpu.memory_space<vmem>>
        %dma_wait3A_285 = arith.constant 0 : i32
        %dma_wait3A_286 = arith.constant 0 : i32
        %dma_wait3A_287 = tpu.memref_slice %arg8[%dma_wait3A_285, %dma_wait3A_286] : memref<10000x16xf32, #tpu.memory_space<vmem_shared>> -> memref<10000x16xf32, #tpu.memory_space<vmem_shared>>
        tpu.wait_indirect_dma semaphore(%run_scoped3A_275 : memref<!tpu.dma_semaphore, #tpu.memory_space<semaphore_mem>>) src(%arg11 : memref<80x16xf32, #tpu.memory_space<vmem>>) dst(%dma_wait3A_287 : memref<10000x16xf32, #tpu.memory_space<vmem_shared>>)
        tpu.yield
      }) : () -> ()
    }
    %scan3A_68 = arith.constant 12 : i32
    %add3A_69 = arith.constant 25 : i32
    %add3A_70 = arith.addi %mul3A_27, %add3A_69 : i32
    %dma_wait3A_71 = arith.constant 0 : i32
    %dma_wait3A_72 = tpu.memref_slice %arg3[%add3A_70, %dma_wait3A_71] : memref<4000x80xi32, #tpu.memory_space<hbm>> -> memref<25x80xi32, #tpu.memory_space<hbm>>
    %dma_wait3A_73 = arith.constant 0 : i32
    %dma_wait3A_74 = tpu.memref_slice %arg3[%add3A_70, %dma_wait3A_73] : memref<4000x80xi32, #tpu.memory_space<hbm>> -> memref<25x80xi32, #tpu.memory_space<hbm>>
    tpu.wait_dma2 semaphore(%arg21 : memref<!tpu.dma_semaphore, #tpu.memory_space<semaphore_mem>>) src(%dma_wait3A_74 : memref<25x80xi32, #tpu.memory_space<hbm>>) dst(%arg16 : memref<25x80xi32, #tpu.memory_space<vmem>>)
    %dma_wait3A_75 = arith.constant 0 : i32
    %dma_wait3A_76 = tpu.memref_slice %arg4[%add3A_70, %dma_wait3A_75] : memref<4000x80xi32, #tpu.memory_space<hbm>> -> memref<25x80xi32, #tpu.memory_space<hbm>>
    %dma_wait3A_77 = arith.constant 0 : i32
    %dma_wait3A_78 = tpu.memref_slice %arg4[%add3A_70, %dma_wait3A_77] : memref<4000x80xi32, #tpu.memory_space<hbm>> -> memref<25x80xi32, #tpu.memory_space<hbm>>
    tpu.wait_dma2 semaphore(%arg21 : memref<!tpu.dma_semaphore, #tpu.memory_space<semaphore_mem>>) src(%dma_wait3A_78 : memref<25x80xi32, #tpu.memory_space<hbm>>) dst(%arg17 : memref<25x80xi32, #tpu.memory_space<vmem>>)
    %dma_start3A_79 = arith.constant 0 : i32
    %dma_start3A_80 = arith.constant 0 : i32
    %dma_start3A_81 = tpu.memref_slice %arg16[%dma_start3A_79, %dma_start3A_80] : memref<25x80xi32, #tpu.memory_space<vmem>> -> memref<1x80xi32, #tpu.memory_space<vmem>>
    %dma_start3A_82 = tpu.memref_squeeze %dma_start3A_81 : memref<1x80xi32, #tpu.memory_space<vmem>> -> memref<80xi32, #tpu.memory_space<vmem>>
    %dma_start3A_83 = arith.constant 0 : i32
    %dma_start3A_84 = arith.constant 0 : i32
    %dma_start3A_85 = tpu.memref_slice %arg2[%dma_start3A_83, %dma_start3A_84] : memref<10000x128xf32, #tpu.memory_space<hbm>> -> memref<10000x128xf32, #tpu.memory_space<hbm>>
    tpu.enqueue_indirect_dma source(%dma_start3A_85 : memref<10000x128xf32, #tpu.memory_space<hbm>>) target(%arg13 : memref<80x128xf32, #tpu.memory_space<vmem>>) offsets(%dma_start3A_82 : memref<80xi32, #tpu.memory_space<vmem>>) semaphore(%arg19 : memref<!tpu.dma_semaphore, #tpu.memory_space<semaphore_mem>>)
    %dma_wait3A_86 = arith.constant 24 : i32
    %dma_wait3A_87 = arith.constant 0 : i32
    %dma_wait3A_88 = tpu.memref_slice %arg14[%dma_wait3A_86, %dma_wait3A_87] : memref<25x80xi32, #tpu.memory_space<vmem>> -> memref<1x80xi32, #tpu.memory_space<vmem>>
    %dma_wait3A_89 = tpu.memref_squeeze %dma_wait3A_88 : memref<1x80xi32, #tpu.memory_space<vmem>> -> memref<80xi32, #tpu.memory_space<vmem>>
    %dma_wait3A_90 = arith.constant 0 : i32
    %dma_wait3A_91 = arith.constant 0 : i32
    %dma_wait3A_92 = tpu.memref_slice %arg2[%dma_wait3A_90, %dma_wait3A_91] : memref<10000x128xf32, #tpu.memory_space<hbm>> -> memref<10000x128xf32, #tpu.memory_space<hbm>>
    tpu.wait_indirect_dma semaphore(%arg18 : memref<!tpu.dma_semaphore, #tpu.memory_space<semaphore_mem>>) src(%dma_wait3A_92 : memref<10000x128xf32, #tpu.memory_space<hbm>>) dst(%arg12 : memref<80x128xf32, #tpu.memory_space<vmem>>)
    %run_scoped3A = arith.constant 24 : i32
    "tpu.region"() ({
      %run_scoped3A_242 = tpu.sem_alloc : memref<!tpu.dma_semaphore, #tpu.memory_space<semaphore_mem>>
      %dma_start3A_243 = arith.constant 0 : i32
      %dma_start3A_244 = tpu.memref_slice %arg15[%run_scoped3A, %dma_start3A_243] : memref<25x80xi32, #tpu.memory_space<vmem>> -> memref<1x80xi32, #tpu.memory_space<vmem>>
      %dma_start3A_245 = tpu.memref_squeeze %dma_start3A_244 : memref<1x80xi32, #tpu.memory_space<vmem>> -> memref<80xi32, #tpu.memory_space<vmem>>
      %dma_start3A_246 = arith.constant 0 : i32
      %dma_start3A_247 = arith.constant 0 : i32
      %dma_start3A_248 = tpu.memref_slice %arg7[%dma_start3A_246, %dma_start3A_247] : memref<10000x128xf32, #tpu.memory_space<vmem_shared>> -> memref<10000x128xf32, #tpu.memory_space<vmem_shared>>
      tpu.enqueue_indirect_dma source(%arg12 : memref<80x128xf32, #tpu.memory_space<vmem>>) target(%dma_start3A_248 : memref<10000x128xf32, #tpu.memory_space<vmem_shared>>) offsets(%dma_start3A_245 : memref<80xi32, #tpu.memory_space<vmem>>) semaphore(%run_scoped3A_242 : memref<!tpu.dma_semaphore, #tpu.memory_space<semaphore_mem>>) {add = true}
      %dma_wait3A_249 = arith.constant 0 : i32
      %dma_wait3A_250 = tpu.memref_slice %arg15[%run_scoped3A, %dma_wait3A_249] : memref<25x80xi32, #tpu.memory_space<vmem>> -> memref<1x80xi32, #tpu.memory_space<vmem>>
      %dma_wait3A_251 = tpu.memref_squeeze %dma_wait3A_250 : memref<1x80xi32, #tpu.memory_space<vmem>> -> memref<80xi32, #tpu.memory_space<vmem>>
      %dma_wait3A_252 = arith.constant 0 : i32
      %dma_wait3A_253 = arith.constant 0 : i32
      %dma_wait3A_254 = tpu.memref_slice %arg7[%dma_wait3A_252, %dma_wait3A_253] : memref<10000x128xf32, #tpu.memory_space<vmem_shared>> -> memref<10000x128xf32, #tpu.memory_space<vmem_shared>>
      tpu.wait_indirect_dma semaphore(%run_scoped3A_242 : memref<!tpu.dma_semaphore, #tpu.memory_space<semaphore_mem>>) src(%arg12 : memref<80x128xf32, #tpu.memory_space<vmem>>) dst(%dma_wait3A_254 : memref<10000x128xf32, #tpu.memory_space<vmem_shared>>)
      tpu.yield
    }) : () -> ()
    %run_scoped3A_93 = arith.constant 24 : i32
    "tpu.region"() ({
      %run_scoped3A_242 = tpu.sem_alloc : memref<!tpu.dma_semaphore, #tpu.memory_space<semaphore_mem>>
      %dma_start3A_243 = arith.constant 0 : i32
      %dma_start3A_244 = tpu.memref_slice %arg15[%run_scoped3A_93, %dma_start3A_243] : memref<25x80xi32, #tpu.memory_space<vmem>> -> memref<1x80xi32, #tpu.memory_space<vmem>>
      %dma_start3A_245 = tpu.memref_squeeze %dma_start3A_244 : memref<1x80xi32, #tpu.memory_space<vmem>> -> memref<80xi32, #tpu.memory_space<vmem>>
      %dma_start3A_246 = arith.constant 0 : i32
      %dma_start3A_247 = arith.constant 0 : i32
      %dma_start3A_248 = tpu.memref_slice %arg8[%dma_start3A_246, %dma_start3A_247] : memref<10000x16xf32, #tpu.memory_space<vmem_shared>> -> memref<10000x16xf32, #tpu.memory_space<vmem_shared>>
      tpu.enqueue_indirect_dma source(%arg11 : memref<80x16xf32, #tpu.memory_space<vmem>>) target(%dma_start3A_248 : memref<10000x16xf32, #tpu.memory_space<vmem_shared>>) offsets(%dma_start3A_245 : memref<80xi32, #tpu.memory_space<vmem>>) semaphore(%run_scoped3A_242 : memref<!tpu.dma_semaphore, #tpu.memory_space<semaphore_mem>>) {add = true}
      %dma_wait3A_249 = arith.constant 0 : i32
      %dma_wait3A_250 = tpu.memref_slice %arg15[%run_scoped3A_93, %dma_wait3A_249] : memref<25x80xi32, #tpu.memory_space<vmem>> -> memref<1x80xi32, #tpu.memory_space<vmem>>
      %dma_wait3A_251 = tpu.memref_squeeze %dma_wait3A_250 : memref<1x80xi32, #tpu.memory_space<vmem>> -> memref<80xi32, #tpu.memory_space<vmem>>
      %dma_wait3A_252 = arith.constant 0 : i32
      %dma_wait3A_253 = arith.constant 0 : i32
      %dma_wait3A_254 = tpu.memref_slice %arg8[%dma_wait3A_252, %dma_wait3A_253] : memref<10000x16xf32, #tpu.memory_space<vmem_shared>> -> memref<10000x16xf32, #tpu.memory_space<vmem_shared>>
      tpu.wait_indirect_dma semaphore(%run_scoped3A_242 : memref<!tpu.dma_semaphore, #tpu.memory_space<semaphore_mem>>) src(%arg11 : memref<80x16xf32, #tpu.memory_space<vmem>>) dst(%dma_wait3A_254 : memref<10000x16xf32, #tpu.memory_space<vmem_shared>>)
      tpu.yield
    }) : () -> ()
    %add3A_94 = arith.constant 50 : i32
    %add3A_95 = arith.addi %mul3A_27, %add3A_94 : i32
    %dma_start3A_96 = arith.constant 0 : i32
    %dma_start3A_97 = tpu.memref_slice %arg3[%add3A_95, %dma_start3A_96] : memref<4000x80xi32, #tpu.memory_space<hbm>> -> memref<25x80xi32, #tpu.memory_space<hbm>>
    %dma_start3A_98 = arith.constant 0 : i32
    %dma_start3A_99 = tpu.memref_slice %arg3[%add3A_95, %dma_start3A_98] : memref<4000x80xi32, #tpu.memory_space<hbm>> -> memref<25x80xi32, #tpu.memory_space<hbm>>
    tpu.enqueue_dma source(%dma_start3A_99 : memref<25x80xi32, #tpu.memory_space<hbm>>) target(%arg14 : memref<25x80xi32, #tpu.memory_space<vmem>>) target_semaphore(%arg20 : memref<!tpu.dma_semaphore, #tpu.memory_space<semaphore_mem>>)
    %dma_start3A_100 = arith.constant 0 : i32
    %dma_start3A_101 = tpu.memref_slice %arg4[%add3A_95, %dma_start3A_100] : memref<4000x80xi32, #tpu.memory_space<hbm>> -> memref<25x80xi32, #tpu.memory_space<hbm>>
    %dma_start3A_102 = arith.constant 0 : i32
    %dma_start3A_103 = tpu.memref_slice %arg4[%add3A_95, %dma_start3A_102] : memref<4000x80xi32, #tpu.memory_space<hbm>> -> memref<25x80xi32, #tpu.memory_space<hbm>>
    tpu.enqueue_dma source(%dma_start3A_103 : memref<25x80xi32, #tpu.memory_space<hbm>>) target(%arg15 : memref<25x80xi32, #tpu.memory_space<vmem>>) target_semaphore(%arg20 : memref<!tpu.dma_semaphore, #tpu.memory_space<semaphore_mem>>)
    %scan3A_104 = arith.constant 0 : i32
    %scan3A_105 = arith.constant 0 : i32
    %scan3A_106 = arith.constant 12 : i32
    %scan3A_107 = arith.addi %scan3A_105, %scan3A_106 : i32
    %scan3A_108 = arith.constant 1 : i32
    scf.for %scan3A_242 = %scan3A_105 to %scan3A_107 step %scan3A_108  : i32 {
      %mul3A_243 = arith.constant 2 : i32
      %mul3A_244 = arith.muli %scan3A_242, %mul3A_243 : i32
      %add3A_245 = arith.constant 1 : i32
      %add3A_246 = arith.addi %mul3A_244, %add3A_245 : i32
      %dma_start3A_247 = arith.constant 0 : i32
      %dma_start3A_248 = tpu.memref_slice %arg16[%add3A_246, %dma_start3A_247] : memref<25x80xi32, #tpu.memory_space<vmem>> -> memref<1x80xi32, #tpu.memory_space<vmem>>
      %dma_start3A_249 = tpu.memref_squeeze %dma_start3A_248 : memref<1x80xi32, #tpu.memory_space<vmem>> -> memref<80xi32, #tpu.memory_space<vmem>>
      %dma_start3A_250 = arith.constant 0 : i32
      %dma_start3A_251 = arith.constant 0 : i32
      %dma_start3A_252 = tpu.memref_slice %arg2[%dma_start3A_250, %dma_start3A_251] : memref<10000x128xf32, #tpu.memory_space<hbm>> -> memref<10000x128xf32, #tpu.memory_space<hbm>>
      tpu.enqueue_indirect_dma source(%dma_start3A_252 : memref<10000x128xf32, #tpu.memory_space<hbm>>) target(%arg12 : memref<80x128xf32, #tpu.memory_space<vmem>>) offsets(%dma_start3A_249 : memref<80xi32, #tpu.memory_space<vmem>>) semaphore(%arg18 : memref<!tpu.dma_semaphore, #tpu.memory_space<semaphore_mem>>)
      %dma_wait3A_253 = arith.constant 0 : i32
      %dma_wait3A_254 = tpu.memref_slice %arg16[%mul3A_244, %dma_wait3A_253] : memref<25x80xi32, #tpu.memory_space<vmem>> -> memref<1x80xi32, #tpu.memory_space<vmem>>
      %dma_wait3A_255 = tpu.memref_squeeze %dma_wait3A_254 : memref<1x80xi32, #tpu.memory_space<vmem>> -> memref<80xi32, #tpu.memory_space<vmem>>
      %dma_wait3A_256 = arith.constant 0 : i32
      %dma_wait3A_257 = arith.constant 0 : i32
      %dma_wait3A_258 = tpu.memref_slice %arg2[%dma_wait3A_256, %dma_wait3A_257] : memref<10000x128xf32, #tpu.memory_space<hbm>> -> memref<10000x128xf32, #tpu.memory_space<hbm>>
      tpu.wait_indirect_dma semaphore(%arg19 : memref<!tpu.dma_semaphore, #tpu.memory_space<semaphore_mem>>) src(%dma_wait3A_258 : memref<10000x128xf32, #tpu.memory_space<hbm>>) dst(%arg13 : memref<80x128xf32, #tpu.memory_space<vmem>>)
      "tpu.region"() ({
        %run_scoped3A_275 = tpu.sem_alloc : memref<!tpu.dma_semaphore, #tpu.memory_space<semaphore_mem>>
        %dma_start3A_276 = arith.constant 0 : i32
        %dma_start3A_277 = tpu.memref_slice %arg17[%mul3A_244, %dma_start3A_276] : memref<25x80xi32, #tpu.memory_space<vmem>> -> memref<1x80xi32, #tpu.memory_space<vmem>>
        %dma_start3A_278 = tpu.memref_squeeze %dma_start3A_277 : memref<1x80xi32, #tpu.memory_space<vmem>> -> memref<80xi32, #tpu.memory_space<vmem>>
        %dma_start3A_279 = arith.constant 0 : i32
        %dma_start3A_280 = arith.constant 0 : i32
        %dma_start3A_281 = tpu.memref_slice %arg7[%dma_start3A_279, %dma_start3A_280] : memref<10000x128xf32, #tpu.memory_space<vmem_shared>> -> memref<10000x128xf32, #tpu.memory_space<vmem_shared>>
        tpu.enqueue_indirect_dma source(%arg13 : memref<80x128xf32, #tpu.memory_space<vmem>>) target(%dma_start3A_281 : memref<10000x128xf32, #tpu.memory_space<vmem_shared>>) offsets(%dma_start3A_278 : memref<80xi32, #tpu.memory_space<vmem>>) semaphore(%run_scoped3A_275 : memref<!tpu.dma_semaphore, #tpu.memory_space<semaphore_mem>>) {add = true}
        %dma_wait3A_282 = arith.constant 0 : i32
        %dma_wait3A_283 = tpu.memref_slice %arg17[%mul3A_244, %dma_wait3A_282] : memref<25x80xi32, #tpu.memory_space<vmem>> -> memref<1x80xi32, #tpu.memory_space<vmem>>
        %dma_wait3A_284 = tpu.memref_squeeze %dma_wait3A_283 : memref<1x80xi32, #tpu.memory_space<vmem>> -> memref<80xi32, #tpu.memory_space<vmem>>
        %dma_wait3A_285 = arith.constant 0 : i32
        %dma_wait3A_286 = arith.constant 0 : i32
        %dma_wait3A_287 = tpu.memref_slice %arg7[%dma_wait3A_285, %dma_wait3A_286] : memref<10000x128xf32, #tpu.memory_space<vmem_shared>> -> memref<10000x128xf32, #tpu.memory_space<vmem_shared>>
        tpu.wait_indirect_dma semaphore(%run_scoped3A_275 : memref<!tpu.dma_semaphore, #tpu.memory_space<semaphore_mem>>) src(%arg13 : memref<80x128xf32, #tpu.memory_space<vmem>>) dst(%dma_wait3A_287 : memref<10000x128xf32, #tpu.memory_space<vmem_shared>>)
        tpu.yield
      }) : () -> ()
      "tpu.region"() ({
        %run_scoped3A_275 = tpu.sem_alloc : memref<!tpu.dma_semaphore, #tpu.memory_space<semaphore_mem>>
        %dma_start3A_276 = arith.constant 0 : i32
        %dma_start3A_277 = tpu.memref_slice %arg17[%mul3A_244, %dma_start3A_276] : memref<25x80xi32, #tpu.memory_space<vmem>> -> memref<1x80xi32, #tpu.memory_space<vmem>>
        %dma_start3A_278 = tpu.memref_squeeze %dma_start3A_277 : memref<1x80xi32, #tpu.memory_space<vmem>> -> memref<80xi32, #tpu.memory_space<vmem>>
        %dma_start3A_279 = arith.constant 0 : i32
        %dma_start3A_280 = arith.constant 0 : i32
        %dma_start3A_281 = tpu.memref_slice %arg8[%dma_start3A_279, %dma_start3A_280] : memref<10000x16xf32, #tpu.memory_space<vmem_shared>> -> memref<10000x16xf32, #tpu.memory_space<vmem_shared>>
        tpu.enqueue_indirect_dma source(%arg11 : memref<80x16xf32, #tpu.memory_space<vmem>>) target(%dma_start3A_281 : memref<10000x16xf32, #tpu.memory_space<vmem_shared>>) offsets(%dma_start3A_278 : memref<80xi32, #tpu.memory_space<vmem>>) semaphore(%run_scoped3A_275 : memref<!tpu.dma_semaphore, #tpu.memory_space<semaphore_mem>>) {add = true}
        %dma_wait3A_282 = arith.constant 0 : i32
        %dma_wait3A_283 = tpu.memref_slice %arg17[%mul3A_244, %dma_wait3A_282] : memref<25x80xi32, #tpu.memory_space<vmem>> -> memref<1x80xi32, #tpu.memory_space<vmem>>
        %dma_wait3A_284 = tpu.memref_squeeze %dma_wait3A_283 : memref<1x80xi32, #tpu.memory_space<vmem>> -> memref<80xi32, #tpu.memory_space<vmem>>
        %dma_wait3A_285 = arith.constant 0 : i32
        %dma_wait3A_286 = arith.constant 0 : i32
        %dma_wait3A_287 = tpu.memref_slice %arg8[%dma_wait3A_285, %dma_wait3A_286] : memref<10000x16xf32, #tpu.memory_space<vmem_shared>> -> memref<10000x16xf32, #tpu.memory_space<vmem_shared>>
        tpu.wait_indirect_dma semaphore(%run_scoped3A_275 : memref<!tpu.dma_semaphore, #tpu.memory_space<semaphore_mem>>) src(%arg11 : memref<80x16xf32, #tpu.memory_space<vmem>>) dst(%dma_wait3A_287 : memref<10000x16xf32, #tpu.memory_space<vmem_shared>>)
        tpu.yield
      }) : () -> ()
      %add3A_259 = arith.constant 2 : i32
      %add3A_260 = arith.addi %mul3A_244, %add3A_259 : i32
      %dma_start3A_261 = arith.constant 0 : i32
      %dma_start3A_262 = tpu.memref_slice %arg16[%add3A_260, %dma_start3A_261] : memref<25x80xi32, #tpu.memory_space<vmem>> -> memref<1x80xi32, #tpu.memory_space<vmem>>
      %dma_start3A_263 = tpu.memref_squeeze %dma_start3A_262 : memref<1x80xi32, #tpu.memory_space<vmem>> -> memref<80xi32, #tpu.memory_space<vmem>>
      %dma_start3A_264 = arith.constant 0 : i32
      %dma_start3A_265 = arith.constant 0 : i32
      %dma_start3A_266 = tpu.memref_slice %arg2[%dma_start3A_264, %dma_start3A_265] : memref<10000x128xf32, #tpu.memory_space<hbm>> -> memref<10000x128xf32, #tpu.memory_space<hbm>>
      tpu.enqueue_indirect_dma source(%dma_start3A_266 : memref<10000x128xf32, #tpu.memory_space<hbm>>) target(%arg13 : memref<80x128xf32, #tpu.memory_space<vmem>>) offsets(%dma_start3A_263 : memref<80xi32, #tpu.memory_space<vmem>>) semaphore(%arg19 : memref<!tpu.dma_semaphore, #tpu.memory_space<semaphore_mem>>)
      %add3A_267 = arith.constant 1 : i32
      %add3A_268 = arith.addi %mul3A_244, %add3A_267 : i32
      %dma_wait3A_269 = arith.constant 0 : i32
      %dma_wait3A_270 = tpu.memref_slice %arg16[%add3A_268, %dma_wait3A_269] : memref<25x80xi32, #tpu.memory_space<vmem>> -> memref<1x80xi32, #tpu.memory_space<vmem>>
      %dma_wait3A_271 = tpu.memref_squeeze %dma_wait3A_270 : memref<1x80xi32, #tpu.memory_space<vmem>> -> memref<80xi32, #tpu.memory_space<vmem>>
      %dma_wait3A_272 = arith.constant 0 : i32
      %dma_wait3A_273 = arith.constant 0 : i32
      %dma_wait3A_274 = tpu.memref_slice %arg2[%dma_wait3A_272, %dma_wait3A_273] : memref<10000x128xf32, #tpu.memory_space<hbm>> -> memref<10000x128xf32, #tpu.memory_space<hbm>>
      tpu.wait_indirect_dma semaphore(%arg18 : memref<!tpu.dma_semaphore, #tpu.memory_space<semaphore_mem>>) src(%dma_wait3A_274 : memref<10000x128xf32, #tpu.memory_space<hbm>>) dst(%arg12 : memref<80x128xf32, #tpu.memory_space<vmem>>)
      "tpu.region"() ({
        %run_scoped3A_275 = tpu.sem_alloc : memref<!tpu.dma_semaphore, #tpu.memory_space<semaphore_mem>>
        %dma_start3A_276 = arith.constant 0 : i32
        %dma_start3A_277 = tpu.memref_slice %arg17[%add3A_268, %dma_start3A_276] : memref<25x80xi32, #tpu.memory_space<vmem>> -> memref<1x80xi32, #tpu.memory_space<vmem>>
        %dma_start3A_278 = tpu.memref_squeeze %dma_start3A_277 : memref<1x80xi32, #tpu.memory_space<vmem>> -> memref<80xi32, #tpu.memory_space<vmem>>
        %dma_start3A_279 = arith.constant 0 : i32
        %dma_start3A_280 = arith.constant 0 : i32
        %dma_start3A_281 = tpu.memref_slice %arg7[%dma_start3A_279, %dma_start3A_280] : memref<10000x128xf32, #tpu.memory_space<vmem_shared>> -> memref<10000x128xf32, #tpu.memory_space<vmem_shared>>
        tpu.enqueue_indirect_dma source(%arg12 : memref<80x128xf32, #tpu.memory_space<vmem>>) target(%dma_start3A_281 : memref<10000x128xf32, #tpu.memory_space<vmem_shared>>) offsets(%dma_start3A_278 : memref<80xi32, #tpu.memory_space<vmem>>) semaphore(%run_scoped3A_275 : memref<!tpu.dma_semaphore, #tpu.memory_space<semaphore_mem>>) {add = true}
        %dma_wait3A_282 = arith.constant 0 : i32
        %dma_wait3A_283 = tpu.memref_slice %arg17[%add3A_268, %dma_wait3A_282] : memref<25x80xi32, #tpu.memory_space<vmem>> -> memref<1x80xi32, #tpu.memory_space<vmem>>
        %dma_wait3A_284 = tpu.memref_squeeze %dma_wait3A_283 : memref<1x80xi32, #tpu.memory_space<vmem>> -> memref<80xi32, #tpu.memory_space<vmem>>
        %dma_wait3A_285 = arith.constant 0 : i32
        %dma_wait3A_286 = arith.constant 0 : i32
        %dma_wait3A_287 = tpu.memref_slice %arg7[%dma_wait3A_285, %dma_wait3A_286] : memref<10000x128xf32, #tpu.memory_space<vmem_shared>> -> memref<10000x128xf32, #tpu.memory_space<vmem_shared>>
        tpu.wait_indirect_dma semaphore(%run_scoped3A_275 : memref<!tpu.dma_semaphore, #tpu.memory_space<semaphore_mem>>) src(%arg12 : memref<80x128xf32, #tpu.memory_space<vmem>>) dst(%dma_wait3A_287 : memref<10000x128xf32, #tpu.memory_space<vmem_shared>>)
        tpu.yield
      }) : () -> ()
      "tpu.region"() ({
        %run_scoped3A_275 = tpu.sem_alloc : memref<!tpu.dma_semaphore, #tpu.memory_space<semaphore_mem>>
        %dma_start3A_276 = arith.constant 0 : i32
        %dma_start3A_277 = tpu.memref_slice %arg17[%add3A_268, %dma_start3A_276] : memref<25x80xi32, #tpu.memory_space<vmem>> -> memref<1x80xi32, #tpu.memory_space<vmem>>
        %dma_start3A_278 = tpu.memref_squeeze %dma_start3A_277 : memref<1x80xi32, #tpu.memory_space<vmem>> -> memref<80xi32, #tpu.memory_space<vmem>>
        %dma_start3A_279 = arith.constant 0 : i32
        %dma_start3A_280 = arith.constant 0 : i32
        %dma_start3A_281 = tpu.memref_slice %arg8[%dma_start3A_279, %dma_start3A_280] : memref<10000x16xf32, #tpu.memory_space<vmem_shared>> -> memref<10000x16xf32, #tpu.memory_space<vmem_shared>>
        tpu.enqueue_indirect_dma source(%arg11 : memref<80x16xf32, #tpu.memory_space<vmem>>) target(%dma_start3A_281 : memref<10000x16xf32, #tpu.memory_space<vmem_shared>>) offsets(%dma_start3A_278 : memref<80xi32, #tpu.memory_space<vmem>>) semaphore(%run_scoped3A_275 : memref<!tpu.dma_semaphore, #tpu.memory_space<semaphore_mem>>) {add = true}
        %dma_wait3A_282 = arith.constant 0 : i32
        %dma_wait3A_283 = tpu.memref_slice %arg17[%add3A_268, %dma_wait3A_282] : memref<25x80xi32, #tpu.memory_space<vmem>> -> memref<1x80xi32, #tpu.memory_space<vmem>>
        %dma_wait3A_284 = tpu.memref_squeeze %dma_wait3A_283 : memref<1x80xi32, #tpu.memory_space<vmem>> -> memref<80xi32, #tpu.memory_space<vmem>>
        %dma_wait3A_285 = arith.constant 0 : i32
        %dma_wait3A_286 = arith.constant 0 : i32
        %dma_wait3A_287 = tpu.memref_slice %arg8[%dma_wait3A_285, %dma_wait3A_286] : memref<10000x16xf32, #tpu.memory_space<vmem_shared>> -> memref<10000x16xf32, #tpu.memory_space<vmem_shared>>
        tpu.wait_indirect_dma semaphore(%run_scoped3A_275 : memref<!tpu.dma_semaphore, #tpu.memory_space<semaphore_mem>>) src(%arg11 : memref<80x16xf32, #tpu.memory_space<vmem>>) dst(%dma_wait3A_287 : memref<10000x16xf32, #tpu.memory_space<vmem_shared>>)
        tpu.yield
      }) : () -> ()
    }
    %scan3A_109 = arith.constant 12 : i32
    %add3A_110 = arith.constant 50 : i32
    %add3A_111 = arith.addi %mul3A_27, %add3A_110 : i32
    %dma_wait3A_112 = arith.constant 0 : i32
    %dma_wait3A_113 = tpu.memref_slice %arg3[%add3A_111, %dma_wait3A_112] : memref<4000x80xi32, #tpu.memory_space<hbm>> -> memref<25x80xi32, #tpu.memory_space<hbm>>
    %dma_wait3A_114 = arith.constant 0 : i32
    %dma_wait3A_115 = tpu.memref_slice %arg3[%add3A_111, %dma_wait3A_114] : memref<4000x80xi32, #tpu.memory_space<hbm>> -> memref<25x80xi32, #tpu.memory_space<hbm>>
    tpu.wait_dma2 semaphore(%arg20 : memref<!tpu.dma_semaphore, #tpu.memory_space<semaphore_mem>>) src(%dma_wait3A_115 : memref<25x80xi32, #tpu.memory_space<hbm>>) dst(%arg14 : memref<25x80xi32, #tpu.memory_space<vmem>>)
    %dma_wait3A_116 = arith.constant 0 : i32
    %dma_wait3A_117 = tpu.memref_slice %arg4[%add3A_111, %dma_wait3A_116] : memref<4000x80xi32, #tpu.memory_space<hbm>> -> memref<25x80xi32, #tpu.memory_space<hbm>>
    %dma_wait3A_118 = arith.constant 0 : i32
    %dma_wait3A_119 = tpu.memref_slice %arg4[%add3A_111, %dma_wait3A_118] : memref<4000x80xi32, #tpu.memory_space<hbm>> -> memref<25x80xi32, #tpu.memory_space<hbm>>
    tpu.wait_dma2 semaphore(%arg20 : memref<!tpu.dma_semaphore, #tpu.memory_space<semaphore_mem>>) src(%dma_wait3A_119 : memref<25x80xi32, #tpu.memory_space<hbm>>) dst(%arg15 : memref<25x80xi32, #tpu.memory_space<vmem>>)
    %dma_start3A_120 = arith.constant 0 : i32
    %dma_start3A_121 = arith.constant 0 : i32
    %dma_start3A_122 = tpu.memref_slice %arg14[%dma_start3A_120, %dma_start3A_121] : memref<25x80xi32, #tpu.memory_space<vmem>> -> memref<1x80xi32, #tpu.memory_space<vmem>>
    %dma_start3A_123 = tpu.memref_squeeze %dma_start3A_122 : memref<1x80xi32, #tpu.memory_space<vmem>> -> memref<80xi32, #tpu.memory_space<vmem>>
    %dma_start3A_124 = arith.constant 0 : i32
    %dma_start3A_125 = arith.constant 0 : i32
    %dma_start3A_126 = tpu.memref_slice %arg2[%dma_start3A_124, %dma_start3A_125] : memref<10000x128xf32, #tpu.memory_space<hbm>> -> memref<10000x128xf32, #tpu.memory_space<hbm>>
    tpu.enqueue_indirect_dma source(%dma_start3A_126 : memref<10000x128xf32, #tpu.memory_space<hbm>>) target(%arg12 : memref<80x128xf32, #tpu.memory_space<vmem>>) offsets(%dma_start3A_123 : memref<80xi32, #tpu.memory_space<vmem>>) semaphore(%arg18 : memref<!tpu.dma_semaphore, #tpu.memory_space<semaphore_mem>>)
    %dma_wait3A_127 = arith.constant 24 : i32
    %dma_wait3A_128 = arith.constant 0 : i32
    %dma_wait3A_129 = tpu.memref_slice %arg16[%dma_wait3A_127, %dma_wait3A_128] : memref<25x80xi32, #tpu.memory_space<vmem>> -> memref<1x80xi32, #tpu.memory_space<vmem>>
    %dma_wait3A_130 = tpu.memref_squeeze %dma_wait3A_129 : memref<1x80xi32, #tpu.memory_space<vmem>> -> memref<80xi32, #tpu.memory_space<vmem>>
    %dma_wait3A_131 = arith.constant 0 : i32
    %dma_wait3A_132 = arith.constant 0 : i32
    %dma_wait3A_133 = tpu.memref_slice %arg2[%dma_wait3A_131, %dma_wait3A_132] : memref<10000x128xf32, #tpu.memory_space<hbm>> -> memref<10000x128xf32, #tpu.memory_space<hbm>>
    tpu.wait_indirect_dma semaphore(%arg19 : memref<!tpu.dma_semaphore, #tpu.memory_space<semaphore_mem>>) src(%dma_wait3A_133 : memref<10000x128xf32, #tpu.memory_space<hbm>>) dst(%arg13 : memref<80x128xf32, #tpu.memory_space<vmem>>)
    %run_scoped3A_134 = arith.constant 24 : i32
    "tpu.region"() ({
      %run_scoped3A_242 = tpu.sem_alloc : memref<!tpu.dma_semaphore, #tpu.memory_space<semaphore_mem>>
      %dma_start3A_243 = arith.constant 0 : i32
      %dma_start3A_244 = tpu.memref_slice %arg17[%run_scoped3A_134, %dma_start3A_243] : memref<25x80xi32, #tpu.memory_space<vmem>> -> memref<1x80xi32, #tpu.memory_space<vmem>>
      %dma_start3A_245 = tpu.memref_squeeze %dma_start3A_244 : memref<1x80xi32, #tpu.memory_space<vmem>> -> memref<80xi32, #tpu.memory_space<vmem>>
      %dma_start3A_246 = arith.constant 0 : i32
      %dma_start3A_247 = arith.constant 0 : i32
      %dma_start3A_248 = tpu.memref_slice %arg7[%dma_start3A_246, %dma_start3A_247] : memref<10000x128xf32, #tpu.memory_space<vmem_shared>> -> memref<10000x128xf32, #tpu.memory_space<vmem_shared>>
      tpu.enqueue_indirect_dma source(%arg13 : memref<80x128xf32, #tpu.memory_space<vmem>>) target(%dma_start3A_248 : memref<10000x128xf32, #tpu.memory_space<vmem_shared>>) offsets(%dma_start3A_245 : memref<80xi32, #tpu.memory_space<vmem>>) semaphore(%run_scoped3A_242 : memref<!tpu.dma_semaphore, #tpu.memory_space<semaphore_mem>>) {add = true}
      %dma_wait3A_249 = arith.constant 0 : i32
      %dma_wait3A_250 = tpu.memref_slice %arg17[%run_scoped3A_134, %dma_wait3A_249] : memref<25x80xi32, #tpu.memory_space<vmem>> -> memref<1x80xi32, #tpu.memory_space<vmem>>
      %dma_wait3A_251 = tpu.memref_squeeze %dma_wait3A_250 : memref<1x80xi32, #tpu.memory_space<vmem>> -> memref<80xi32, #tpu.memory_space<vmem>>
      %dma_wait3A_252 = arith.constant 0 : i32
      %dma_wait3A_253 = arith.constant 0 : i32
      %dma_wait3A_254 = tpu.memref_slice %arg7[%dma_wait3A_252, %dma_wait3A_253] : memref<10000x128xf32, #tpu.memory_space<vmem_shared>> -> memref<10000x128xf32, #tpu.memory_space<vmem_shared>>
      tpu.wait_indirect_dma semaphore(%run_scoped3A_242 : memref<!tpu.dma_semaphore, #tpu.memory_space<semaphore_mem>>) src(%arg13 : memref<80x128xf32, #tpu.memory_space<vmem>>) dst(%dma_wait3A_254 : memref<10000x128xf32, #tpu.memory_space<vmem_shared>>)
      tpu.yield
    }) : () -> ()
    %run_scoped3A_135 = arith.constant 24 : i32
    "tpu.region"() ({
      %run_scoped3A_242 = tpu.sem_alloc : memref<!tpu.dma_semaphore, #tpu.memory_space<semaphore_mem>>
      %dma_start3A_243 = arith.constant 0 : i32
      %dma_start3A_244 = tpu.memref_slice %arg17[%run_scoped3A_135, %dma_start3A_243] : memref<25x80xi32, #tpu.memory_space<vmem>> -> memref<1x80xi32, #tpu.memory_space<vmem>>
      %dma_start3A_245 = tpu.memref_squeeze %dma_start3A_244 : memref<1x80xi32, #tpu.memory_space<vmem>> -> memref<80xi32, #tpu.memory_space<vmem>>
      %dma_start3A_246 = arith.constant 0 : i32
      %dma_start3A_247 = arith.constant 0 : i32
      %dma_start3A_248 = tpu.memref_slice %arg8[%dma_start3A_246, %dma_start3A_247] : memref<10000x16xf32, #tpu.memory_space<vmem_shared>> -> memref<10000x16xf32, #tpu.memory_space<vmem_shared>>
      tpu.enqueue_indirect_dma source(%arg11 : memref<80x16xf32, #tpu.memory_space<vmem>>) target(%dma_start3A_248 : memref<10000x16xf32, #tpu.memory_space<vmem_shared>>) offsets(%dma_start3A_245 : memref<80xi32, #tpu.memory_space<vmem>>) semaphore(%run_scoped3A_242 : memref<!tpu.dma_semaphore, #tpu.memory_space<semaphore_mem>>) {add = true}
      %dma_wait3A_249 = arith.constant 0 : i32
      %dma_wait3A_250 = tpu.memref_slice %arg17[%run_scoped3A_135, %dma_wait3A_249] : memref<25x80xi32, #tpu.memory_space<vmem>> -> memref<1x80xi32, #tpu.memory_space<vmem>>
      %dma_wait3A_251 = tpu.memref_squeeze %dma_wait3A_250 : memref<1x80xi32, #tpu.memory_space<vmem>> -> memref<80xi32, #tpu.memory_space<vmem>>
      %dma_wait3A_252 = arith.constant 0 : i32
      %dma_wait3A_253 = arith.constant 0 : i32
      %dma_wait3A_254 = tpu.memref_slice %arg8[%dma_wait3A_252, %dma_wait3A_253] : memref<10000x16xf32, #tpu.memory_space<vmem_shared>> -> memref<10000x16xf32, #tpu.memory_space<vmem_shared>>
      tpu.wait_indirect_dma semaphore(%run_scoped3A_242 : memref<!tpu.dma_semaphore, #tpu.memory_space<semaphore_mem>>) src(%arg11 : memref<80x16xf32, #tpu.memory_space<vmem>>) dst(%dma_wait3A_254 : memref<10000x16xf32, #tpu.memory_space<vmem_shared>>)
      tpu.yield
    }) : () -> ()
    %add3A_136 = arith.constant 75 : i32
    %add3A_137 = arith.addi %mul3A_27, %add3A_136 : i32
    %dma_start3A_138 = arith.constant 0 : i32
    %dma_start3A_139 = tpu.memref_slice %arg3[%add3A_137, %dma_start3A_138] : memref<4000x80xi32, #tpu.memory_space<hbm>> -> memref<25x80xi32, #tpu.memory_space<hbm>>
    %dma_start3A_140 = arith.constant 0 : i32
    %dma_start3A_141 = tpu.memref_slice %arg3[%add3A_137, %dma_start3A_140] : memref<4000x80xi32, #tpu.memory_space<hbm>> -> memref<25x80xi32, #tpu.memory_space<hbm>>
    tpu.enqueue_dma source(%dma_start3A_141 : memref<25x80xi32, #tpu.memory_space<hbm>>) target(%arg16 : memref<25x80xi32, #tpu.memory_space<vmem>>) target_semaphore(%arg21 : memref<!tpu.dma_semaphore, #tpu.memory_space<semaphore_mem>>)
    %dma_start3A_142 = arith.constant 0 : i32
    %dma_start3A_143 = tpu.memref_slice %arg4[%add3A_137, %dma_start3A_142] : memref<4000x80xi32, #tpu.memory_space<hbm>> -> memref<25x80xi32, #tpu.memory_space<hbm>>
    %dma_start3A_144 = arith.constant 0 : i32
    %dma_start3A_145 = tpu.memref_slice %arg4[%add3A_137, %dma_start3A_144] : memref<4000x80xi32, #tpu.memory_space<hbm>> -> memref<25x80xi32, #tpu.memory_space<hbm>>
    tpu.enqueue_dma source(%dma_start3A_145 : memref<25x80xi32, #tpu.memory_space<hbm>>) target(%arg17 : memref<25x80xi32, #tpu.memory_space<vmem>>) target_semaphore(%arg21 : memref<!tpu.dma_semaphore, #tpu.memory_space<semaphore_mem>>)
    %scan3A_146 = arith.constant 0 : i32
    %scan3A_147 = arith.constant 0 : i32
    %scan3A_148 = arith.constant 12 : i32
    %scan3A_149 = arith.addi %scan3A_147, %scan3A_148 : i32
    %scan3A_150 = arith.constant 1 : i32
    scf.for %scan3A_242 = %scan3A_147 to %scan3A_149 step %scan3A_150  : i32 {
      %mul3A_243 = arith.constant 2 : i32
      %mul3A_244 = arith.muli %scan3A_242, %mul3A_243 : i32
      %add3A_245 = arith.constant 1 : i32
      %add3A_246 = arith.addi %mul3A_244, %add3A_245 : i32
      %dma_start3A_247 = arith.constant 0 : i32
      %dma_start3A_248 = tpu.memref_slice %arg14[%add3A_246, %dma_start3A_247] : memref<25x80xi32, #tpu.memory_space<vmem>> -> memref<1x80xi32, #tpu.memory_space<vmem>>
      %dma_start3A_249 = tpu.memref_squeeze %dma_start3A_248 : memref<1x80xi32, #tpu.memory_space<vmem>> -> memref<80xi32, #tpu.memory_space<vmem>>
      %dma_start3A_250 = arith.constant 0 : i32
      %dma_start3A_251 = arith.constant 0 : i32
      %dma_start3A_252 = tpu.memref_slice %arg2[%dma_start3A_250, %dma_start3A_251] : memref<10000x128xf32, #tpu.memory_space<hbm>> -> memref<10000x128xf32, #tpu.memory_space<hbm>>
      tpu.enqueue_indirect_dma source(%dma_start3A_252 : memref<10000x128xf32, #tpu.memory_space<hbm>>) target(%arg13 : memref<80x128xf32, #tpu.memory_space<vmem>>) offsets(%dma_start3A_249 : memref<80xi32, #tpu.memory_space<vmem>>) semaphore(%arg19 : memref<!tpu.dma_semaphore, #tpu.memory_space<semaphore_mem>>)
      %dma_wait3A_253 = arith.constant 0 : i32
      %dma_wait3A_254 = tpu.memref_slice %arg14[%mul3A_244, %dma_wait3A_253] : memref<25x80xi32, #tpu.memory_space<vmem>> -> memref<1x80xi32, #tpu.memory_space<vmem>>
      %dma_wait3A_255 = tpu.memref_squeeze %dma_wait3A_254 : memref<1x80xi32, #tpu.memory_space<vmem>> -> memref<80xi32, #tpu.memory_space<vmem>>
      %dma_wait3A_256 = arith.constant 0 : i32
      %dma_wait3A_257 = arith.constant 0 : i32
      %dma_wait3A_258 = tpu.memref_slice %arg2[%dma_wait3A_256, %dma_wait3A_257] : memref<10000x128xf32, #tpu.memory_space<hbm>> -> memref<10000x128xf32, #tpu.memory_space<hbm>>
      tpu.wait_indirect_dma semaphore(%arg18 : memref<!tpu.dma_semaphore, #tpu.memory_space<semaphore_mem>>) src(%dma_wait3A_258 : memref<10000x128xf32, #tpu.memory_space<hbm>>) dst(%arg12 : memref<80x128xf32, #tpu.memory_space<vmem>>)
      "tpu.region"() ({
        %run_scoped3A_275 = tpu.sem_alloc : memref<!tpu.dma_semaphore, #tpu.memory_space<semaphore_mem>>
        %dma_start3A_276 = arith.constant 0 : i32
        %dma_start3A_277 = tpu.memref_slice %arg15[%mul3A_244, %dma_start3A_276] : memref<25x80xi32, #tpu.memory_space<vmem>> -> memref<1x80xi32, #tpu.memory_space<vmem>>
        %dma_start3A_278 = tpu.memref_squeeze %dma_start3A_277 : memref<1x80xi32, #tpu.memory_space<vmem>> -> memref<80xi32, #tpu.memory_space<vmem>>
        %dma_start3A_279 = arith.constant 0 : i32
        %dma_start3A_280 = arith.constant 0 : i32
        %dma_start3A_281 = tpu.memref_slice %arg7[%dma_start3A_279, %dma_start3A_280] : memref<10000x128xf32, #tpu.memory_space<vmem_shared>> -> memref<10000x128xf32, #tpu.memory_space<vmem_shared>>
        tpu.enqueue_indirect_dma source(%arg12 : memref<80x128xf32, #tpu.memory_space<vmem>>) target(%dma_start3A_281 : memref<10000x128xf32, #tpu.memory_space<vmem_shared>>) offsets(%dma_start3A_278 : memref<80xi32, #tpu.memory_space<vmem>>) semaphore(%run_scoped3A_275 : memref<!tpu.dma_semaphore, #tpu.memory_space<semaphore_mem>>) {add = true}
        %dma_wait3A_282 = arith.constant 0 : i32
        %dma_wait3A_283 = tpu.memref_slice %arg15[%mul3A_244, %dma_wait3A_282] : memref<25x80xi32, #tpu.memory_space<vmem>> -> memref<1x80xi32, #tpu.memory_space<vmem>>
        %dma_wait3A_284 = tpu.memref_squeeze %dma_wait3A_283 : memref<1x80xi32, #tpu.memory_space<vmem>> -> memref<80xi32, #tpu.memory_space<vmem>>
        %dma_wait3A_285 = arith.constant 0 : i32
        %dma_wait3A_286 = arith.constant 0 : i32
        %dma_wait3A_287 = tpu.memref_slice %arg7[%dma_wait3A_285, %dma_wait3A_286] : memref<10000x128xf32, #tpu.memory_space<vmem_shared>> -> memref<10000x128xf32, #tpu.memory_space<vmem_shared>>
        tpu.wait_indirect_dma semaphore(%run_scoped3A_275 : memref<!tpu.dma_semaphore, #tpu.memory_space<semaphore_mem>>) src(%arg12 : memref<80x128xf32, #tpu.memory_space<vmem>>) dst(%dma_wait3A_287 : memref<10000x128xf32, #tpu.memory_space<vmem_shared>>)
        tpu.yield
      }) : () -> ()
      "tpu.region"() ({
        %run_scoped3A_275 = tpu.sem_alloc : memref<!tpu.dma_semaphore, #tpu.memory_space<semaphore_mem>>
        %dma_start3A_276 = arith.constant 0 : i32
        %dma_start3A_277 = tpu.memref_slice %arg15[%mul3A_244, %dma_start3A_276] : memref<25x80xi32, #tpu.memory_space<vmem>> -> memref<1x80xi32, #tpu.memory_space<vmem>>
        %dma_start3A_278 = tpu.memref_squeeze %dma_start3A_277 : memref<1x80xi32, #tpu.memory_space<vmem>> -> memref<80xi32, #tpu.memory_space<vmem>>
        %dma_start3A_279 = arith.constant 0 : i32
        %dma_start3A_280 = arith.constant 0 : i32
        %dma_start3A_281 = tpu.memref_slice %arg8[%dma_start3A_279, %dma_start3A_280] : memref<10000x16xf32, #tpu.memory_space<vmem_shared>> -> memref<10000x16xf32, #tpu.memory_space<vmem_shared>>
        tpu.enqueue_indirect_dma source(%arg11 : memref<80x16xf32, #tpu.memory_space<vmem>>) target(%dma_start3A_281 : memref<10000x16xf32, #tpu.memory_space<vmem_shared>>) offsets(%dma_start3A_278 : memref<80xi32, #tpu.memory_space<vmem>>) semaphore(%run_scoped3A_275 : memref<!tpu.dma_semaphore, #tpu.memory_space<semaphore_mem>>) {add = true}
        %dma_wait3A_282 = arith.constant 0 : i32
        %dma_wait3A_283 = tpu.memref_slice %arg15[%mul3A_244, %dma_wait3A_282] : memref<25x80xi32, #tpu.memory_space<vmem>> -> memref<1x80xi32, #tpu.memory_space<vmem>>
        %dma_wait3A_284 = tpu.memref_squeeze %dma_wait3A_283 : memref<1x80xi32, #tpu.memory_space<vmem>> -> memref<80xi32, #tpu.memory_space<vmem>>
        %dma_wait3A_285 = arith.constant 0 : i32
        %dma_wait3A_286 = arith.constant 0 : i32
        %dma_wait3A_287 = tpu.memref_slice %arg8[%dma_wait3A_285, %dma_wait3A_286] : memref<10000x16xf32, #tpu.memory_space<vmem_shared>> -> memref<10000x16xf32, #tpu.memory_space<vmem_shared>>
        tpu.wait_indirect_dma semaphore(%run_scoped3A_275 : memref<!tpu.dma_semaphore, #tpu.memory_space<semaphore_mem>>) src(%arg11 : memref<80x16xf32, #tpu.memory_space<vmem>>) dst(%dma_wait3A_287 : memref<10000x16xf32, #tpu.memory_space<vmem_shared>>)
        tpu.yield
      }) : () -> ()
      %add3A_259 = arith.constant 2 : i32
      %add3A_260 = arith.addi %mul3A_244, %add3A_259 : i32
      %dma_start3A_261 = arith.constant 0 : i32
      %dma_start3A_262 = tpu.memref_slice %arg14[%add3A_260, %dma_start3A_261] : memref<25x80xi32, #tpu.memory_space<vmem>> -> memref<1x80xi32, #tpu.memory_space<vmem>>
      %dma_start3A_263 = tpu.memref_squeeze %dma_start3A_262 : memref<1x80xi32, #tpu.memory_space<vmem>> -> memref<80xi32, #tpu.memory_space<vmem>>
      %dma_start3A_264 = arith.constant 0 : i32
      %dma_start3A_265 = arith.constant 0 : i32
      %dma_start3A_266 = tpu.memref_slice %arg2[%dma_start3A_264, %dma_start3A_265] : memref<10000x128xf32, #tpu.memory_space<hbm>> -> memref<10000x128xf32, #tpu.memory_space<hbm>>
      tpu.enqueue_indirect_dma source(%dma_start3A_266 : memref<10000x128xf32, #tpu.memory_space<hbm>>) target(%arg12 : memref<80x128xf32, #tpu.memory_space<vmem>>) offsets(%dma_start3A_263 : memref<80xi32, #tpu.memory_space<vmem>>) semaphore(%arg18 : memref<!tpu.dma_semaphore, #tpu.memory_space<semaphore_mem>>)
      %add3A_267 = arith.constant 1 : i32
      %add3A_268 = arith.addi %mul3A_244, %add3A_267 : i32
      %dma_wait3A_269 = arith.constant 0 : i32
      %dma_wait3A_270 = tpu.memref_slice %arg14[%add3A_268, %dma_wait3A_269] : memref<25x80xi32, #tpu.memory_space<vmem>> -> memref<1x80xi32, #tpu.memory_space<vmem>>
      %dma_wait3A_271 = tpu.memref_squeeze %dma_wait3A_270 : memref<1x80xi32, #tpu.memory_space<vmem>> -> memref<80xi32, #tpu.memory_space<vmem>>
      %dma_wait3A_272 = arith.constant 0 : i32
      %dma_wait3A_273 = arith.constant 0 : i32
      %dma_wait3A_274 = tpu.memref_slice %arg2[%dma_wait3A_272, %dma_wait3A_273] : memref<10000x128xf32, #tpu.memory_space<hbm>> -> memref<10000x128xf32, #tpu.memory_space<hbm>>
      tpu.wait_indirect_dma semaphore(%arg19 : memref<!tpu.dma_semaphore, #tpu.memory_space<semaphore_mem>>) src(%dma_wait3A_274 : memref<10000x128xf32, #tpu.memory_space<hbm>>) dst(%arg13 : memref<80x128xf32, #tpu.memory_space<vmem>>)
      "tpu.region"() ({
        %run_scoped3A_275 = tpu.sem_alloc : memref<!tpu.dma_semaphore, #tpu.memory_space<semaphore_mem>>
        %dma_start3A_276 = arith.constant 0 : i32
        %dma_start3A_277 = tpu.memref_slice %arg15[%add3A_268, %dma_start3A_276] : memref<25x80xi32, #tpu.memory_space<vmem>> -> memref<1x80xi32, #tpu.memory_space<vmem>>
        %dma_start3A_278 = tpu.memref_squeeze %dma_start3A_277 : memref<1x80xi32, #tpu.memory_space<vmem>> -> memref<80xi32, #tpu.memory_space<vmem>>
        %dma_start3A_279 = arith.constant 0 : i32
        %dma_start3A_280 = arith.constant 0 : i32
        %dma_start3A_281 = tpu.memref_slice %arg7[%dma_start3A_279, %dma_start3A_280] : memref<10000x128xf32, #tpu.memory_space<vmem_shared>> -> memref<10000x128xf32, #tpu.memory_space<vmem_shared>>
        tpu.enqueue_indirect_dma source(%arg13 : memref<80x128xf32, #tpu.memory_space<vmem>>) target(%dma_start3A_281 : memref<10000x128xf32, #tpu.memory_space<vmem_shared>>) offsets(%dma_start3A_278 : memref<80xi32, #tpu.memory_space<vmem>>) semaphore(%run_scoped3A_275 : memref<!tpu.dma_semaphore, #tpu.memory_space<semaphore_mem>>) {add = true}
        %dma_wait3A_282 = arith.constant 0 : i32
        %dma_wait3A_283 = tpu.memref_slice %arg15[%add3A_268, %dma_wait3A_282] : memref<25x80xi32, #tpu.memory_space<vmem>> -> memref<1x80xi32, #tpu.memory_space<vmem>>
        %dma_wait3A_284 = tpu.memref_squeeze %dma_wait3A_283 : memref<1x80xi32, #tpu.memory_space<vmem>> -> memref<80xi32, #tpu.memory_space<vmem>>
        %dma_wait3A_285 = arith.constant 0 : i32
        %dma_wait3A_286 = arith.constant 0 : i32
        %dma_wait3A_287 = tpu.memref_slice %arg7[%dma_wait3A_285, %dma_wait3A_286] : memref<10000x128xf32, #tpu.memory_space<vmem_shared>> -> memref<10000x128xf32, #tpu.memory_space<vmem_shared>>
        tpu.wait_indirect_dma semaphore(%run_scoped3A_275 : memref<!tpu.dma_semaphore, #tpu.memory_space<semaphore_mem>>) src(%arg13 : memref<80x128xf32, #tpu.memory_space<vmem>>) dst(%dma_wait3A_287 : memref<10000x128xf32, #tpu.memory_space<vmem_shared>>)
        tpu.yield
      }) : () -> ()
      "tpu.region"() ({
        %run_scoped3A_275 = tpu.sem_alloc : memref<!tpu.dma_semaphore, #tpu.memory_space<semaphore_mem>>
        %dma_start3A_276 = arith.constant 0 : i32
        %dma_start3A_277 = tpu.memref_slice %arg15[%add3A_268, %dma_start3A_276] : memref<25x80xi32, #tpu.memory_space<vmem>> -> memref<1x80xi32, #tpu.memory_space<vmem>>
        %dma_start3A_278 = tpu.memref_squeeze %dma_start3A_277 : memref<1x80xi32, #tpu.memory_space<vmem>> -> memref<80xi32, #tpu.memory_space<vmem>>
        %dma_start3A_279 = arith.constant 0 : i32
        %dma_start3A_280 = arith.constant 0 : i32
        %dma_start3A_281 = tpu.memref_slice %arg8[%dma_start3A_279, %dma_start3A_280] : memref<10000x16xf32, #tpu.memory_space<vmem_shared>> -> memref<10000x16xf32, #tpu.memory_space<vmem_shared>>
        tpu.enqueue_indirect_dma source(%arg11 : memref<80x16xf32, #tpu.memory_space<vmem>>) target(%dma_start3A_281 : memref<10000x16xf32, #tpu.memory_space<vmem_shared>>) offsets(%dma_start3A_278 : memref<80xi32, #tpu.memory_space<vmem>>) semaphore(%run_scoped3A_275 : memref<!tpu.dma_semaphore, #tpu.memory_space<semaphore_mem>>) {add = true}
        %dma_wait3A_282 = arith.constant 0 : i32
        %dma_wait3A_283 = tpu.memref_slice %arg15[%add3A_268, %dma_wait3A_282] : memref<25x80xi32, #tpu.memory_space<vmem>> -> memref<1x80xi32, #tpu.memory_space<vmem>>
        %dma_wait3A_284 = tpu.memref_squeeze %dma_wait3A_283 : memref<1x80xi32, #tpu.memory_space<vmem>> -> memref<80xi32, #tpu.memory_space<vmem>>
        %dma_wait3A_285 = arith.constant 0 : i32
        %dma_wait3A_286 = arith.constant 0 : i32
        %dma_wait3A_287 = tpu.memref_slice %arg8[%dma_wait3A_285, %dma_wait3A_286] : memref<10000x16xf32, #tpu.memory_space<vmem_shared>> -> memref<10000x16xf32, #tpu.memory_space<vmem_shared>>
        tpu.wait_indirect_dma semaphore(%run_scoped3A_275 : memref<!tpu.dma_semaphore, #tpu.memory_space<semaphore_mem>>) src(%arg11 : memref<80x16xf32, #tpu.memory_space<vmem>>) dst(%dma_wait3A_287 : memref<10000x16xf32, #tpu.memory_space<vmem_shared>>)
        tpu.yield
      }) : () -> ()
    }
    %scan3A_151 = arith.constant 12 : i32
    %add3A_152 = arith.constant 75 : i32
    %add3A_153 = arith.addi %mul3A_27, %add3A_152 : i32
    %dma_wait3A_154 = arith.constant 0 : i32
    %dma_wait3A_155 = tpu.memref_slice %arg3[%add3A_153, %dma_wait3A_154] : memref<4000x80xi32, #tpu.memory_space<hbm>> -> memref<25x80xi32, #tpu.memory_space<hbm>>
    %dma_wait3A_156 = arith.constant 0 : i32
    %dma_wait3A_157 = tpu.memref_slice %arg3[%add3A_153, %dma_wait3A_156] : memref<4000x80xi32, #tpu.memory_space<hbm>> -> memref<25x80xi32, #tpu.memory_space<hbm>>
    tpu.wait_dma2 semaphore(%arg21 : memref<!tpu.dma_semaphore, #tpu.memory_space<semaphore_mem>>) src(%dma_wait3A_157 : memref<25x80xi32, #tpu.memory_space<hbm>>) dst(%arg16 : memref<25x80xi32, #tpu.memory_space<vmem>>)
    %dma_wait3A_158 = arith.constant 0 : i32
    %dma_wait3A_159 = tpu.memref_slice %arg4[%add3A_153, %dma_wait3A_158] : memref<4000x80xi32, #tpu.memory_space<hbm>> -> memref<25x80xi32, #tpu.memory_space<hbm>>
    %dma_wait3A_160 = arith.constant 0 : i32
    %dma_wait3A_161 = tpu.memref_slice %arg4[%add3A_153, %dma_wait3A_160] : memref<4000x80xi32, #tpu.memory_space<hbm>> -> memref<25x80xi32, #tpu.memory_space<hbm>>
    tpu.wait_dma2 semaphore(%arg21 : memref<!tpu.dma_semaphore, #tpu.memory_space<semaphore_mem>>) src(%dma_wait3A_161 : memref<25x80xi32, #tpu.memory_space<hbm>>) dst(%arg17 : memref<25x80xi32, #tpu.memory_space<vmem>>)
    %dma_start3A_162 = arith.constant 0 : i32
    %dma_start3A_163 = arith.constant 0 : i32
    %dma_start3A_164 = tpu.memref_slice %arg16[%dma_start3A_162, %dma_start3A_163] : memref<25x80xi32, #tpu.memory_space<vmem>> -> memref<1x80xi32, #tpu.memory_space<vmem>>
    %dma_start3A_165 = tpu.memref_squeeze %dma_start3A_164 : memref<1x80xi32, #tpu.memory_space<vmem>> -> memref<80xi32, #tpu.memory_space<vmem>>
    %dma_start3A_166 = arith.constant 0 : i32
    %dma_start3A_167 = arith.constant 0 : i32
    %dma_start3A_168 = tpu.memref_slice %arg2[%dma_start3A_166, %dma_start3A_167] : memref<10000x128xf32, #tpu.memory_space<hbm>> -> memref<10000x128xf32, #tpu.memory_space<hbm>>
    tpu.enqueue_indirect_dma source(%dma_start3A_168 : memref<10000x128xf32, #tpu.memory_space<hbm>>) target(%arg13 : memref<80x128xf32, #tpu.memory_space<vmem>>) offsets(%dma_start3A_165 : memref<80xi32, #tpu.memory_space<vmem>>) semaphore(%arg19 : memref<!tpu.dma_semaphore, #tpu.memory_space<semaphore_mem>>)
    %dma_wait3A_169 = arith.constant 24 : i32
    %dma_wait3A_170 = arith.constant 0 : i32
    %dma_wait3A_171 = tpu.memref_slice %arg14[%dma_wait3A_169, %dma_wait3A_170] : memref<25x80xi32, #tpu.memory_space<vmem>> -> memref<1x80xi32, #tpu.memory_space<vmem>>
    %dma_wait3A_172 = tpu.memref_squeeze %dma_wait3A_171 : memref<1x80xi32, #tpu.memory_space<vmem>> -> memref<80xi32, #tpu.memory_space<vmem>>
    %dma_wait3A_173 = arith.constant 0 : i32
    %dma_wait3A_174 = arith.constant 0 : i32
    %dma_wait3A_175 = tpu.memref_slice %arg2[%dma_wait3A_173, %dma_wait3A_174] : memref<10000x128xf32, #tpu.memory_space<hbm>> -> memref<10000x128xf32, #tpu.memory_space<hbm>>
    tpu.wait_indirect_dma semaphore(%arg18 : memref<!tpu.dma_semaphore, #tpu.memory_space<semaphore_mem>>) src(%dma_wait3A_175 : memref<10000x128xf32, #tpu.memory_space<hbm>>) dst(%arg12 : memref<80x128xf32, #tpu.memory_space<vmem>>)
    %run_scoped3A_176 = arith.constant 24 : i32
    "tpu.region"() ({
      %run_scoped3A_242 = tpu.sem_alloc : memref<!tpu.dma_semaphore, #tpu.memory_space<semaphore_mem>>
      %dma_start3A_243 = arith.constant 0 : i32
      %dma_start3A_244 = tpu.memref_slice %arg15[%run_scoped3A_176, %dma_start3A_243] : memref<25x80xi32, #tpu.memory_space<vmem>> -> memref<1x80xi32, #tpu.memory_space<vmem>>
      %dma_start3A_245 = tpu.memref_squeeze %dma_start3A_244 : memref<1x80xi32, #tpu.memory_space<vmem>> -> memref<80xi32, #tpu.memory_space<vmem>>
      %dma_start3A_246 = arith.constant 0 : i32
      %dma_start3A_247 = arith.constant 0 : i32
      %dma_start3A_248 = tpu.memref_slice %arg7[%dma_start3A_246, %dma_start3A_247] : memref<10000x128xf32, #tpu.memory_space<vmem_shared>> -> memref<10000x128xf32, #tpu.memory_space<vmem_shared>>
      tpu.enqueue_indirect_dma source(%arg12 : memref<80x128xf32, #tpu.memory_space<vmem>>) target(%dma_start3A_248 : memref<10000x128xf32, #tpu.memory_space<vmem_shared>>) offsets(%dma_start3A_245 : memref<80xi32, #tpu.memory_space<vmem>>) semaphore(%run_scoped3A_242 : memref<!tpu.dma_semaphore, #tpu.memory_space<semaphore_mem>>) {add = true}
      %dma_wait3A_249 = arith.constant 0 : i32
      %dma_wait3A_250 = tpu.memref_slice %arg15[%run_scoped3A_176, %dma_wait3A_249] : memref<25x80xi32, #tpu.memory_space<vmem>> -> memref<1x80xi32, #tpu.memory_space<vmem>>
      %dma_wait3A_251 = tpu.memref_squeeze %dma_wait3A_250 : memref<1x80xi32, #tpu.memory_space<vmem>> -> memref<80xi32, #tpu.memory_space<vmem>>
      %dma_wait3A_252 = arith.constant 0 : i32
      %dma_wait3A_253 = arith.constant 0 : i32
      %dma_wait3A_254 = tpu.memref_slice %arg7[%dma_wait3A_252, %dma_wait3A_253] : memref<10000x128xf32, #tpu.memory_space<vmem_shared>> -> memref<10000x128xf32, #tpu.memory_space<vmem_shared>>
      tpu.wait_indirect_dma semaphore(%run_scoped3A_242 : memref<!tpu.dma_semaphore, #tpu.memory_space<semaphore_mem>>) src(%arg12 : memref<80x128xf32, #tpu.memory_space<vmem>>) dst(%dma_wait3A_254 : memref<10000x128xf32, #tpu.memory_space<vmem_shared>>)
      tpu.yield
    }) : () -> ()
    %run_scoped3A_177 = arith.constant 24 : i32
    "tpu.region"() ({
      %run_scoped3A_242 = tpu.sem_alloc : memref<!tpu.dma_semaphore, #tpu.memory_space<semaphore_mem>>
      %dma_start3A_243 = arith.constant 0 : i32
      %dma_start3A_244 = tpu.memref_slice %arg15[%run_scoped3A_177, %dma_start3A_243] : memref<25x80xi32, #tpu.memory_space<vmem>> -> memref<1x80xi32, #tpu.memory_space<vmem>>
      %dma_start3A_245 = tpu.memref_squeeze %dma_start3A_244 : memref<1x80xi32, #tpu.memory_space<vmem>> -> memref<80xi32, #tpu.memory_space<vmem>>
      %dma_start3A_246 = arith.constant 0 : i32
      %dma_start3A_247 = arith.constant 0 : i32
      %dma_start3A_248 = tpu.memref_slice %arg8[%dma_start3A_246, %dma_start3A_247] : memref<10000x16xf32, #tpu.memory_space<vmem_shared>> -> memref<10000x16xf32, #tpu.memory_space<vmem_shared>>
      tpu.enqueue_indirect_dma source(%arg11 : memref<80x16xf32, #tpu.memory_space<vmem>>) target(%dma_start3A_248 : memref<10000x16xf32, #tpu.memory_space<vmem_shared>>) offsets(%dma_start3A_245 : memref<80xi32, #tpu.memory_space<vmem>>) semaphore(%run_scoped3A_242 : memref<!tpu.dma_semaphore, #tpu.memory_space<semaphore_mem>>) {add = true}
      %dma_wait3A_249 = arith.constant 0 : i32
      %dma_wait3A_250 = tpu.memref_slice %arg15[%run_scoped3A_177, %dma_wait3A_249] : memref<25x80xi32, #tpu.memory_space<vmem>> -> memref<1x80xi32, #tpu.memory_space<vmem>>
      %dma_wait3A_251 = tpu.memref_squeeze %dma_wait3A_250 : memref<1x80xi32, #tpu.memory_space<vmem>> -> memref<80xi32, #tpu.memory_space<vmem>>
      %dma_wait3A_252 = arith.constant 0 : i32
      %dma_wait3A_253 = arith.constant 0 : i32
      %dma_wait3A_254 = tpu.memref_slice %arg8[%dma_wait3A_252, %dma_wait3A_253] : memref<10000x16xf32, #tpu.memory_space<vmem_shared>> -> memref<10000x16xf32, #tpu.memory_space<vmem_shared>>
      tpu.wait_indirect_dma semaphore(%run_scoped3A_242 : memref<!tpu.dma_semaphore, #tpu.memory_space<semaphore_mem>>) src(%arg11 : memref<80x16xf32, #tpu.memory_space<vmem>>) dst(%dma_wait3A_254 : memref<10000x16xf32, #tpu.memory_space<vmem_shared>>)
      tpu.yield
    }) : () -> ()
    %add3A_178 = arith.constant 100 : i32
    %add3A_179 = arith.addi %mul3A_27, %add3A_178 : i32
    %dma_start3A_180 = arith.constant 0 : i32
    %dma_start3A_181 = tpu.memref_slice %arg3[%add3A_179, %dma_start3A_180] : memref<4000x80xi32, #tpu.memory_space<hbm>> -> memref<25x80xi32, #tpu.memory_space<hbm>>
    %dma_start3A_182 = arith.constant 0 : i32
    %dma_start3A_183 = tpu.memref_slice %arg3[%add3A_179, %dma_start3A_182] : memref<4000x80xi32, #tpu.memory_space<hbm>> -> memref<25x80xi32, #tpu.memory_space<hbm>>
    tpu.enqueue_dma source(%dma_start3A_183 : memref<25x80xi32, #tpu.memory_space<hbm>>) target(%arg14 : memref<25x80xi32, #tpu.memory_space<vmem>>) target_semaphore(%arg20 : memref<!tpu.dma_semaphore, #tpu.memory_space<semaphore_mem>>)
    %dma_start3A_184 = arith.constant 0 : i32
    %dma_start3A_185 = tpu.memref_slice %arg4[%add3A_179, %dma_start3A_184] : memref<4000x80xi32, #tpu.memory_space<hbm>> -> memref<25x80xi32, #tpu.memory_space<hbm>>
    %dma_start3A_186 = arith.constant 0 : i32
    %dma_start3A_187 = tpu.memref_slice %arg4[%add3A_179, %dma_start3A_186] : memref<4000x80xi32, #tpu.memory_space<hbm>> -> memref<25x80xi32, #tpu.memory_space<hbm>>
    tpu.enqueue_dma source(%dma_start3A_187 : memref<25x80xi32, #tpu.memory_space<hbm>>) target(%arg15 : memref<25x80xi32, #tpu.memory_space<vmem>>) target_semaphore(%arg20 : memref<!tpu.dma_semaphore, #tpu.memory_space<semaphore_mem>>)
    %scan3A_188 = arith.constant 0 : i32
    %scan3A_189 = arith.constant 0 : i32
    %scan3A_190 = arith.constant 12 : i32
    %scan3A_191 = arith.addi %scan3A_189, %scan3A_190 : i32
    %scan3A_192 = arith.constant 1 : i32
    scf.for %scan3A_242 = %scan3A_189 to %scan3A_191 step %scan3A_192  : i32 {
      %mul3A_243 = arith.constant 2 : i32
      %mul3A_244 = arith.muli %scan3A_242, %mul3A_243 : i32
      %add3A_245 = arith.constant 1 : i32
      %add3A_246 = arith.addi %mul3A_244, %add3A_245 : i32
      %dma_start3A_247 = arith.constant 0 : i32
      %dma_start3A_248 = tpu.memref_slice %arg16[%add3A_246, %dma_start3A_247] : memref<25x80xi32, #tpu.memory_space<vmem>> -> memref<1x80xi32, #tpu.memory_space<vmem>>
      %dma_start3A_249 = tpu.memref_squeeze %dma_start3A_248 : memref<1x80xi32, #tpu.memory_space<vmem>> -> memref<80xi32, #tpu.memory_space<vmem>>
      %dma_start3A_250 = arith.constant 0 : i32
      %dma_start3A_251 = arith.constant 0 : i32
      %dma_start3A_252 = tpu.memref_slice %arg2[%dma_start3A_250, %dma_start3A_251] : memref<10000x128xf32, #tpu.memory_space<hbm>> -> memref<10000x128xf32, #tpu.memory_space<hbm>>
      tpu.enqueue_indirect_dma source(%dma_start3A_252 : memref<10000x128xf32, #tpu.memory_space<hbm>>) target(%arg12 : memref<80x128xf32, #tpu.memory_space<vmem>>) offsets(%dma_start3A_249 : memref<80xi32, #tpu.memory_space<vmem>>) semaphore(%arg18 : memref<!tpu.dma_semaphore, #tpu.memory_space<semaphore_mem>>)
      %dma_wait3A_253 = arith.constant 0 : i32
      %dma_wait3A_254 = tpu.memref_slice %arg16[%mul3A_244, %dma_wait3A_253] : memref<25x80xi32, #tpu.memory_space<vmem>> -> memref<1x80xi32, #tpu.memory_space<vmem>>
      %dma_wait3A_255 = tpu.memref_squeeze %dma_wait3A_254 : memref<1x80xi32, #tpu.memory_space<vmem>> -> memref<80xi32, #tpu.memory_space<vmem>>
      %dma_wait3A_256 = arith.constant 0 : i32
      %dma_wait3A_257 = arith.constant 0 : i32
      %dma_wait3A_258 = tpu.memref_slice %arg2[%dma_wait3A_256, %dma_wait3A_257] : memref<10000x128xf32, #tpu.memory_space<hbm>> -> memref<10000x128xf32, #tpu.memory_space<hbm>>
      tpu.wait_indirect_dma semaphore(%arg19 : memref<!tpu.dma_semaphore, #tpu.memory_space<semaphore_mem>>) src(%dma_wait3A_258 : memref<10000x128xf32, #tpu.memory_space<hbm>>) dst(%arg13 : memref<80x128xf32, #tpu.memory_space<vmem>>)
      "tpu.region"() ({
        %run_scoped3A_275 = tpu.sem_alloc : memref<!tpu.dma_semaphore, #tpu.memory_space<semaphore_mem>>
        %dma_start3A_276 = arith.constant 0 : i32
        %dma_start3A_277 = tpu.memref_slice %arg17[%mul3A_244, %dma_start3A_276] : memref<25x80xi32, #tpu.memory_space<vmem>> -> memref<1x80xi32, #tpu.memory_space<vmem>>
        %dma_start3A_278 = tpu.memref_squeeze %dma_start3A_277 : memref<1x80xi32, #tpu.memory_space<vmem>> -> memref<80xi32, #tpu.memory_space<vmem>>
        %dma_start3A_279 = arith.constant 0 : i32
        %dma_start3A_280 = arith.constant 0 : i32
        %dma_start3A_281 = tpu.memref_slice %arg7[%dma_start3A_279, %dma_start3A_280] : memref<10000x128xf32, #tpu.memory_space<vmem_shared>> -> memref<10000x128xf32, #tpu.memory_space<vmem_shared>>
        tpu.enqueue_indirect_dma source(%arg13 : memref<80x128xf32, #tpu.memory_space<vmem>>) target(%dma_start3A_281 : memref<10000x128xf32, #tpu.memory_space<vmem_shared>>) offsets(%dma_start3A_278 : memref<80xi32, #tpu.memory_space<vmem>>) semaphore(%run_scoped3A_275 : memref<!tpu.dma_semaphore, #tpu.memory_space<semaphore_mem>>) {add = true}
        %dma_wait3A_282 = arith.constant 0 : i32
        %dma_wait3A_283 = tpu.memref_slice %arg17[%mul3A_244, %dma_wait3A_282] : memref<25x80xi32, #tpu.memory_space<vmem>> -> memref<1x80xi32, #tpu.memory_space<vmem>>
        %dma_wait3A_284 = tpu.memref_squeeze %dma_wait3A_283 : memref<1x80xi32, #tpu.memory_space<vmem>> -> memref<80xi32, #tpu.memory_space<vmem>>
        %dma_wait3A_285 = arith.constant 0 : i32
        %dma_wait3A_286 = arith.constant 0 : i32
        %dma_wait3A_287 = tpu.memref_slice %arg7[%dma_wait3A_285, %dma_wait3A_286] : memref<10000x128xf32, #tpu.memory_space<vmem_shared>> -> memref<10000x128xf32, #tpu.memory_space<vmem_shared>>
        tpu.wait_indirect_dma semaphore(%run_scoped3A_275 : memref<!tpu.dma_semaphore, #tpu.memory_space<semaphore_mem>>) src(%arg13 : memref<80x128xf32, #tpu.memory_space<vmem>>) dst(%dma_wait3A_287 : memref<10000x128xf32, #tpu.memory_space<vmem_shared>>)
        tpu.yield
      }) : () -> ()
      "tpu.region"() ({
        %run_scoped3A_275 = tpu.sem_alloc : memref<!tpu.dma_semaphore, #tpu.memory_space<semaphore_mem>>
        %dma_start3A_276 = arith.constant 0 : i32
        %dma_start3A_277 = tpu.memref_slice %arg17[%mul3A_244, %dma_start3A_276] : memref<25x80xi32, #tpu.memory_space<vmem>> -> memref<1x80xi32, #tpu.memory_space<vmem>>
        %dma_start3A_278 = tpu.memref_squeeze %dma_start3A_277 : memref<1x80xi32, #tpu.memory_space<vmem>> -> memref<80xi32, #tpu.memory_space<vmem>>
        %dma_start3A_279 = arith.constant 0 : i32
        %dma_start3A_280 = arith.constant 0 : i32
        %dma_start3A_281 = tpu.memref_slice %arg8[%dma_start3A_279, %dma_start3A_280] : memref<10000x16xf32, #tpu.memory_space<vmem_shared>> -> memref<10000x16xf32, #tpu.memory_space<vmem_shared>>
        tpu.enqueue_indirect_dma source(%arg11 : memref<80x16xf32, #tpu.memory_space<vmem>>) target(%dma_start3A_281 : memref<10000x16xf32, #tpu.memory_space<vmem_shared>>) offsets(%dma_start3A_278 : memref<80xi32, #tpu.memory_space<vmem>>) semaphore(%run_scoped3A_275 : memref<!tpu.dma_semaphore, #tpu.memory_space<semaphore_mem>>) {add = true}
        %dma_wait3A_282 = arith.constant 0 : i32
        %dma_wait3A_283 = tpu.memref_slice %arg17[%mul3A_244, %dma_wait3A_282] : memref<25x80xi32, #tpu.memory_space<vmem>> -> memref<1x80xi32, #tpu.memory_space<vmem>>
        %dma_wait3A_284 = tpu.memref_squeeze %dma_wait3A_283 : memref<1x80xi32, #tpu.memory_space<vmem>> -> memref<80xi32, #tpu.memory_space<vmem>>
        %dma_wait3A_285 = arith.constant 0 : i32
        %dma_wait3A_286 = arith.constant 0 : i32
        %dma_wait3A_287 = tpu.memref_slice %arg8[%dma_wait3A_285, %dma_wait3A_286] : memref<10000x16xf32, #tpu.memory_space<vmem_shared>> -> memref<10000x16xf32, #tpu.memory_space<vmem_shared>>
        tpu.wait_indirect_dma semaphore(%run_scoped3A_275 : memref<!tpu.dma_semaphore, #tpu.memory_space<semaphore_mem>>) src(%arg11 : memref<80x16xf32, #tpu.memory_space<vmem>>) dst(%dma_wait3A_287 : memref<10000x16xf32, #tpu.memory_space<vmem_shared>>)
        tpu.yield
      }) : () -> ()
      %add3A_259 = arith.constant 2 : i32
      %add3A_260 = arith.addi %mul3A_244, %add3A_259 : i32
      %dma_start3A_261 = arith.constant 0 : i32
      %dma_start3A_262 = tpu.memref_slice %arg16[%add3A_260, %dma_start3A_261] : memref<25x80xi32, #tpu.memory_space<vmem>> -> memref<1x80xi32, #tpu.memory_space<vmem>>
      %dma_start3A_263 = tpu.memref_squeeze %dma_start3A_262 : memref<1x80xi32, #tpu.memory_space<vmem>> -> memref<80xi32, #tpu.memory_space<vmem>>
      %dma_start3A_264 = arith.constant 0 : i32
      %dma_start3A_265 = arith.constant 0 : i32
      %dma_start3A_266 = tpu.memref_slice %arg2[%dma_start3A_264, %dma_start3A_265] : memref<10000x128xf32, #tpu.memory_space<hbm>> -> memref<10000x128xf32, #tpu.memory_space<hbm>>
      tpu.enqueue_indirect_dma source(%dma_start3A_266 : memref<10000x128xf32, #tpu.memory_space<hbm>>) target(%arg13 : memref<80x128xf32, #tpu.memory_space<vmem>>) offsets(%dma_start3A_263 : memref<80xi32, #tpu.memory_space<vmem>>) semaphore(%arg19 : memref<!tpu.dma_semaphore, #tpu.memory_space<semaphore_mem>>)
      %add3A_267 = arith.constant 1 : i32
      %add3A_268 = arith.addi %mul3A_244, %add3A_267 : i32
      %dma_wait3A_269 = arith.constant 0 : i32
      %dma_wait3A_270 = tpu.memref_slice %arg16[%add3A_268, %dma_wait3A_269] : memref<25x80xi32, #tpu.memory_space<vmem>> -> memref<1x80xi32, #tpu.memory_space<vmem>>
      %dma_wait3A_271 = tpu.memref_squeeze %dma_wait3A_270 : memref<1x80xi32, #tpu.memory_space<vmem>> -> memref<80xi32, #tpu.memory_space<vmem>>
      %dma_wait3A_272 = arith.constant 0 : i32
      %dma_wait3A_273 = arith.constant 0 : i32
      %dma_wait3A_274 = tpu.memref_slice %arg2[%dma_wait3A_272, %dma_wait3A_273] : memref<10000x128xf32, #tpu.memory_space<hbm>> -> memref<10000x128xf32, #tpu.memory_space<hbm>>
      tpu.wait_indirect_dma semaphore(%arg18 : memref<!tpu.dma_semaphore, #tpu.memory_space<semaphore_mem>>) src(%dma_wait3A_274 : memref<10000x128xf32, #tpu.memory_space<hbm>>) dst(%arg12 : memref<80x128xf32, #tpu.memory_space<vmem>>)
      "tpu.region"() ({
        %run_scoped3A_275 = tpu.sem_alloc : memref<!tpu.dma_semaphore, #tpu.memory_space<semaphore_mem>>
        %dma_start3A_276 = arith.constant 0 : i32
        %dma_start3A_277 = tpu.memref_slice %arg17[%add3A_268, %dma_start3A_276] : memref<25x80xi32, #tpu.memory_space<vmem>> -> memref<1x80xi32, #tpu.memory_space<vmem>>
        %dma_start3A_278 = tpu.memref_squeeze %dma_start3A_277 : memref<1x80xi32, #tpu.memory_space<vmem>> -> memref<80xi32, #tpu.memory_space<vmem>>
        %dma_start3A_279 = arith.constant 0 : i32
        %dma_start3A_280 = arith.constant 0 : i32
        %dma_start3A_281 = tpu.memref_slice %arg7[%dma_start3A_279, %dma_start3A_280] : memref<10000x128xf32, #tpu.memory_space<vmem_shared>> -> memref<10000x128xf32, #tpu.memory_space<vmem_shared>>
        tpu.enqueue_indirect_dma source(%arg12 : memref<80x128xf32, #tpu.memory_space<vmem>>) target(%dma_start3A_281 : memref<10000x128xf32, #tpu.memory_space<vmem_shared>>) offsets(%dma_start3A_278 : memref<80xi32, #tpu.memory_space<vmem>>) semaphore(%run_scoped3A_275 : memref<!tpu.dma_semaphore, #tpu.memory_space<semaphore_mem>>) {add = true}
        %dma_wait3A_282 = arith.constant 0 : i32
        %dma_wait3A_283 = tpu.memref_slice %arg17[%add3A_268, %dma_wait3A_282] : memref<25x80xi32, #tpu.memory_space<vmem>> -> memref<1x80xi32, #tpu.memory_space<vmem>>
        %dma_wait3A_284 = tpu.memref_squeeze %dma_wait3A_283 : memref<1x80xi32, #tpu.memory_space<vmem>> -> memref<80xi32, #tpu.memory_space<vmem>>
        %dma_wait3A_285 = arith.constant 0 : i32
        %dma_wait3A_286 = arith.constant 0 : i32
        %dma_wait3A_287 = tpu.memref_slice %arg7[%dma_wait3A_285, %dma_wait3A_286] : memref<10000x128xf32, #tpu.memory_space<vmem_shared>> -> memref<10000x128xf32, #tpu.memory_space<vmem_shared>>
        tpu.wait_indirect_dma semaphore(%run_scoped3A_275 : memref<!tpu.dma_semaphore, #tpu.memory_space<semaphore_mem>>) src(%arg12 : memref<80x128xf32, #tpu.memory_space<vmem>>) dst(%dma_wait3A_287 : memref<10000x128xf32, #tpu.memory_space<vmem_shared>>)
        tpu.yield
      }) : () -> ()
      "tpu.region"() ({
        %run_scoped3A_275 = tpu.sem_alloc : memref<!tpu.dma_semaphore, #tpu.memory_space<semaphore_mem>>
        %dma_start3A_276 = arith.constant 0 : i32
        %dma_start3A_277 = tpu.memref_slice %arg17[%add3A_268, %dma_start3A_276] : memref<25x80xi32, #tpu.memory_space<vmem>> -> memref<1x80xi32, #tpu.memory_space<vmem>>
        %dma_start3A_278 = tpu.memref_squeeze %dma_start3A_277 : memref<1x80xi32, #tpu.memory_space<vmem>> -> memref<80xi32, #tpu.memory_space<vmem>>
        %dma_start3A_279 = arith.constant 0 : i32
        %dma_start3A_280 = arith.constant 0 : i32
        %dma_start3A_281 = tpu.memref_slice %arg8[%dma_start3A_279, %dma_start3A_280] : memref<10000x16xf32, #tpu.memory_space<vmem_shared>> -> memref<10000x16xf32, #tpu.memory_space<vmem_shared>>
        tpu.enqueue_indirect_dma source(%arg11 : memref<80x16xf32, #tpu.memory_space<vmem>>) target(%dma_start3A_281 : memref<10000x16xf32, #tpu.memory_space<vmem_shared>>) offsets(%dma_start3A_278 : memref<80xi32, #tpu.memory_space<vmem>>) semaphore(%run_scoped3A_275 : memref<!tpu.dma_semaphore, #tpu.memory_space<semaphore_mem>>) {add = true}
        %dma_wait3A_282 = arith.constant 0 : i32
        %dma_wait3A_283 = tpu.memref_slice %arg17[%add3A_268, %dma_wait3A_282] : memref<25x80xi32, #tpu.memory_space<vmem>> -> memref<1x80xi32, #tpu.memory_space<vmem>>
        %dma_wait3A_284 = tpu.memref_squeeze %dma_wait3A_283 : memref<1x80xi32, #tpu.memory_space<vmem>> -> memref<80xi32, #tpu.memory_space<vmem>>
        %dma_wait3A_285 = arith.constant 0 : i32
        %dma_wait3A_286 = arith.constant 0 : i32
        %dma_wait3A_287 = tpu.memref_slice %arg8[%dma_wait3A_285, %dma_wait3A_286] : memref<10000x16xf32, #tpu.memory_space<vmem_shared>> -> memref<10000x16xf32, #tpu.memory_space<vmem_shared>>
        tpu.wait_indirect_dma semaphore(%run_scoped3A_275 : memref<!tpu.dma_semaphore, #tpu.memory_space<semaphore_mem>>) src(%arg11 : memref<80x16xf32, #tpu.memory_space<vmem>>) dst(%dma_wait3A_287 : memref<10000x16xf32, #tpu.memory_space<vmem_shared>>)
        tpu.yield
      }) : () -> ()
    }
    %scan3A_193 = arith.constant 12 : i32
    %add3A_194 = arith.constant 100 : i32
    %add3A_195 = arith.addi %mul3A_27, %add3A_194 : i32
    %dma_wait3A_196 = arith.constant 0 : i32
    %dma_wait3A_197 = tpu.memref_slice %arg3[%add3A_195, %dma_wait3A_196] : memref<4000x80xi32, #tpu.memory_space<hbm>> -> memref<25x80xi32, #tpu.memory_space<hbm>>
    %dma_wait3A_198 = arith.constant 0 : i32
    %dma_wait3A_199 = tpu.memref_slice %arg3[%add3A_195, %dma_wait3A_198] : memref<4000x80xi32, #tpu.memory_space<hbm>> -> memref<25x80xi32, #tpu.memory_space<hbm>>
    tpu.wait_dma2 semaphore(%arg20 : memref<!tpu.dma_semaphore, #tpu.memory_space<semaphore_mem>>) src(%dma_wait3A_199 : memref<25x80xi32, #tpu.memory_space<hbm>>) dst(%arg14 : memref<25x80xi32, #tpu.memory_space<vmem>>)
    %dma_wait3A_200 = arith.constant 0 : i32
    %dma_wait3A_201 = tpu.memref_slice %arg4[%add3A_195, %dma_wait3A_200] : memref<4000x80xi32, #tpu.memory_space<hbm>> -> memref<25x80xi32, #tpu.memory_space<hbm>>
    %dma_wait3A_202 = arith.constant 0 : i32
    %dma_wait3A_203 = tpu.memref_slice %arg4[%add3A_195, %dma_wait3A_202] : memref<4000x80xi32, #tpu.memory_space<hbm>> -> memref<25x80xi32, #tpu.memory_space<hbm>>
    tpu.wait_dma2 semaphore(%arg20 : memref<!tpu.dma_semaphore, #tpu.memory_space<semaphore_mem>>) src(%dma_wait3A_203 : memref<25x80xi32, #tpu.memory_space<hbm>>) dst(%arg15 : memref<25x80xi32, #tpu.memory_space<vmem>>)
    %dma_start3A_204 = arith.constant 0 : i32
    %dma_start3A_205 = arith.constant 0 : i32
    %dma_start3A_206 = tpu.memref_slice %arg14[%dma_start3A_204, %dma_start3A_205] : memref<25x80xi32, #tpu.memory_space<vmem>> -> memref<1x80xi32, #tpu.memory_space<vmem>>
    %dma_start3A_207 = tpu.memref_squeeze %dma_start3A_206 : memref<1x80xi32, #tpu.memory_space<vmem>> -> memref<80xi32, #tpu.memory_space<vmem>>
    %dma_start3A_208 = arith.constant 0 : i32
    %dma_start3A_209 = arith.constant 0 : i32
    %dma_start3A_210 = tpu.memref_slice %arg2[%dma_start3A_208, %dma_start3A_209] : memref<10000x128xf32, #tpu.memory_space<hbm>> -> memref<10000x128xf32, #tpu.memory_space<hbm>>
    tpu.enqueue_indirect_dma source(%dma_start3A_210 : memref<10000x128xf32, #tpu.memory_space<hbm>>) target(%arg12 : memref<80x128xf32, #tpu.memory_space<vmem>>) offsets(%dma_start3A_207 : memref<80xi32, #tpu.memory_space<vmem>>) semaphore(%arg18 : memref<!tpu.dma_semaphore, #tpu.memory_space<semaphore_mem>>)
    %dma_wait3A_211 = arith.constant 24 : i32
    %dma_wait3A_212 = arith.constant 0 : i32
    %dma_wait3A_213 = tpu.memref_slice %arg16[%dma_wait3A_211, %dma_wait3A_212] : memref<25x80xi32, #tpu.memory_space<vmem>> -> memref<1x80xi32, #tpu.memory_space<vmem>>
    %dma_wait3A_214 = tpu.memref_squeeze %dma_wait3A_213 : memref<1x80xi32, #tpu.memory_space<vmem>> -> memref<80xi32, #tpu.memory_space<vmem>>
    %dma_wait3A_215 = arith.constant 0 : i32
    %dma_wait3A_216 = arith.constant 0 : i32
    %dma_wait3A_217 = tpu.memref_slice %arg2[%dma_wait3A_215, %dma_wait3A_216] : memref<10000x128xf32, #tpu.memory_space<hbm>> -> memref<10000x128xf32, #tpu.memory_space<hbm>>
    tpu.wait_indirect_dma semaphore(%arg19 : memref<!tpu.dma_semaphore, #tpu.memory_space<semaphore_mem>>) src(%dma_wait3A_217 : memref<10000x128xf32, #tpu.memory_space<hbm>>) dst(%arg13 : memref<80x128xf32, #tpu.memory_space<vmem>>)
    %run_scoped3A_218 = arith.constant 24 : i32
    "tpu.region"() ({
      %run_scoped3A_242 = tpu.sem_alloc : memref<!tpu.dma_semaphore, #tpu.memory_space<semaphore_mem>>
      %dma_start3A_243 = arith.constant 0 : i32
      %dma_start3A_244 = tpu.memref_slice %arg17[%run_scoped3A_218, %dma_start3A_243] : memref<25x80xi32, #tpu.memory_space<vmem>> -> memref<1x80xi32, #tpu.memory_space<vmem>>
      %dma_start3A_245 = tpu.memref_squeeze %dma_start3A_244 : memref<1x80xi32, #tpu.memory_space<vmem>> -> memref<80xi32, #tpu.memory_space<vmem>>
      %dma_start3A_246 = arith.constant 0 : i32
      %dma_start3A_247 = arith.constant 0 : i32
      %dma_start3A_248 = tpu.memref_slice %arg7[%dma_start3A_246, %dma_start3A_247] : memref<10000x128xf32, #tpu.memory_space<vmem_shared>> -> memref<10000x128xf32, #tpu.memory_space<vmem_shared>>
      tpu.enqueue_indirect_dma source(%arg13 : memref<80x128xf32, #tpu.memory_space<vmem>>) target(%dma_start3A_248 : memref<10000x128xf32, #tpu.memory_space<vmem_shared>>) offsets(%dma_start3A_245 : memref<80xi32, #tpu.memory_space<vmem>>) semaphore(%run_scoped3A_242 : memref<!tpu.dma_semaphore, #tpu.memory_space<semaphore_mem>>) {add = true}
      %dma_wait3A_249 = arith.constant 0 : i32
      %dma_wait3A_250 = tpu.memref_slice %arg17[%run_scoped3A_218, %dma_wait3A_249] : memref<25x80xi32, #tpu.memory_space<vmem>> -> memref<1x80xi32, #tpu.memory_space<vmem>>
      %dma_wait3A_251 = tpu.memref_squeeze %dma_wait3A_250 : memref<1x80xi32, #tpu.memory_space<vmem>> -> memref<80xi32, #tpu.memory_space<vmem>>
      %dma_wait3A_252 = arith.constant 0 : i32
      %dma_wait3A_253 = arith.constant 0 : i32
      %dma_wait3A_254 = tpu.memref_slice %arg7[%dma_wait3A_252, %dma_wait3A_253] : memref<10000x128xf32, #tpu.memory_space<vmem_shared>> -> memref<10000x128xf32, #tpu.memory_space<vmem_shared>>
      tpu.wait_indirect_dma semaphore(%run_scoped3A_242 : memref<!tpu.dma_semaphore, #tpu.memory_space<semaphore_mem>>) src(%arg13 : memref<80x128xf32, #tpu.memory_space<vmem>>) dst(%dma_wait3A_254 : memref<10000x128xf32, #tpu.memory_space<vmem_shared>>)
      tpu.yield
    }) : () -> ()
    %run_scoped3A_219 = arith.constant 24 : i32
    "tpu.region"() ({
      %run_scoped3A_242 = tpu.sem_alloc : memref<!tpu.dma_semaphore, #tpu.memory_space<semaphore_mem>>
      %dma_start3A_243 = arith.constant 0 : i32
      %dma_start3A_244 = tpu.memref_slice %arg17[%run_scoped3A_219, %dma_start3A_243] : memref<25x80xi32, #tpu.memory_space<vmem>> -> memref<1x80xi32, #tpu.memory_space<vmem>>
      %dma_start3A_245 = tpu.memref_squeeze %dma_start3A_244 : memref<1x80xi32, #tpu.memory_space<vmem>> -> memref<80xi32, #tpu.memory_space<vmem>>
      %dma_start3A_246 = arith.constant 0 : i32
      %dma_start3A_247 = arith.constant 0 : i32
      %dma_start3A_248 = tpu.memref_slice %arg8[%dma_start3A_246, %dma_start3A_247] : memref<10000x16xf32, #tpu.memory_space<vmem_shared>> -> memref<10000x16xf32, #tpu.memory_space<vmem_shared>>
      tpu.enqueue_indirect_dma source(%arg11 : memref<80x16xf32, #tpu.memory_space<vmem>>) target(%dma_start3A_248 : memref<10000x16xf32, #tpu.memory_space<vmem_shared>>) offsets(%dma_start3A_245 : memref<80xi32, #tpu.memory_space<vmem>>) semaphore(%run_scoped3A_242 : memref<!tpu.dma_semaphore, #tpu.memory_space<semaphore_mem>>) {add = true}
      %dma_wait3A_249 = arith.constant 0 : i32
      %dma_wait3A_250 = tpu.memref_slice %arg17[%run_scoped3A_219, %dma_wait3A_249] : memref<25x80xi32, #tpu.memory_space<vmem>> -> memref<1x80xi32, #tpu.memory_space<vmem>>
      %dma_wait3A_251 = tpu.memref_squeeze %dma_wait3A_250 : memref<1x80xi32, #tpu.memory_space<vmem>> -> memref<80xi32, #tpu.memory_space<vmem>>
      %dma_wait3A_252 = arith.constant 0 : i32
      %dma_wait3A_253 = arith.constant 0 : i32
      %dma_wait3A_254 = tpu.memref_slice %arg8[%dma_wait3A_252, %dma_wait3A_253] : memref<10000x16xf32, #tpu.memory_space<vmem_shared>> -> memref<10000x16xf32, #tpu.memory_space<vmem_shared>>
      tpu.wait_indirect_dma semaphore(%run_scoped3A_242 : memref<!tpu.dma_semaphore, #tpu.memory_space<semaphore_mem>>) src(%arg11 : memref<80x16xf32, #tpu.memory_space<vmem>>) dst(%dma_wait3A_254 : memref<10000x16xf32, #tpu.memory_space<vmem_shared>>)
      tpu.yield
    }) : () -> ()
    %scan3A_220 = arith.constant 0 : i32
    %scan3A_221 = arith.constant 0 : i32
    %scan3A_222 = arith.constant 12 : i32
    %scan3A_223 = arith.addi %scan3A_221, %scan3A_222 : i32
    %scan3A_224 = arith.constant 1 : i32
    scf.for %scan3A_242 = %scan3A_221 to %scan3A_223 step %scan3A_224  : i32 {
      %mul3A_243 = arith.constant 2 : i32
      %mul3A_244 = arith.muli %scan3A_242, %mul3A_243 : i32
      %add3A_245 = arith.constant 1 : i32
      %add3A_246 = arith.addi %mul3A_244, %add3A_245 : i32
      %dma_start3A_247 = arith.constant 0 : i32
      %dma_start3A_248 = tpu.memref_slice %arg14[%add3A_246, %dma_start3A_247] : memref<25x80xi32, #tpu.memory_space<vmem>> -> memref<1x80xi32, #tpu.memory_space<vmem>>
      %dma_start3A_249 = tpu.memref_squeeze %dma_start3A_248 : memref<1x80xi32, #tpu.memory_space<vmem>> -> memref<80xi32, #tpu.memory_space<vmem>>
      %dma_start3A_250 = arith.constant 0 : i32
      %dma_start3A_251 = arith.constant 0 : i32
      %dma_start3A_252 = tpu.memref_slice %arg2[%dma_start3A_250, %dma_start3A_251] : memref<10000x128xf32, #tpu.memory_space<hbm>> -> memref<10000x128xf32, #tpu.memory_space<hbm>>
      tpu.enqueue_indirect_dma source(%dma_start3A_252 : memref<10000x128xf32, #tpu.memory_space<hbm>>) target(%arg13 : memref<80x128xf32, #tpu.memory_space<vmem>>) offsets(%dma_start3A_249 : memref<80xi32, #tpu.memory_space<vmem>>) semaphore(%arg19 : memref<!tpu.dma_semaphore, #tpu.memory_space<semaphore_mem>>)
      %dma_wait3A_253 = arith.constant 0 : i32
      %dma_wait3A_254 = tpu.memref_slice %arg14[%mul3A_244, %dma_wait3A_253] : memref<25x80xi32, #tpu.memory_space<vmem>> -> memref<1x80xi32, #tpu.memory_space<vmem>>
      %dma_wait3A_255 = tpu.memref_squeeze %dma_wait3A_254 : memref<1x80xi32, #tpu.memory_space<vmem>> -> memref<80xi32, #tpu.memory_space<vmem>>
      %dma_wait3A_256 = arith.constant 0 : i32
      %dma_wait3A_257 = arith.constant 0 : i32
      %dma_wait3A_258 = tpu.memref_slice %arg2[%dma_wait3A_256, %dma_wait3A_257] : memref<10000x128xf32, #tpu.memory_space<hbm>> -> memref<10000x128xf32, #tpu.memory_space<hbm>>
      tpu.wait_indirect_dma semaphore(%arg18 : memref<!tpu.dma_semaphore, #tpu.memory_space<semaphore_mem>>) src(%dma_wait3A_258 : memref<10000x128xf32, #tpu.memory_space<hbm>>) dst(%arg12 : memref<80x128xf32, #tpu.memory_space<vmem>>)
      "tpu.region"() ({
        %run_scoped3A_275 = tpu.sem_alloc : memref<!tpu.dma_semaphore, #tpu.memory_space<semaphore_mem>>
        %dma_start3A_276 = arith.constant 0 : i32
        %dma_start3A_277 = tpu.memref_slice %arg15[%mul3A_244, %dma_start3A_276] : memref<25x80xi32, #tpu.memory_space<vmem>> -> memref<1x80xi32, #tpu.memory_space<vmem>>
        %dma_start3A_278 = tpu.memref_squeeze %dma_start3A_277 : memref<1x80xi32, #tpu.memory_space<vmem>> -> memref<80xi32, #tpu.memory_space<vmem>>
        %dma_start3A_279 = arith.constant 0 : i32
        %dma_start3A_280 = arith.constant 0 : i32
        %dma_start3A_281 = tpu.memref_slice %arg7[%dma_start3A_279, %dma_start3A_280] : memref<10000x128xf32, #tpu.memory_space<vmem_shared>> -> memref<10000x128xf32, #tpu.memory_space<vmem_shared>>
        tpu.enqueue_indirect_dma source(%arg12 : memref<80x128xf32, #tpu.memory_space<vmem>>) target(%dma_start3A_281 : memref<10000x128xf32, #tpu.memory_space<vmem_shared>>) offsets(%dma_start3A_278 : memref<80xi32, #tpu.memory_space<vmem>>) semaphore(%run_scoped3A_275 : memref<!tpu.dma_semaphore, #tpu.memory_space<semaphore_mem>>) {add = true}
        %dma_wait3A_282 = arith.constant 0 : i32
        %dma_wait3A_283 = tpu.memref_slice %arg15[%mul3A_244, %dma_wait3A_282] : memref<25x80xi32, #tpu.memory_space<vmem>> -> memref<1x80xi32, #tpu.memory_space<vmem>>
        %dma_wait3A_284 = tpu.memref_squeeze %dma_wait3A_283 : memref<1x80xi32, #tpu.memory_space<vmem>> -> memref<80xi32, #tpu.memory_space<vmem>>
        %dma_wait3A_285 = arith.constant 0 : i32
        %dma_wait3A_286 = arith.constant 0 : i32
        %dma_wait3A_287 = tpu.memref_slice %arg7[%dma_wait3A_285, %dma_wait3A_286] : memref<10000x128xf32, #tpu.memory_space<vmem_shared>> -> memref<10000x128xf32, #tpu.memory_space<vmem_shared>>
        tpu.wait_indirect_dma semaphore(%run_scoped3A_275 : memref<!tpu.dma_semaphore, #tpu.memory_space<semaphore_mem>>) src(%arg12 : memref<80x128xf32, #tpu.memory_space<vmem>>) dst(%dma_wait3A_287 : memref<10000x128xf32, #tpu.memory_space<vmem_shared>>)
        tpu.yield
      }) : () -> ()
      "tpu.region"() ({
        %run_scoped3A_275 = tpu.sem_alloc : memref<!tpu.dma_semaphore, #tpu.memory_space<semaphore_mem>>
        %dma_start3A_276 = arith.constant 0 : i32
        %dma_start3A_277 = tpu.memref_slice %arg15[%mul3A_244, %dma_start3A_276] : memref<25x80xi32, #tpu.memory_space<vmem>> -> memref<1x80xi32, #tpu.memory_space<vmem>>
        %dma_start3A_278 = tpu.memref_squeeze %dma_start3A_277 : memref<1x80xi32, #tpu.memory_space<vmem>> -> memref<80xi32, #tpu.memory_space<vmem>>
        %dma_start3A_279 = arith.constant 0 : i32
        %dma_start3A_280 = arith.constant 0 : i32
        %dma_start3A_281 = tpu.memref_slice %arg8[%dma_start3A_279, %dma_start3A_280] : memref<10000x16xf32, #tpu.memory_space<vmem_shared>> -> memref<10000x16xf32, #tpu.memory_space<vmem_shared>>
        tpu.enqueue_indirect_dma source(%arg11 : memref<80x16xf32, #tpu.memory_space<vmem>>) target(%dma_start3A_281 : memref<10000x16xf32, #tpu.memory_space<vmem_shared>>) offsets(%dma_start3A_278 : memref<80xi32, #tpu.memory_space<vmem>>) semaphore(%run_scoped3A_275 : memref<!tpu.dma_semaphore, #tpu.memory_space<semaphore_mem>>) {add = true}
        %dma_wait3A_282 = arith.constant 0 : i32
        %dma_wait3A_283 = tpu.memref_slice %arg15[%mul3A_244, %dma_wait3A_282] : memref<25x80xi32, #tpu.memory_space<vmem>> -> memref<1x80xi32, #tpu.memory_space<vmem>>
        %dma_wait3A_284 = tpu.memref_squeeze %dma_wait3A_283 : memref<1x80xi32, #tpu.memory_space<vmem>> -> memref<80xi32, #tpu.memory_space<vmem>>
        %dma_wait3A_285 = arith.constant 0 : i32
        %dma_wait3A_286 = arith.constant 0 : i32
        %dma_wait3A_287 = tpu.memref_slice %arg8[%dma_wait3A_285, %dma_wait3A_286] : memref<10000x16xf32, #tpu.memory_space<vmem_shared>> -> memref<10000x16xf32, #tpu.memory_space<vmem_shared>>
        tpu.wait_indirect_dma semaphore(%run_scoped3A_275 : memref<!tpu.dma_semaphore, #tpu.memory_space<semaphore_mem>>) src(%arg11 : memref<80x16xf32, #tpu.memory_space<vmem>>) dst(%dma_wait3A_287 : memref<10000x16xf32, #tpu.memory_space<vmem_shared>>)
        tpu.yield
      }) : () -> ()
      %add3A_259 = arith.constant 2 : i32
      %add3A_260 = arith.addi %mul3A_244, %add3A_259 : i32
      %dma_start3A_261 = arith.constant 0 : i32
      %dma_start3A_262 = tpu.memref_slice %arg14[%add3A_260, %dma_start3A_261] : memref<25x80xi32, #tpu.memory_space<vmem>> -> memref<1x80xi32, #tpu.memory_space<vmem>>
      %dma_start3A_263 = tpu.memref_squeeze %dma_start3A_262 : memref<1x80xi32, #tpu.memory_space<vmem>> -> memref<80xi32, #tpu.memory_space<vmem>>
      %dma_start3A_264 = arith.constant 0 : i32
      %dma_start3A_265 = arith.constant 0 : i32
      %dma_start3A_266 = tpu.memref_slice %arg2[%dma_start3A_264, %dma_start3A_265] : memref<10000x128xf32, #tpu.memory_space<hbm>> -> memref<10000x128xf32, #tpu.memory_space<hbm>>
      tpu.enqueue_indirect_dma source(%dma_start3A_266 : memref<10000x128xf32, #tpu.memory_space<hbm>>) target(%arg12 : memref<80x128xf32, #tpu.memory_space<vmem>>) offsets(%dma_start3A_263 : memref<80xi32, #tpu.memory_space<vmem>>) semaphore(%arg18 : memref<!tpu.dma_semaphore, #tpu.memory_space<semaphore_mem>>)
      %add3A_267 = arith.constant 1 : i32
      %add3A_268 = arith.addi %mul3A_244, %add3A_267 : i32
      %dma_wait3A_269 = arith.constant 0 : i32
      %dma_wait3A_270 = tpu.memref_slice %arg14[%add3A_268, %dma_wait3A_269] : memref<25x80xi32, #tpu.memory_space<vmem>> -> memref<1x80xi32, #tpu.memory_space<vmem>>
      %dma_wait3A_271 = tpu.memref_squeeze %dma_wait3A_270 : memref<1x80xi32, #tpu.memory_space<vmem>> -> memref<80xi32, #tpu.memory_space<vmem>>
      %dma_wait3A_272 = arith.constant 0 : i32
      %dma_wait3A_273 = arith.constant 0 : i32
      %dma_wait3A_274 = tpu.memref_slice %arg2[%dma_wait3A_272, %dma_wait3A_273] : memref<10000x128xf32, #tpu.memory_space<hbm>> -> memref<10000x128xf32, #tpu.memory_space<hbm>>
      tpu.wait_indirect_dma semaphore(%arg19 : memref<!tpu.dma_semaphore, #tpu.memory_space<semaphore_mem>>) src(%dma_wait3A_274 : memref<10000x128xf32, #tpu.memory_space<hbm>>) dst(%arg13 : memref<80x128xf32, #tpu.memory_space<vmem>>)
      "tpu.region"() ({
        %run_scoped3A_275 = tpu.sem_alloc : memref<!tpu.dma_semaphore, #tpu.memory_space<semaphore_mem>>
        %dma_start3A_276 = arith.constant 0 : i32
        %dma_start3A_277 = tpu.memref_slice %arg15[%add3A_268, %dma_start3A_276] : memref<25x80xi32, #tpu.memory_space<vmem>> -> memref<1x80xi32, #tpu.memory_space<vmem>>
        %dma_start3A_278 = tpu.memref_squeeze %dma_start3A_277 : memref<1x80xi32, #tpu.memory_space<vmem>> -> memref<80xi32, #tpu.memory_space<vmem>>
        %dma_start3A_279 = arith.constant 0 : i32
        %dma_start3A_280 = arith.constant 0 : i32
        %dma_start3A_281 = tpu.memref_slice %arg7[%dma_start3A_279, %dma_start3A_280] : memref<10000x128xf32, #tpu.memory_space<vmem_shared>> -> memref<10000x128xf32, #tpu.memory_space<vmem_shared>>
        tpu.enqueue_indirect_dma source(%arg13 : memref<80x128xf32, #tpu.memory_space<vmem>>) target(%dma_start3A_281 : memref<10000x128xf32, #tpu.memory_space<vmem_shared>>) offsets(%dma_start3A_278 : memref<80xi32, #tpu.memory_space<vmem>>) semaphore(%run_scoped3A_275 : memref<!tpu.dma_semaphore, #tpu.memory_space<semaphore_mem>>) {add = true}
        %dma_wait3A_282 = arith.constant 0 : i32
        %dma_wait3A_283 = tpu.memref_slice %arg15[%add3A_268, %dma_wait3A_282] : memref<25x80xi32, #tpu.memory_space<vmem>> -> memref<1x80xi32, #tpu.memory_space<vmem>>
        %dma_wait3A_284 = tpu.memref_squeeze %dma_wait3A_283 : memref<1x80xi32, #tpu.memory_space<vmem>> -> memref<80xi32, #tpu.memory_space<vmem>>
        %dma_wait3A_285 = arith.constant 0 : i32
        %dma_wait3A_286 = arith.constant 0 : i32
        %dma_wait3A_287 = tpu.memref_slice %arg7[%dma_wait3A_285, %dma_wait3A_286] : memref<10000x128xf32, #tpu.memory_space<vmem_shared>> -> memref<10000x128xf32, #tpu.memory_space<vmem_shared>>
        tpu.wait_indirect_dma semaphore(%run_scoped3A_275 : memref<!tpu.dma_semaphore, #tpu.memory_space<semaphore_mem>>) src(%arg13 : memref<80x128xf32, #tpu.memory_space<vmem>>) dst(%dma_wait3A_287 : memref<10000x128xf32, #tpu.memory_space<vmem_shared>>)
        tpu.yield
      }) : () -> ()
      "tpu.region"() ({
        %run_scoped3A_275 = tpu.sem_alloc : memref<!tpu.dma_semaphore, #tpu.memory_space<semaphore_mem>>
        %dma_start3A_276 = arith.constant 0 : i32
        %dma_start3A_277 = tpu.memref_slice %arg15[%add3A_268, %dma_start3A_276] : memref<25x80xi32, #tpu.memory_space<vmem>> -> memref<1x80xi32, #tpu.memory_space<vmem>>
        %dma_start3A_278 = tpu.memref_squeeze %dma_start3A_277 : memref<1x80xi32, #tpu.memory_space<vmem>> -> memref<80xi32, #tpu.memory_space<vmem>>
        %dma_start3A_279 = arith.constant 0 : i32
        %dma_start3A_280 = arith.constant 0 : i32
        %dma_start3A_281 = tpu.memref_slice %arg8[%dma_start3A_279, %dma_start3A_280] : memref<10000x16xf32, #tpu.memory_space<vmem_shared>> -> memref<10000x16xf32, #tpu.memory_space<vmem_shared>>
        tpu.enqueue_indirect_dma source(%arg11 : memref<80x16xf32, #tpu.memory_space<vmem>>) target(%dma_start3A_281 : memref<10000x16xf32, #tpu.memory_space<vmem_shared>>) offsets(%dma_start3A_278 : memref<80xi32, #tpu.memory_space<vmem>>) semaphore(%run_scoped3A_275 : memref<!tpu.dma_semaphore, #tpu.memory_space<semaphore_mem>>) {add = true}
        %dma_wait3A_282 = arith.constant 0 : i32
        %dma_wait3A_283 = tpu.memref_slice %arg15[%add3A_268, %dma_wait3A_282] : memref<25x80xi32, #tpu.memory_space<vmem>> -> memref<1x80xi32, #tpu.memory_space<vmem>>
        %dma_wait3A_284 = tpu.memref_squeeze %dma_wait3A_283 : memref<1x80xi32, #tpu.memory_space<vmem>> -> memref<80xi32, #tpu.memory_space<vmem>>
        %dma_wait3A_285 = arith.constant 0 : i32
        %dma_wait3A_286 = arith.constant 0 : i32
        %dma_wait3A_287 = tpu.memref_slice %arg8[%dma_wait3A_285, %dma_wait3A_286] : memref<10000x16xf32, #tpu.memory_space<vmem_shared>> -> memref<10000x16xf32, #tpu.memory_space<vmem_shared>>
        tpu.wait_indirect_dma semaphore(%run_scoped3A_275 : memref<!tpu.dma_semaphore, #tpu.memory_space<semaphore_mem>>) src(%arg11 : memref<80x16xf32, #tpu.memory_space<vmem>>) dst(%dma_wait3A_287 : memref<10000x16xf32, #tpu.memory_space<vmem_shared>>)
        tpu.yield
      }) : () -> ()
    }
    %scan3A_225 = arith.constant 12 : i32
    %dma_wait3A_226 = arith.constant 24 : i32
    %dma_wait3A_227 = arith.constant 0 : i32
    %dma_wait3A_228 = tpu.memref_slice %arg14[%dma_wait3A_226, %dma_wait3A_227] : memref<25x80xi32, #tpu.memory_space<vmem>> -> memref<1x80xi32, #tpu.memory_space<vmem>>
    %dma_wait3A_229 = tpu.memref_squeeze %dma_wait3A_228 : memref<1x80xi32, #tpu.memory_space<vmem>> -> memref<80xi32, #tpu.memory_space<vmem>>
    %dma_wait3A_230 = arith.constant 0 : i32
    %dma_wait3A_231 = arith.constant 0 : i32
    %dma_wait3A_232 = tpu.memref_slice %arg2[%dma_wait3A_230, %dma_wait3A_231] : memref<10000x128xf32, #tpu.memory_space<hbm>> -> memref<10000x128xf32, #tpu.memory_space<hbm>>
    tpu.wait_indirect_dma semaphore(%arg18 : memref<!tpu.dma_semaphore, #tpu.memory_space<semaphore_mem>>) src(%dma_wait3A_232 : memref<10000x128xf32, #tpu.memory_space<hbm>>) dst(%arg12 : memref<80x128xf32, #tpu.memory_space<vmem>>)
    %run_scoped3A_233 = arith.constant 24 : i32
    "tpu.region"() ({
      %run_scoped3A_242 = tpu.sem_alloc : memref<!tpu.dma_semaphore, #tpu.memory_space<semaphore_mem>>
      %dma_start3A_243 = arith.constant 0 : i32
      %dma_start3A_244 = tpu.memref_slice %arg15[%run_scoped3A_233, %dma_start3A_243] : memref<25x80xi32, #tpu.memory_space<vmem>> -> memref<1x80xi32, #tpu.memory_space<vmem>>
      %dma_start3A_245 = tpu.memref_squeeze %dma_start3A_244 : memref<1x80xi32, #tpu.memory_space<vmem>> -> memref<80xi32, #tpu.memory_space<vmem>>
      %dma_start3A_246 = arith.constant 0 : i32
      %dma_start3A_247 = arith.constant 0 : i32
      %dma_start3A_248 = tpu.memref_slice %arg7[%dma_start3A_246, %dma_start3A_247] : memref<10000x128xf32, #tpu.memory_space<vmem_shared>> -> memref<10000x128xf32, #tpu.memory_space<vmem_shared>>
      tpu.enqueue_indirect_dma source(%arg12 : memref<80x128xf32, #tpu.memory_space<vmem>>) target(%dma_start3A_248 : memref<10000x128xf32, #tpu.memory_space<vmem_shared>>) offsets(%dma_start3A_245 : memref<80xi32, #tpu.memory_space<vmem>>) semaphore(%run_scoped3A_242 : memref<!tpu.dma_semaphore, #tpu.memory_space<semaphore_mem>>) {add = true}
      %dma_wait3A_249 = arith.constant 0 : i32
      %dma_wait3A_250 = tpu.memref_slice %arg15[%run_scoped3A_233, %dma_wait3A_249] : memref<25x80xi32, #tpu.memory_space<vmem>> -> memref<1x80xi32, #tpu.memory_space<vmem>>
      %dma_wait3A_251 = tpu.memref_squeeze %dma_wait3A_250 : memref<1x80xi32, #tpu.memory_space<vmem>> -> memref<80xi32, #tpu.memory_space<vmem>>
      %dma_wait3A_252 = arith.constant 0 : i32
      %dma_wait3A_253 = arith.constant 0 : i32
      %dma_wait3A_254 = tpu.memref_slice %arg7[%dma_wait3A_252, %dma_wait3A_253] : memref<10000x128xf32, #tpu.memory_space<vmem_shared>> -> memref<10000x128xf32, #tpu.memory_space<vmem_shared>>
      tpu.wait_indirect_dma semaphore(%run_scoped3A_242 : memref<!tpu.dma_semaphore, #tpu.memory_space<semaphore_mem>>) src(%arg12 : memref<80x128xf32, #tpu.memory_space<vmem>>) dst(%dma_wait3A_254 : memref<10000x128xf32, #tpu.memory_space<vmem_shared>>)
      tpu.yield
    }) : () -> ()
    %run_scoped3A_234 = arith.constant 24 : i32
    "tpu.region"() ({
      %run_scoped3A_242 = tpu.sem_alloc : memref<!tpu.dma_semaphore, #tpu.memory_space<semaphore_mem>>
      %dma_start3A_243 = arith.constant 0 : i32
      %dma_start3A_244 = tpu.memref_slice %arg15[%run_scoped3A_234, %dma_start3A_243] : memref<25x80xi32, #tpu.memory_space<vmem>> -> memref<1x80xi32, #tpu.memory_space<vmem>>
      %dma_start3A_245 = tpu.memref_squeeze %dma_start3A_244 : memref<1x80xi32, #tpu.memory_space<vmem>> -> memref<80xi32, #tpu.memory_space<vmem>>
      %dma_start3A_246 = arith.constant 0 : i32
      %dma_start3A_247 = arith.constant 0 : i32
      %dma_start3A_248 = tpu.memref_slice %arg8[%dma_start3A_246, %dma_start3A_247] : memref<10000x16xf32, #tpu.memory_space<vmem_shared>> -> memref<10000x16xf32, #tpu.memory_space<vmem_shared>>
      tpu.enqueue_indirect_dma source(%arg11 : memref<80x16xf32, #tpu.memory_space<vmem>>) target(%dma_start3A_248 : memref<10000x16xf32, #tpu.memory_space<vmem_shared>>) offsets(%dma_start3A_245 : memref<80xi32, #tpu.memory_space<vmem>>) semaphore(%run_scoped3A_242 : memref<!tpu.dma_semaphore, #tpu.memory_space<semaphore_mem>>) {add = true}
      %dma_wait3A_249 = arith.constant 0 : i32
      %dma_wait3A_250 = tpu.memref_slice %arg15[%run_scoped3A_234, %dma_wait3A_249] : memref<25x80xi32, #tpu.memory_space<vmem>> -> memref<1x80xi32, #tpu.memory_space<vmem>>
      %dma_wait3A_251 = tpu.memref_squeeze %dma_wait3A_250 : memref<1x80xi32, #tpu.memory_space<vmem>> -> memref<80xi32, #tpu.memory_space<vmem>>
      %dma_wait3A_252 = arith.constant 0 : i32
      %dma_wait3A_253 = arith.constant 0 : i32
      %dma_wait3A_254 = tpu.memref_slice %arg8[%dma_wait3A_252, %dma_wait3A_253] : memref<10000x16xf32, #tpu.memory_space<vmem_shared>> -> memref<10000x16xf32, #tpu.memory_space<vmem_shared>>
      tpu.wait_indirect_dma semaphore(%run_scoped3A_242 : memref<!tpu.dma_semaphore, #tpu.memory_space<semaphore_mem>>) src(%arg11 : memref<80x16xf32, #tpu.memory_space<vmem>>) dst(%dma_wait3A_254 : memref<10000x16xf32, #tpu.memory_space<vmem_shared>>)
      tpu.yield
    }) : () -> ()
    %barrier3A_235 = arith.constant 0 : index
    tpu.barrier barrier_id(%barrier3A_235)
    %scan3A_236 = arith.constant 0 : i32
    %scan3A_237 = arith.constant 0 : i32
    %scan3A_238 = arith.constant 25 : i32
    %scan3A_239 = arith.addi %scan3A_237, %scan3A_238 : i32
    %scan3A_240 = arith.constant 1 : i32
    scf.for %scan3A_242 = %scan3A_237 to %scan3A_239 step %scan3A_240  : i32 {
      %mul3A_243 = arith.constant 25 : i32
      %mul3A_244 = arith.muli %scan3A_242, %mul3A_243 : i32
      %add3A_245 = arith.addi %mul3A_19, %mul3A_244 : i32
      "tpu.region"() ({
        %run_scoped3A_246 = tpu.sem_alloc : memref<!tpu.dma_semaphore, #tpu.memory_space<semaphore_mem>>
        %dma_start3A_247 = arith.constant 0 : i32
        %dma_start3A_248 = tpu.memref_slice %arg7[%add3A_245, %dma_start3A_247] : memref<10000x128xf32, #tpu.memory_space<vmem_shared>> -> memref<25x128xf32, #tpu.memory_space<vmem_shared>>
        %dma_start3A_249 = arith.constant 0 : i32
        %dma_start3A_250 = tpu.memref_slice %arg7[%add3A_245, %dma_start3A_249] : memref<10000x128xf32, #tpu.memory_space<vmem_shared>> -> memref<25x128xf32, #tpu.memory_space<vmem_shared>>
        tpu.enqueue_dma source(%dma_start3A_250 : memref<25x128xf32, #tpu.memory_space<vmem_shared>>) target(%arg9 : memref<25x128xf32, #tpu.memory_space<vmem>>) target_semaphore(%run_scoped3A_246 : memref<!tpu.dma_semaphore, #tpu.memory_space<semaphore_mem>>)
        %dma_wait3A_251 = arith.constant 0 : i32
        %dma_wait3A_252 = tpu.memref_slice %arg7[%add3A_245, %dma_wait3A_251] : memref<10000x128xf32, #tpu.memory_space<vmem_shared>> -> memref<25x128xf32, #tpu.memory_space<vmem_shared>>
        %dma_wait3A_253 = arith.constant 0 : i32
        %dma_wait3A_254 = tpu.memref_slice %arg7[%add3A_245, %dma_wait3A_253] : memref<10000x128xf32, #tpu.memory_space<vmem_shared>> -> memref<25x128xf32, #tpu.memory_space<vmem_shared>>
        tpu.wait_dma2 semaphore(%run_scoped3A_246 : memref<!tpu.dma_semaphore, #tpu.memory_space<semaphore_mem>>) src(%dma_wait3A_254 : memref<25x128xf32, #tpu.memory_space<vmem_shared>>) dst(%arg9 : memref<25x128xf32, #tpu.memory_space<vmem>>)
        tpu.yield
      }) : () -> ()
      "tpu.region"() ({
        %run_scoped3A_246 = tpu.sem_alloc : memref<!tpu.dma_semaphore, #tpu.memory_space<semaphore_mem>>
        %dma_start3A_247 = arith.constant 0 : i32
        %dma_start3A_248 = tpu.memref_slice %arg5[%arg0, %add3A_245, %dma_start3A_247] : memref<2x10000x128xf32, #tpu.memory_space<hbm>> -> memref<1x25x128xf32, #tpu.memory_space<hbm>>
        %dma_start3A_249 = tpu.memref_squeeze %dma_start3A_248 : memref<1x25x128xf32, #tpu.memory_space<hbm>> -> memref<25x128xf32, #tpu.memory_space<hbm>>
        %dma_start3A_250 = arith.constant 0 : i32
        %dma_start3A_251 = tpu.memref_slice %arg5[%arg0, %add3A_245, %dma_start3A_250] : memref<2x10000x128xf32, #tpu.memory_space<hbm>> -> memref<1x25x128xf32, #tpu.memory_space<hbm>>
        %dma_start3A_252 = tpu.memref_squeeze %dma_start3A_251 : memref<1x25x128xf32, #tpu.memory_space<hbm>> -> memref<25x128xf32, #tpu.memory_space<hbm>>
        tpu.enqueue_dma source(%arg9 : memref<25x128xf32, #tpu.memory_space<vmem>>) target(%dma_start3A_252 : memref<25x128xf32, #tpu.memory_space<hbm>>) target_semaphore(%run_scoped3A_246 : memref<!tpu.dma_semaphore, #tpu.memory_space<semaphore_mem>>)
        %dma_wait3A_253 = arith.constant 0 : i32
        %dma_wait3A_254 = tpu.memref_slice %arg5[%arg0, %add3A_245, %dma_wait3A_253] : memref<2x10000x128xf32, #tpu.memory_space<hbm>> -> memref<1x25x128xf32, #tpu.memory_space<hbm>>
        %dma_wait3A_255 = tpu.memref_squeeze %dma_wait3A_254 : memref<1x25x128xf32, #tpu.memory_space<hbm>> -> memref<25x128xf32, #tpu.memory_space<hbm>>
        %dma_wait3A_256 = arith.constant 0 : i32
        %dma_wait3A_257 = tpu.memref_slice %arg5[%arg0, %add3A_245, %dma_wait3A_256] : memref<2x10000x128xf32, #tpu.memory_space<hbm>> -> memref<1x25x128xf32, #tpu.memory_space<hbm>>
        %dma_wait3A_258 = tpu.memref_squeeze %dma_wait3A_257 : memref<1x25x128xf32, #tpu.memory_space<hbm>> -> memref<25x128xf32, #tpu.memory_space<hbm>>
        tpu.wait_dma2 semaphore(%run_scoped3A_246 : memref<!tpu.dma_semaphore, #tpu.memory_space<semaphore_mem>>) src(%arg9 : memref<25x128xf32, #tpu.memory_space<vmem>>) dst(%dma_wait3A_258 : memref<25x128xf32, #tpu.memory_space<hbm>>)
        tpu.yield
      }) : () -> ()
      "tpu.region"() ({
        %run_scoped3A_246 = tpu.sem_alloc : memref<!tpu.dma_semaphore, #tpu.memory_space<semaphore_mem>>
        %dma_start3A_247 = arith.constant 0 : i32
        %dma_start3A_248 = tpu.memref_slice %arg8[%add3A_245, %dma_start3A_247] : memref<10000x16xf32, #tpu.memory_space<vmem_shared>> -> memref<25x16xf32, #tpu.memory_space<vmem_shared>>
        %dma_start3A_249 = arith.constant 0 : i32
        %dma_start3A_250 = tpu.memref_slice %arg8[%add3A_245, %dma_start3A_249] : memref<10000x16xf32, #tpu.memory_space<vmem_shared>> -> memref<25x16xf32, #tpu.memory_space<vmem_shared>>
        tpu.enqueue_dma source(%dma_start3A_250 : memref<25x16xf32, #tpu.memory_space<vmem_shared>>) target(%arg10 : memref<25x16xf32, #tpu.memory_space<vmem>>) target_semaphore(%run_scoped3A_246 : memref<!tpu.dma_semaphore, #tpu.memory_space<semaphore_mem>>)
        %dma_wait3A_251 = arith.constant 0 : i32
        %dma_wait3A_252 = tpu.memref_slice %arg8[%add3A_245, %dma_wait3A_251] : memref<10000x16xf32, #tpu.memory_space<vmem_shared>> -> memref<25x16xf32, #tpu.memory_space<vmem_shared>>
        %dma_wait3A_253 = arith.constant 0 : i32
        %dma_wait3A_254 = tpu.memref_slice %arg8[%add3A_245, %dma_wait3A_253] : memref<10000x16xf32, #tpu.memory_space<vmem_shared>> -> memref<25x16xf32, #tpu.memory_space<vmem_shared>>
        tpu.wait_dma2 semaphore(%run_scoped3A_246 : memref<!tpu.dma_semaphore, #tpu.memory_space<semaphore_mem>>) src(%dma_wait3A_254 : memref<25x16xf32, #tpu.memory_space<vmem_shared>>) dst(%arg10 : memref<25x16xf32, #tpu.memory_space<vmem>>)
        tpu.yield
      }) : () -> ()
      "tpu.region"() ({
        %run_scoped3A_246 = tpu.sem_alloc : memref<!tpu.dma_semaphore, #tpu.memory_space<semaphore_mem>>
        %dma_start3A_247 = arith.constant 0 : i32
        %dma_start3A_248 = tpu.memref_slice %arg6[%arg0, %add3A_245, %dma_start3A_247] : memref<2x10000x16xf32, #tpu.memory_space<hbm>> -> memref<1x25x16xf32, #tpu.memory_space<hbm>>
        %dma_start3A_249 = tpu.memref_squeeze %dma_start3A_248 : memref<1x25x16xf32, #tpu.memory_space<hbm>> -> memref<25x16xf32, #tpu.memory_space<hbm>>
        %dma_start3A_250 = arith.constant 0 : i32
        %dma_start3A_251 = tpu.memref_slice %arg6[%arg0, %add3A_245, %dma_start3A_250] : memref<2x10000x16xf32, #tpu.memory_space<hbm>> -> memref<1x25x16xf32, #tpu.memory_space<hbm>>
        %dma_start3A_252 = tpu.memref_squeeze %dma_start3A_251 : memref<1x25x16xf32, #tpu.memory_space<hbm>> -> memref<25x16xf32, #tpu.memory_space<hbm>>
        tpu.enqueue_dma source(%arg10 : memref<25x16xf32, #tpu.memory_space<vmem>>) target(%dma_start3A_252 : memref<25x16xf32, #tpu.memory_space<hbm>>) target_semaphore(%run_scoped3A_246 : memref<!tpu.dma_semaphore, #tpu.memory_space<semaphore_mem>>)
        %dma_wait3A_253 = arith.constant 0 : i32
        %dma_wait3A_254 = tpu.memref_slice %arg6[%arg0, %add3A_245, %dma_wait3A_253] : memref<2x10000x16xf32, #tpu.memory_space<hbm>> -> memref<1x25x16xf32, #tpu.memory_space<hbm>>
        %dma_wait3A_255 = tpu.memref_squeeze %dma_wait3A_254 : memref<1x25x16xf32, #tpu.memory_space<hbm>> -> memref<25x16xf32, #tpu.memory_space<hbm>>
        %dma_wait3A_256 = arith.constant 0 : i32
        %dma_wait3A_257 = tpu.memref_slice %arg6[%arg0, %add3A_245, %dma_wait3A_256] : memref<2x10000x16xf32, #tpu.memory_space<hbm>> -> memref<1x25x16xf32, #tpu.memory_space<hbm>>
        %dma_wait3A_258 = tpu.memref_squeeze %dma_wait3A_257 : memref<1x25x16xf32, #tpu.memory_space<hbm>> -> memref<25x16xf32, #tpu.memory_space<hbm>>
        tpu.wait_dma2 semaphore(%run_scoped3A_246 : memref<!tpu.dma_semaphore, #tpu.memory_space<semaphore_mem>>) src(%arg10 : memref<25x16xf32, #tpu.memory_space<vmem>>) dst(%dma_wait3A_258 : memref<25x16xf32, #tpu.memory_space<hbm>>)
        tpu.yield
      }) : () -> ()
    }
    %scan3A_241 = arith.constant 25 : i32
    return
  }
}

module attributes {stable_mosaic.version = 14 : i64} {
  func.func @_enc_body(%arg0: i32, %arg1: memref<2000x128xf32, #tpu.memory_space<vmem>>, %arg2: memref<128x128xf32, #tpu.memory_space<vmem>>, %arg3: memref<1x128xf32, #tpu.memory_space<vmem>>, %arg4: memref<2000x128xf32, #tpu.memory_space<vmem>>) attributes {dimension_semantics = [#tpu.dimension_semantics<arbitrary>], iteration_bounds = array<i64: 5>, scalar_prefetch = 0 : i64, scratch_operands = 0 : i64, tpu.core_type = #tpu.core_type<tc>, window_params = [{transform_indices = @transform_0, window_bounds = array<i64: 2000, 128>}, {pipeline_mode = #tpu.pipeline_mode<synchronous>, transform_indices = @transform_1, window_bounds = array<i64: 128, 128>}, {pipeline_mode = #tpu.pipeline_mode<synchronous>, transform_indices = @transform_2, window_bounds = array<i64: 1, 128>}, {transform_indices = @transform_3, window_bounds = array<i64: 2000, 128>}]} {
    %get3A = arith.constant 0 : index
    %get3A_0 = arith.constant 0 : index
    %get3A_1 = vector.load %arg1[%get3A, %get3A_0] : memref<2000x128xf32, #tpu.memory_space<vmem>>, vector<2000x128xf32>
    %get3A_2 = arith.constant 0 : index
    %get3A_3 = arith.constant 0 : index
    %get3A_4 = vector.load %arg2[%get3A_2, %get3A_3] : memref<128x128xf32, #tpu.memory_space<vmem>>, vector<128x128xf32>
    %dot_general3A = arith.constant dense<0.000000e+00> : vector<2000x128xf32>
    %dot_general3A_5 = tpu.matmul %get3A_1, %get3A_4, %dot_general3A {dimension_numbers = #tpu.dot_dimension_numbers<[1], [0], [0], [1], [0, 0, 1, 1], [], []>, transpose_lhs_hint = false} : vector<2000x128xf32>, vector<128x128xf32>, vector<2000x128xf32> -> vector<2000x128xf32>
    %get3A_6 = arith.constant 0 : index
    %get3A_7 = arith.constant 0 : index
    %get3A_8 = vector.load %arg3[%get3A_6, %get3A_7] : memref<1x128xf32, #tpu.memory_space<vmem>>, vector<1x128xf32>
    %add3A = vector.broadcast %get3A_8 : vector<1x128xf32> to vector<2000x128xf32>
    %add3A_9 = arith.addf %dot_general3A_5, %add3A : vector<2000x128xf32>
    %gt3A = arith.constant 0.000000e+00 : f32
    %gt3A_10 = vector.broadcast %gt3A : f32 to vector<2000x128xf32>
    %gt3A_11 = arith.cmpf ogt, %add3A_9, %gt3A_10 : vector<2000x128xf32>
    %exp3A = math.exp %add3A_9 : vector<2000x128xf32>
    %sub3A = arith.constant 1.000000e+00 : f32
    %sub3A_12 = vector.broadcast %sub3A : f32 to vector<2000x128xf32>
    %sub3A_13 = arith.subf %exp3A, %sub3A_12 : vector<2000x128xf32>
    %select_n3A = arith.select %gt3A_11, %add3A_9, %sub3A_13 : vector<2000x128xi1>, vector<2000x128xf32>
    %swap3A = arith.constant 0 : index
    %swap3A_14 = arith.constant 0 : index
    %swap3A_15 = vector.load %arg4[%swap3A, %swap3A_14] : memref<2000x128xf32, #tpu.memory_space<vmem>>, vector<2000x128xf32>
    tpu.vector_store %arg4[%swap3A, %swap3A_14], %select_n3A {strides = array<i32>} : memref<2000x128xf32, #tpu.memory_space<vmem>>, vector<2000x128xf32>,
    return
  }
  func.func @transform_0(%arg0: i32) -> (i32, i32) {
    %c0_i32 = arith.constant 0 : i32
    %c0_i32_0 = arith.constant 0 : i32
    return %arg0, %c0_i32 : i32, i32
  }
  func.func @transform_1(%arg0: i32) -> (i32, i32) {
    %c0_i32 = arith.constant 0 : i32
    %c0_i32_0 = arith.constant 0 : i32
    %c0_i32_1 = arith.constant 0 : i32
    return %c0_i32, %c0_i32_0 : i32, i32
  }
  func.func @transform_2(%arg0: i32) -> (i32, i32) {
    %c0_i32 = arith.constant 0 : i32
    %c0_i32_0 = arith.constant 0 : i32
    %c0_i32_1 = arith.constant 0 : i32
    return %c0_i32, %c0_i32_0 : i32, i32
  }
  func.func @transform_3(%arg0: i32) -> (i32, i32) {
    %c0_i32 = arith.constant 0 : i32
    %c0_i32_0 = arith.constant 0 : i32
    return %arg0, %c0_i32 : i32, i32
  }
}

module attributes {stable_mosaic.version = 14 : i64} {
  func.func @_comb_body(%arg0: i32, %arg1: memref<2x2000x128xf32, #tpu.memory_space<vmem>>, %arg2: memref<2x2000x16xf32, #tpu.memory_space<vmem>>, %arg3: memref<2000x128xf32, #tpu.memory_space<vmem>>, %arg4: memref<128x128xf32, #tpu.memory_space<vmem>>, %arg5: memref<128x128xf32, #tpu.memory_space<vmem>>, %arg6: memref<1x128xf32, #tpu.memory_space<vmem>>, %arg7: memref<2000x128xf32, #tpu.memory_space<vmem>>) attributes {dimension_semantics = [#tpu.dimension_semantics<arbitrary>], iteration_bounds = array<i64: 5>, scalar_prefetch = 0 : i64, scratch_operands = 0 : i64, tpu.core_type = #tpu.core_type<tc>, window_params = [{transform_indices = @transform_0, window_bounds = array<i64: 2, 2000, 128>}, {transform_indices = @transform_1, window_bounds = array<i64: 2, 2000, 16>}, {transform_indices = @transform_2, window_bounds = array<i64: 2000, 128>}, {pipeline_mode = #tpu.pipeline_mode<synchronous>, transform_indices = @transform_3, window_bounds = array<i64: 128, 128>}, {pipeline_mode = #tpu.pipeline_mode<synchronous>, transform_indices = @transform_4, window_bounds = array<i64: 128, 128>}, {pipeline_mode = #tpu.pipeline_mode<synchronous>, transform_indices = @transform_5, window_bounds = array<i64: 1, 128>}, {transform_indices = @transform_6, window_bounds = array<i64: 2000, 128>}]} {
    %get3A = arith.constant 0 : index
    %get3A_0 = arith.constant 0 : index
    %get3A_1 = arith.constant 0 : index
    %get3A_2 = vector.load %arg1[%get3A, %get3A_0, %get3A_1] : memref<2x2000x128xf32, #tpu.memory_space<vmem>>, vector<1x2000x128xf32>
    %get3A_3 = vector.shape_cast %get3A_2 : vector<1x2000x128xf32> to vector<2000x128xf32>
    %get3A_4 = arith.constant 1 : index
    %get3A_5 = arith.constant 0 : index
    %get3A_6 = arith.constant 0 : index
    %get3A_7 = vector.load %arg1[%get3A_4, %get3A_5, %get3A_6] : memref<2x2000x128xf32, #tpu.memory_space<vmem>>, vector<1x2000x128xf32>
    %get3A_8 = vector.shape_cast %get3A_7 : vector<1x2000x128xf32> to vector<2000x128xf32>
    %add3A = arith.addf %get3A_3, %get3A_8 : vector<2000x128xf32>
    %get3A_9 = arith.constant 0 : index
    %get3A_10 = arith.constant 0 : index
    %get3A_11 = arith.constant 0 : index
    %get3A_12 = vector.load %arg2[%get3A_9, %get3A_10, %get3A_11] : memref<2x2000x16xf32, #tpu.memory_space<vmem>>, vector<1x2000x1xf32>
    %get3A_13 = vector.shape_cast %get3A_12 : vector<1x2000x1xf32> to vector<2000x1xf32>
    %get3A_14 = arith.constant 1 : index
    %get3A_15 = arith.constant 0 : index
    %get3A_16 = arith.constant 0 : index
    %get3A_17 = vector.load %arg2[%get3A_14, %get3A_15, %get3A_16] : memref<2x2000x16xf32, #tpu.memory_space<vmem>>, vector<1x2000x1xf32>
    %get3A_18 = vector.shape_cast %get3A_17 : vector<1x2000x1xf32> to vector<2000x1xf32>
    %add3A_19 = arith.addf %get3A_13, %get3A_18 : vector<2000x1xf32>
    %max3A = arith.constant 1.000000e+00 : f32
    %max3A_20 = vector.broadcast %max3A : f32 to vector<2000x1xf32>
    %max3A_21 = arith.maximumf %add3A_19, %max3A_20 : vector<2000x1xf32>
    %get3A_22 = arith.constant 0 : index
    %get3A_23 = arith.constant 0 : index
    %get3A_24 = vector.load %arg4[%get3A_22, %get3A_23] : memref<128x128xf32, #tpu.memory_space<vmem>>, vector<128x128xf32>
    %dot_general3A = arith.constant dense<0.000000e+00> : vector<2000x128xf32>
    %dot_general3A_25 = tpu.matmul %add3A, %get3A_24, %dot_general3A {dimension_numbers = #tpu.dot_dimension_numbers<[1], [0], [0], [1], [0, 0, 1, 1], [], []>, transpose_lhs_hint = false} : vector<2000x128xf32>, vector<128x128xf32>, vector<2000x128xf32> -> vector<2000x128xf32>
    %div3A = vector.broadcast %max3A_21 : vector<2000x1xf32> to vector<2000x128xf32>
    %div3A_26 = arith.divf %dot_general3A_25, %div3A : vector<2000x128xf32>
    %get3A_27 = arith.constant 0 : index
    %get3A_28 = arith.constant 0 : index
    %get3A_29 = vector.load %arg3[%get3A_27, %get3A_28] : memref<2000x128xf32, #tpu.memory_space<vmem>>, vector<2000x128xf32>
    %get3A_30 = arith.constant 0 : index
    %get3A_31 = arith.constant 0 : index
    %get3A_32 = vector.load %arg5[%get3A_30, %get3A_31] : memref<128x128xf32, #tpu.memory_space<vmem>>, vector<128x128xf32>
    %dot_general3A_33 = arith.constant dense<0.000000e+00> : vector<2000x128xf32>
    %dot_general3A_34 = tpu.matmul %get3A_29, %get3A_32, %dot_general3A_33 {dimension_numbers = #tpu.dot_dimension_numbers<[1], [0], [0], [1], [0, 0, 1, 1], [], []>, transpose_lhs_hint = false} : vector<2000x128xf32>, vector<128x128xf32>, vector<2000x128xf32> -> vector<2000x128xf32>
    %add3A_35 = arith.addf %div3A_26, %dot_general3A_34 : vector<2000x128xf32>
    %get3A_36 = arith.constant 0 : index
    %get3A_37 = arith.constant 0 : index
    %get3A_38 = vector.load %arg6[%get3A_36, %get3A_37] : memref<1x128xf32, #tpu.memory_space<vmem>>, vector<1x128xf32>
    %add3A_39 = vector.broadcast %get3A_38 : vector<1x128xf32> to vector<2000x128xf32>
    %add3A_40 = arith.addf %add3A_35, %add3A_39 : vector<2000x128xf32>
    %gt3A = arith.constant 0.000000e+00 : f32
    %gt3A_41 = vector.broadcast %gt3A : f32 to vector<2000x128xf32>
    %gt3A_42 = arith.cmpf ogt, %add3A_40, %gt3A_41 : vector<2000x128xf32>
    %exp3A = math.exp %add3A_40 : vector<2000x128xf32>
    %sub3A = arith.constant 1.000000e+00 : f32
    %sub3A_43 = vector.broadcast %sub3A : f32 to vector<2000x128xf32>
    %sub3A_44 = arith.subf %exp3A, %sub3A_43 : vector<2000x128xf32>
    %select_n3A = arith.select %gt3A_42, %add3A_40, %sub3A_44 : vector<2000x128xi1>, vector<2000x128xf32>
    %swap3A = arith.constant 0 : index
    %swap3A_45 = arith.constant 0 : index
    %swap3A_46 = vector.load %arg7[%swap3A, %swap3A_45] : memref<2000x128xf32, #tpu.memory_space<vmem>>, vector<2000x128xf32>
    tpu.vector_store %arg7[%swap3A, %swap3A_45], %select_n3A {strides = array<i32>} : memref<2000x128xf32, #tpu.memory_space<vmem>>, vector<2000x128xf32>,
    return
  }
  func.func @transform_0(%arg0: i32) -> (i32, i32, i32) {
    %c0_i32 = arith.constant 0 : i32
    %c0_i32_0 = arith.constant 0 : i32
    %c0_i32_1 = arith.constant 0 : i32
    return %c0_i32, %arg0, %c0_i32_0 : i32, i32, i32
  }
  func.func @transform_1(%arg0: i32) -> (i32, i32, i32) {
    %c0_i32 = arith.constant 0 : i32
    %c0_i32_0 = arith.constant 0 : i32
    %c0_i32_1 = arith.constant 0 : i32
    return %c0_i32, %arg0, %c0_i32_0 : i32, i32, i32
  }
  func.func @transform_2(%arg0: i32) -> (i32, i32) {
    %c0_i32 = arith.constant 0 : i32
    %c0_i32_0 = arith.constant 0 : i32
    return %arg0, %c0_i32 : i32, i32
  }
  func.func @transform_3(%arg0: i32) -> (i32, i32) {
    %c0_i32 = arith.constant 0 : i32
    %c0_i32_0 = arith.constant 0 : i32
    %c0_i32_1 = arith.constant 0 : i32
    return %c0_i32, %c0_i32_0 : i32, i32
  }
  func.func @transform_4(%arg0: i32) -> (i32, i32) {
    %c0_i32 = arith.constant 0 : i32
    %c0_i32_0 = arith.constant 0 : i32
    %c0_i32_1 = arith.constant 0 : i32
    return %c0_i32, %c0_i32_0 : i32, i32
  }
  func.func @transform_5(%arg0: i32) -> (i32, i32) {
    %c0_i32 = arith.constant 0 : i32
    %c0_i32_0 = arith.constant 0 : i32
    %c0_i32_1 = arith.constant 0 : i32
    return %c0_i32, %c0_i32_0 : i32, i32
  }
  func.func @transform_6(%arg0: i32) -> (i32, i32) {
    %c0_i32 = arith.constant 0 : i32
    %c0_i32_0 = arith.constant 0 : i32
    return %arg0, %c0_i32 : i32, i32
  }
}

</mosaic_0001>

<sc_bundles>
// kernel: kernel.5.cloned.1.call-start
scs
__scs_entry_jumppad:
0x0: {  	(pc) =	sbr.rel $0x88, $3  }
0x1: {  	(tag) =	ssettag $0x0;
	lr =	simm.s32 $0x1  }
0x2: {  	[smem:$0x3F9A] =	sst lr;
	_ =	strace $0xD0000000  }
0x3: {  	_ = 	snop  }
0x4: {  	_ = 	snop  }
0x5: {  	_ = 	snop  }
0x6: {  	_ = 	snop  }
0x7: {  	_ = 	snop  }
__scs_overlays_trampoline_lowered:
0x8: {  	[smem:$0x3FA9] =	sst s0  }
0x9: {  	[smem:$0x3FAA] =	sst s1  }
0xa: {  	[smem:$0x3FAB] =	sst s2  }
0xb: {  	[smem:$0x3FAC] =	sst s3  }
0xc: {  	[smem:$0x3FAD] =	sst s4  }
0xd: {  	[smem:$0x3FAE] =	sst s5  }
0xe: {  	[smem:$0x3FAF] =	sst s6  }
0xf: {  	[smem:$0x3FB0] =	sst s7  }
0x10: {  	[smem:$0x3FB1] =	sst s8  }
0x11: {  	[smem:$0x3FB2] =	sst s9;
	s0 =	simm.s32 @!p0 $0x0  }
0x12: {  	s1 =	sld [smem:$0x3F98];
	s0 =	simm.s32 @p0 $0x1  }
0x13: {  	[smem:$0x3FB3] =	sst s0;
	s0 =	simm.s32 @!p1 $0x0  }
0x14: {  	s2 =	sld [smem:$0x3F97];
	s0 =	simm.s32 @p1 $0x1  }
0x15: {  	[smem:$0x3FB4] =	sst s0;
	s0 =	simm.s32 @!p2 $0x0  }
0x16: {  	s3 =	sld [smem:$0x3FDB];
	s0 =	simm.s32 @p2 $0x1  }
0x17: {  	s4 =	simm.s32 $0x1BF5;
	[smem:$0x3FB6] =	sst s0  }
0x18: {  	s0 =	sld [smem:$0x3F99];
	_ =	swait.ge [sflag:s4], $0x0  }
0x19: {  	s7 =	sld [smem:$0x3F9A]  }
0x1a: {  	s8 =	sadd.s32 $0xFFFFE003, lr  }
0x1b: {  	s9 =	sadd.s32 $0xFFFFFEF7, lr;
	s5 =	simm.s32 $0xFFFFFFFF;
	p2 =	slt.u32 s8, $0xFFFFF086  }
0x1c: {  	p1 =	slt.u32 s9, $0xF7A;
	s5 =	simm.s32 @!p2 $0x0  }
0x1d: {  	s5 =	simm.s32 @p1 $0x1;
	p0 =	seq.s32 s7, s2  }
0x1e: {  	s7 =	smul.u32 @!p0 $0xF7A, s2;
	p2 =	seq.s32 @!p0 s5, $0x0  }
0x1f: {  	s9 =	smul.u32 $0xF7A, s1;
	s8 =	simm.s32 @!p0 $0x1BF5;
	p2 =	por !p2, p0  }
0x20: {  	[sflag:s8] =	ssyncset.s32 @!p0 $0xFFFFF086;
	s6 =	sadd.s32 @!p0 s3, s7;
	s7 =	simm.s32 @!p0 $0x108  }
0x21: {  	s3 =	sadd.s32 s3, s9;
	s6 =	sadd.s32 @!p0 $0x88, s6;
	s7 =	simm.s32 @p2 $0x1082  }
0x22: {  	[simem:s7], [sflag:s8] =	dma.local @!p0 [hbm:s6], $0xF7A  }
0x23: {  	s9 =	sor.u32 $0xD0000000, s2;
	s6 =	simm.s32 $0x108;
	_ =	swait.ge @!p0 [sflag:s8], $0x0  }
0x24: {  	s3 =	sadd.s32 $0x88, s3;
	s6 =	simm.s32 @!p1 $0x1082;
	[sflag:s4] =	ssyncset.s32 $0xFFFFF086  }
0x25: {  	[simem:s6], [sflag:s4] =	dma.local [hbm:s3], $0xF7A  }
0x26: {  	[smem:$0x3F9A] =	sst s1;
	(tag) =	ssettag s2;
	_ =	strace s9  }
0x27: {  	s1 =	sld [smem:$0x3FAA]  }
0x28: {  	s2 =	sld [smem:$0x3FAB]  }
0x29: {  	s4 =	sld [smem:$0x3FAD]  }
0x2a: {  	p0 =	seq.s32 s5, $0x0;
	s5 =	sld [smem:$0x3FAE]  }
0x2b: {  	s6 =	sld [smem:$0x3FAF]  }
0x2c: {  	s7 =	sld [smem:$0x3FB0]  }
0x2d: {  	s3 =	simm.s32 $0x108;
	s8 =	sld [smem:$0x3FB1]  }
0x2e: {  	s3 =	simm.s32 @!p0 $0x1082;
	s9 =	sld [smem:$0x3FB2]  }
0x2f: {  	lr =	sadd.s32 s0, s3;
	s0 =	sld [smem:$0x3FA9]  }
0x30: {  	s3 =	sld [smem:$0x3FAC]  }
0x31: {  	[smem:$0x3FB5] =	sst s10  }
0x32: {  	s10 =	sld [smem:$0x3FB3];
	_ =	sdelay $0x3  }
0x33: {  	p0 =	seq.s32 s10, $0x1;
	s10 =	sld [smem:$0x3FB5];
	_ =	sdelay $0x3  }
0x34: {  	[smem:$0x3FB5] =	sst s10  }
0x35: {  	s10 =	sld [smem:$0x3FB4];
	_ =	sdelay $0x3  }
0x36: {  	p1 =	seq.s32 s10, $0x1;
	s10 =	sld [smem:$0x3FB5];
	_ =	sdelay $0x3  }
0x37: {  	[smem:$0x3FB5] =	sst s10  }
0x38: {  	s10 =	sld [smem:$0x3FB6]  }
0x39: {  	_ = 	snop;
	(pc) =	sbr.ind lr, $3  }
0x3a: {  	_ = 	snop  }
0x3b: {  	_ = 	snop  }
0x3c: {  	p2 =	seq.s32 s10, $0x1;
	s10 =	sld [smem:$0x3FB5]  }
0x3d: {  	_ =	shalt  }
0x3e: {  	_ =	shalt  }
0x3f: {  	_ =	shalt  }
0x40: {  	_ =	shalt  }
0x41: {  	_ =	shalt  }
0x42: {  	_ =	shalt  }
0x43: {  	_ =	shalt  }
0x44: {  	_ =	shalt  }
0x45: {  	_ =	shalt  }
0x46: {  	_ =	shalt  }
0x47: {  	_ =	shalt  }
0x48: {  	_ =	shalt  }
0x49: {  	_ =	shalt  }
0x4a: {  	_ =	shalt  }
0x4b: {  	_ =	shalt  }
0x4c: {  	_ =	shalt  }
0x4d: {  	_ =	shalt  }
0x4e: {  	_ =	shalt  }
0x4f: {  	_ =	shalt  }
0x50: {  	_ =	shalt  }
0x51: {  	_ =	shalt  }
0x52: {  	_ =	shalt  }
0x53: {  	_ =	shalt  }
0x54: {  	_ =	shalt  }
0x55: {  	_ =	shalt  }
0x56: {  	_ =	shalt  }
0x57: {  	_ =	shalt  }
0x58: {  	_ =	shalt  }
0x59: {  	_ =	shalt  }
0x5a: {  	_ =	shalt  }
0x5b: {  	_ =	shalt  }
0x5c: {  	_ =	shalt  }
0x5d: {  	_ =	shalt  }
0x5e: {  	_ =	shalt  }
0x5f: {  	_ =	shalt  }
0x60: {  	_ =	shalt  }
0x61: {  	_ =	shalt  }
0x62: {  	_ =	shalt  }
0x63: {  	_ =	shalt  }
0x64: {  	_ =	shalt  }
0x65: {  	_ =	shalt  }
0x66: {  	_ =	shalt  }
0x67: {  	_ =	shalt  }
0x68: {  	_ =	shalt  }
0x69: {  	_ =	shalt  }
0x6a: {  	_ =	shalt  }
0x6b: {  	_ =	shalt  }
0x6c: {  	_ =	shalt  }
0x6d: {  	_ =	shalt  }
0x6e: {  	_ =	shalt  }
0x6f: {  	_ =	shalt  }
0x70: {  	_ =	shalt  }
0x71: {  	_ =	shalt  }
0x72: {  	_ =	shalt  }
0x73: {  	_ =	shalt  }
0x74: {  	_ =	shalt  }
0x75: {  	_ =	shalt  }
0x76: {  	_ =	shalt  }
0x77: {  	_ =	shalt  }
0x78: {  	_ =	shalt  }
0x79: {  	_ =	shalt  }
0x7a: {  	_ =	shalt  }
0x7b: {  	_ =	shalt  }
0x7c: {  	_ =	shalt  }
0x7d: {  	_ =	shalt  }
0x7e: {  	_ =	shalt  }
0x7f: {  	_ =	shalt  }
0x80: {  	_ =	shalt  }
0x81: {  	_ =	shalt  }
0x82: {  	_ =	shalt  }
0x83: {  	_ =	shalt  }
0x84: {  	_ =	shalt  }
0x85: {  	_ =	shalt  }
0x86: {  	_ =	shalt  }
0x87: {  	_ =	shalt  }
.Lfunc_end0:
.L_simem_size_0:
called_computation_lowered:
.L_overlay_start_0:
0x88: {  	s2 =	sld [smem:$0x3FD9]  }
0x89: {  	s3 =	sld [smem:$0x3FFE];
	_ =	sdelay $0x1  }
0x8a: {  	s1 =	srdreg.scid  }
0x8b: {  	s0 =	sand.u32 $0x1, s1  }
0x8c: {  	s17 =	sshll.u32 s0, $0xA;
	s2 =	sadd.s32 s3, s2  }
0x8d: {  	s2 =	sadd.s32 s2, s17  }
0x8e: {  	[smem:$0x3FC1] =	sst s2  }
0x8f: {  	_ = 	snop  }
0x90: {  	s2 =	sld [smem:$0x3FD0];
	(tm) =	ssettm $0x1  }
0x91: {  	s18 =	sld [smem:$0x3FFB];
	_ =	sdelay $0x3  }
0x92: {  	_ =	strace s18  }
0x93: {  	s3 =	sld [smem:$0x3FFC];
	_ =	sdelay $0x3  }
0x94: {  	_ =	strace s3  }
0x95: {  	s3 =	sld [smem:$0x3FFD];
	_ =	sdelay $0x3  }
0x96: {  	_ =	strace s3  }
0x97: {  	_ =	strace $0x8FFFFFFF  }
0x98: {  	s19 =	sld [smem:$0x3FDB];
	_ =	sdelay $0x1  }
0x99: {  	s4 =	simm.s32 $_scs_section_size  }
0x9a: {  	s5 =	simm.s32 $_size__tile_overlayer_lowered;
	s6 =	simm.s32 $_tile_overlayer_lowered  }
0x9b: {  	s22 =	simm.s32 $0x1BFF;
	s21 =	sshll.u32 s6, $0x1;
	s3 =	sadd.s32 s4, s19  }
0x9c: {  	s7 =	simm.s32 $0x0;
	s20 =	sshll.u32 s5, $0x1;
	s5 =	sadd.s32 s21, s3  }
0x9d: {  	[timem:s7], [sflag:s22] =	dma.local [hbm:s5], s20  }
0x9e: {  	_ =	swait.ge [sflag:s22], s20  }
0x9f: {  	s4 =	ssub.s32 $0x0, s20;
	[sflag:s22] =	ssyncset.done $0x0  }
0xa0: {  	[sflag:s22] =	ssyncadd.s32 s4;
	_ =	sdelay $0x1  }
0xa1: {  	s23 =	simm.s32 $0x1B8B  }
0xa2: {  	_ =	swait.ge [sflag:s23], $0x1  }
0xa3: {  	[sflag:s23] =	ssyncset.done $0x0  }
0xa4: {  	s25 =	simm.s32 $0x1B8E;
	s24 =	sld [smem:$0x3FFE];
	[sflag:s23] =	ssyncadd.s32 $0xFFFFFFFF  }
0xa5: {  	s26 =	simm.s32 $execute0_lowered;
	[smem:$0x3FD2] =	sst s25  }
0xa6: {  	s5 =	sshll.u32 s26, $0x1;
	_ =	strace $0x80000046;
	[dreg:$0x1] =	wrdreg $0xFFFFFFFF  }
0xa7: {  	s28 =	simm.s32 $_size_execute0_lowered;
	s3 =	sadd.s32 s3, s5;
	[dreg:$0x0] =	wrdreg $0x0  }
0xa8: {  	s5 =	sshll.u32 s28, $0x1;
	[dreg:$0x2] =	wrdreg s3  }
0xa9: {  	[dreg:$0x3] =	wrdreg s5  }
0xaa: {  	[dreg:$0x4] =	wrdreg $0xC0  }
0xab: {  	_ =	task [dreg:s7], $0x5FFFF  }
0xac: {  	[dreg:$0x1] =	wrdreg $0xFFFFFFFF  }
0xad: {  	[dreg:$0x0] =	wrdreg $0x60  }
0xae: {  	[dreg:$0x2] =	wrdreg s2  }
0xaf: {  	[dreg:$0x3] =	wrdreg s24  }
0xb0: {  	[dreg:$0x4] =	wrdreg $0x0  }
0xb1: {  	[dreg:$0x5] =	wrdreg $0x138800  }
0xb2: {  	[dreg:$0x6] =	wrdreg $0x9  }
0xb3: {  	_ =	task.clear_ibuf [dreg:s7], $0x7FFFF;
	_ =	strace $0x90000046  }
0xb4: {  	s29 =	simm.s32 $0x9;
	_ =	strace $0x80000048  }
0xb5: {  	_ =	swait.ge [sflag:s29], $0x1  }
0xb6: {  	[sflag:s29] =	ssyncadd.s32 $0xFFFFFFFF  }
0xb7: {  	_ =	strace $0x90000048  }
0xb8: {  	_ =	sfence  }
0xb9: {  	s30 =	sld [smem:$0x0];
	_ =	sdelay $0x2  }
0xba: {  	s31 =	sshll.u32 s1, $0xD;
	s1 =	sshrl.u32 s1, $0x2  }
0xbb: {  	s3 =	sand.u32 $0x4000, s31;
	s1 =	sadd.s32 s1, s30  }
0xbc: {  	s0 =	sor.u32 s3, s0;
	s1 =	sshll.u32 s1, $0x11  }
0xbd: {  	s0 =	sor.u32 s1, s0  }
0xbe: {  	s0 =	sadd.s32 $0x8F2B, s0  }
0xbf: {  	[sflag:s0] =	ssyncadd.remote.s32 $0x1  }
0xc0: {  	_ =	sfence.sel $0xFFFF  }
0xc1: {  	[dreg:$0x0] =	wrdreg $0xFFFFFFFF;
	(pc) =	sbr.abs _section_cstart, $3  }
0xc2: {  	[dreg:$0x1] =	wrdreg $0xFFFFFFFF  }
0xc3: {  	_ =	task.clear_ibuf [dreg:s7], $0x2FFFF;
	_ =	strace $0x9FFFFFFF  }
0xc4: {  	(tm) =	ssettm $0x7FFFFFFF  }
0xc5: {  	_ =	shalt  }
tec
execute0_lowered:
.L_overlay_start_1:
0x0: {  	(tag) =	ssettag $0x1  }
0x1: {  	s1 =	rddreg [dreg:$0x0]  }
0x2: {  	s0 =	rddreg [dreg:$0x1]  }
0x3: {  	s2 =	rddreg [dreg:$0x2]  }
0x4: {  	s4 =	srdreg.scid;
	s12 =	stileid.u32  }
0x5: {  	s5 =	simm.s32 $0x0;
	s28 =	simm.s32 $0x1D240;
	s7 =	smul.u32 $0x13880, s12  }
0x6: {  	s30 =	simm.s32 $0x50;
	s31 =	simm.s32 $0x172A0;
	s13 =	smul.u32 $0x2710, s12  }
0x7: {  	s4 =	sand.u32 $0x1, s4;
	[smem:$0x7FF] =	sst s5;
	s23 =	smul.u32 $0x9C40, s12  }
0x8: {  	s8 =	sadd.s32 $0xB600, s0;
	s11 =	sadd.s32 $0x1800, s0;
	s25 =	smul.u32 $0x4E200, s12  }
0x9: {  	s3 =	rddreg [dreg:$0x3];
	s6 =	smul.u32 $0x138800, s4;
	_ =	strace $0x80000047  }
0xa: {  	s9 =	smul.u32 $0x27100, s4;
	s10 =	sshll.u32 s4, $0x4;
	s4 =	ssub.s32 $0x2, s4  }
0xb: {  	s10 =	sor.u32 s12, s10;
	s15 =	sshrl.u32 s4, $0x1;
	s26 =	sshrl.u32 s23, $0x2  }
0xc: {  	s29 =	sshrl.u32 s25, $0x2;
	s23 =	simm.s32 $0x16C10;
	s25 =	simm.s32 $0x1CA70  }
0xd: {  	s6 =	sadd.s32 s7, s6;
	s7 =	sadd.s32 s13, s9;
	s14 =	smul.u32 $0x2710, s10  }
0xe: {  	s10 =	smul.u32 $0x4E2, s10;
	s4 =	ssub.s32 s4, s15;
	s6 =	sshrl.u32 s6, $0x3  }
0xf: {  	s15 =	sadd.s32 s29, s2;
	s7 =	sshrl.u32 s7, $0x3;
	s6 =	sadd.s32 s6, s0  }
0x10: {  	s0 =	sadd.s32 s7, s0;
	s9 =	sshrl.u32 s14, $0x3;
	s16 =	sadd.s32 s8, s10  }
0x11: {  	s10 =	sadd.s32 s11, s10;
	s14 =	sadd.s32 s26, s3;
	[dreg:$0x5] =	wrdreg s16  }
0x12: {  	s26 =	simm.s32 $0x3;
	s17 =	sadd.s32 $0xFA, s9;
	[dreg:$0x6] =	wrdreg s10  }
0x13: {  	s19 =	sadd.s32 $0x1F4, s9;
	s21 =	sadd.s32 $0x2EE, s9;
	s18 =	sadd.s32 s8, s17  }
0x14: {  	s24 =	sadd.s32 $0x3E8, s9;
	s7 =	sadd.s32 s11, s17;
	[dreg:$0x7] =	wrdreg s18  }
0x15: {  	s16 =	smax.u32 s4, $0x1;
	s20 =	sadd.s32 s8, s19;
	[dreg:$0x8] =	wrdreg s7  }
0x16: {  	s4 =	simm.s32 $0x1;
	s10 =	sadd.s32 s11, s19;
	[dreg:$0x9] =	wrdreg s20  }
0x17: {  	s9 =	simm.s32 $0x1D1F0;
	s22 =	sadd.s32 s8, s21;
	[dreg:$0xa] =	wrdreg s10  }
0x18: {  	s8 =	sadd.s32 s8, s24;
	s19 =	sadd.s32 $0x15400, s0;
	[dreg:$0xb] =	wrdreg s22  }
0x19: {  	s0 =	simm.s32 $0x19AA0;
	s7 =	sadd.s32 s11, s21;
	[dreg:$0xd] =	wrdreg s8  }
0x1a: {  	s20 =	sadd.s32 $0x1F200, s6;
	s21 =	simm.s32 $0x15F90;
	s22 =	simm.s32 $0x5  }
0x1b: {  	s6 =	simm.s32 $0x16DA0;
	s8 =	simm.s32 $0x4;
	s10 =	simm.s32 $0x1E190  }
0x1c: {  	v0 =	vimm.f32 $0.0e+00;
	vm0 =	vcmask $0x300;
	[dreg:$0xc] =	wrdreg s7;
	s7 =	sadd.s32 s11, s24;
	s24 =	simm.s32 $0x1C2A0  }
0x1d: {  	v1 =	vsel vm0, $0x3F800000, v0;
	s11 =	simm.s32 $0x0;
	[dreg:$0xe] =	wrdreg s7;
	s7 =	simm.s32 $0x2  }
.LBB2_1:
0x1e: {  	s12 =	simm.s32 $0x0  }
.LBB2_2:
0x1f: {  	p0 =	sne.s32 s12, $0x13C0  }
.Ltmp0:
0x20: {  	_ = 	snop;
	(pc) =	sbr.rel @p0 .LBB2_2-.Ltmp0, $3  }
0x21: {  	_ =	sdelay $0x1  }
0x22: {  	s13 =	sshra.s32 s12, $0x2  }
0x23: {  	s12 =	sadd.s32 $0x40, s12;
	[tilespmem:s13+$0x16DA0] =	vst v1  }
0x24: {  	s12 =	simm.s32 $0x15FD0  }
0x25: {  	[tilespmem:s12+$0xFFFFFFD0] =	vst v0  }
0x26: {  	[tilespmem:s12+$0xFFFFFFE0] =	vst v0  }
0x27: {  	[tilespmem:s12+$0xFFFFFFF0] =	vst v0  }
0x28: {  	[tilespmem:s12+$0x0] =	vst v0  }
0x29: {  	[tilespmem:s12+$0x10] =	vst v0  }
0x2a: {  	[tilespmem:s12+$0x20] =	vst v0  }
0x2b: {  	[tilespmem:s12+$0x30] =	vst v0  }
0x2c: {  	s17 =	simm.s32 $0x0;
	s13 =	simm.s32 $0x40;
	[tilespmem:s12+$0xFFFFFFC0] =	vst v0  }
.LBB2_4:
0x2d: {  	p0 =	sne.s32 s13, $0x600;
	[tilespmem:s17+$0x16C10] =	vst v0;
	s12 =	sadd.s32 $0x80, s12  }
0x2e: {  	[tilespmem:s12+$0xFFFFFFD0] =	vst v0  }
0x2f: {  	[tilespmem:s12+$0xFFFFFFE0] =	vst v0  }
0x30: {  	[tilespmem:s12+$0xFFFFFFF0] =	vst v0  }
.Ltmp1:
0x31: {  	[tilespmem:s12+$0x0] =	vst v0;
	(pc) =	sbr.rel @p0 .LBB2_4-.Ltmp1, $4  }
0x32: {  	[tilespmem:s12+$0x10] =	vst v0  }
0x33: {  	[tilespmem:s12+$0x20] =	vst v0  }
0x34: {  	[tilespmem:s12+$0x30] =	vst v0  }
0x35: {  	s17 =	sshra.s32 s13, $0x2;
	s13 =	sadd.s32 $0x40, s13;
	[tilespmem:s12+$0xFFFFFFC0] =	vst v0  }
0x36: {  	[tilespmem:s17+$0x16C10] =	vst v0  }
0x37: {  	[spmem:s15] =	stream.linear.scatter [tilespmem:s21], [sflag:$0x5], $0xC80, $0x38;
	[tilespmem:$0x1E1E0] =	vst v63  }
0x38: {  	_ =	swait.ge [sflag:s22], $0xC80  }
0x39: {  	[sflag:s22] =	ssyncset.done $0x0  }
0x3a: {  	s12 =	sadd.s32 $0x0, s14;
	[sflag:s22] =	ssyncadd.s32 $0xFFFFF380  }
0x3b: {  	[spmem:s12] =	stream.linear.scatter [tilespmem:s23], [sflag:$0x5], $0x190, $0x38;
	[tilespmem:$0x1E1E0] =	vst v63  }
0x3c: {  	_ =	swait.ge [sflag:s22], $0x190  }
0x3d: {  	s13 =	smov.u32 s15;
	s12 =	simm.s32 $0x640;
	[sflag:s22] =	ssyncset.done $0x0  }
.LBB2_6:
0x3e: {  	p0 =	sne.s32 s12, $0x9600;
	[sflag:s22] =	ssyncadd.s32 $0xFFFFFE70;
	s13 =	sadd.s32 $0xC80, s13  }
0x3f: {  	[spmem:s13] =	stream.linear.scatter [tilespmem:s21], [sflag:$0x5], $0xC80, $0x38;
	[tilespmem:$0x1E1E0] =	vst v63  }
0x40: {  	s17 =	smov.u32 s12;
	s12 =	sadd.s32 $0x640, s12;
	_ =	swait.ge [sflag:s22], $0xC80  }
.Ltmp2:
0x41: {  	s17 =	sshra.s32 s17, $0x2;
	[sflag:s22] =	ssyncset.done $0x0;
	(pc) =	sbr.rel @p0 .LBB2_6-.Ltmp2, $4  }
0x42: {  	s17 =	sadd.s32 s17, s14;
	[sflag:s22] =	ssyncadd.s32 $0xFFFFF380  }
0x43: {  	[spmem:s17] =	stream.linear.scatter [tilespmem:s23], [sflag:$0x5], $0x190, $0x38;
	[tilespmem:$0x1E1E0] =	vst v63  }
0x44: {  	_ =	swait.ge [sflag:s22], $0x190  }
0x45: {  	[sflag:s22] =	ssyncset.done $0x0  }
0x46: {  	[sflag:s22] =	ssyncadd.s32 $0xFFFFFE70  }
0x47: {  	[bflag:$0x0] =	sbarrier.arrive $0xFFFF  }
0x48: {  	s12 =	simm.s32 $0x0;
	s13 =	rddreg [dreg:$0x5]  }
0x49: {  	[tilespmem:s24], [sflag:$0x3] =	stream.linear.gather [hbm4b:s13+s12], $0x7D0, $0x38;
	[tilespmem:$0x1E1E0] =	vst v63  }
0x4a: {  	s17 =	rddreg [dreg:$0x6]  }
0x4b: {  	[tilespmem:s25], [sflag:$0x3] =	stream.linear.gather [hbm4b:s17+s12], $0x7D0, $0x38;
	[tilespmem:$0x1E1E0] =	vst v63  }
0x4c: {  	_ =	swait.ge [sflag:s26], $0x7D0  }
0x4d: {  	[sflag:s26] =	ssyncset.done $0x0  }
0x4e: {  	[sflag:s26] =	ssyncadd.s32 $0xFFFFF830  }
0x4f: {  	_ =	swait.ge [sflag:s26], $0x7D0  }
0x50: {  	[sflag:s26] =	ssyncset.done $0x0  }
0x51: {  	s18 =	rddreg [dreg:$0x7];
	[sflag:s26] =	ssyncadd.s32 $0xFFFFF830  }
0x52: {  	[tilespmem:s28], [sflag:$0x4] =	stream.linear.gather [hbm4b:s18+s12], $0x7D0, $0x38;
	[tilespmem:$0x1E1E0] =	vst v63  }
0x53: {  	s17 =	simm.s32 $0x1DA10;
	s29 =	rddreg [dreg:$0x8]  }
0x54: {  	[tilespmem:s17], [sflag:$0x4] =	stream.linear.gather [hbm4b:s29+s12], $0x7D0, $0x38;
	[tilespmem:$0x1E1E0] =	vst v63  }
0x55: {  	_ = 	snop  }
0x56: {  	[tilespmem:s31], [sflag:$0x1] =	stream.indirect.gather [hbm4b:s1+s30], $0x80, s24, s30, $0xb8;
	[tilespmem:$0x1E1E0] =	vst v63  }
0x57: {  	s13 =	simm.s32 $0x1C2F0  }
0x58: {  	[tilespmem:s0], [sflag:$0x2] =	stream.indirect.gather [hbm4b:s1+s30], $0x80, s13, s30, $0xb8;
	[tilespmem:$0x1E1E0] =	vst v63  }
0x59: {  	_ =	swait.ge [sflag:s4], $0x2800  }
0x5a: {  	[sflag:s4] =	ssyncset.done $0x0  }
0x5b: {  	s17 =	simm.s32 $0x1CA70;
	[sflag:s4] =	ssyncadd.s32 $0xFFFFD800  }
0x5c: {  	[spmem:s2] =	stream.indirect.scatter.add.f32 [tilespmem:s31], [sflag:$0x5], $0x80, s17, s30, $0xb8;
	[tilespmem:$0x1E1E0] =	vst v63  }
0x5d: {  	_ =	swait.ge [sflag:s22], $0x2800  }
0x5e: {  	[sflag:s22] =	ssyncset.done $0x0  }
0x5f: {  	[sflag:s22] =	ssyncadd.s32 $0xFFFFD800  }
0x60: {  	[spmem:s3] =	stream.indirect.scatter.add.f32 [tilespmem:s6], [sflag:$0x5], $0x10, s17, s30, $0xb8;
	[tilespmem:$0x1E1E0] =	vst v63  }
0x61: {  	_ =	swait.ge [sflag:s22], $0x500  }
0x62: {  	[sflag:s22] =	ssyncset.done $0x0  }
0x63: {  	s18 =	simm.s32 $0x1C340;
	[sflag:s22] =	ssyncadd.s32 $0xFFFFFB00  }
0x64: {  	[tilespmem:s31], [sflag:$0x1] =	stream.indirect.gather [hbm4b:s1+s30], $0x80, s18, s30, $0xb8;
	[tilespmem:$0x1E1E0] =	vst v63  }
0x65: {  	_ =	swait.ge [sflag:s7], $0x2800  }
0x66: {  	[sflag:s7] =	ssyncset.done $0x0  }
0x67: {  	s29 =	simm.s32 $0x1CAC0;
	[sflag:s7] =	ssyncadd.s32 $0xFFFFD800  }
0x68: {  	[spmem:s2] =	stream.indirect.scatter.add.f32 [tilespmem:s0], [sflag:$0x5], $0x80, s29, s30, $0xb8;
	[tilespmem:$0x1E1E0] =	vst v63  }
0x69: {  	_ =	swait.ge [sflag:s22], $0x2800  }
0x6a: {  	[sflag:s22] =	ssyncset.done $0x0  }
0x6b: {  	[sflag:s22] =	ssyncadd.s32 $0xFFFFD800  }
0x6c: {  	[spmem:s3] =	stream.indirect.scatter.add.f32 [tilespmem:s6], [sflag:$0x5], $0x10, s29, s30, $0xb8;
	[tilespmem:$0x1E1E0] =	vst v63  }
0x6d: {  	_ =	swait.ge [sflag:s22], $0x500  }
0x6e: {  	s12 =	simm.s32 $0xA0;
	s13 =	simm.s32 $0x500;
	[sflag:s22] =	ssyncset.done $0x0  }
.LBB2_8:
0x6f: {  	s17 =	sadd.s32 $0x1C2F0, s12  }
0x70: {  	[sflag:s22] =	ssyncadd.s32 $0xFFFFFB00;
	s18 =	smov.u32 s13;
	s29 =	sadd.s32 $0x280, s13  }
0x71: {  	[tilespmem:s0], [sflag:$0x2] =	stream.indirect.gather [hbm4b:s1+s30], $0x80, s17, s30, $0xb8;
	[tilespmem:$0x1E1E0] =	vst v63  }
0x72: {  	p0 =	sne.s32 s13, $0x1B80;
	_ =	swait.ge [sflag:s4], $0x2800  }
0x73: {  	[sflag:s4] =	ssyncset.done $0x0  }
0x74: {  	s13 =	sadd.s32 $0x1CA70, s12;
	[sflag:s4] =	ssyncadd.s32 $0xFFFFD800  }
0x75: {  	[spmem:s2] =	stream.indirect.scatter.add.f32 [tilespmem:s31], [sflag:$0x5], $0x80, s13, s30, $0xb8;
	[tilespmem:$0x1E1E0] =	vst v63  }
0x76: {  	_ =	swait.ge [sflag:s22], $0x2800  }
0x77: {  	[sflag:s22] =	ssyncset.done $0x0  }
0x78: {  	[sflag:s22] =	ssyncadd.s32 $0xFFFFD800  }
0x79: {  	[spmem:s3] =	stream.indirect.scatter.add.f32 [tilespmem:s6], [sflag:$0x5], $0x10, s13, s30, $0xb8;
	[tilespmem:$0x1E1E0] =	vst v63  }
0x7a: {  	_ =	swait.ge [sflag:s22], $0x500  }
0x7b: {  	[sflag:s22] =	ssyncset.done $0x0  }
0x7c: {  	s13 =	sadd.s32 $0x1C340, s12;
	[sflag:s22] =	ssyncadd.s32 $0xFFFFFB00  }
0x7d: {  	[tilespmem:s31], [sflag:$0x1] =	stream.indirect.gather [hbm4b:s1+s30], $0x80, s13, s30, $0xb8;
	[tilespmem:$0x1E1E0] =	vst v63  }
0x7e: {  	_ =	swait.ge [sflag:s7], $0x2800  }
0x7f: {  	[sflag:s7] =	ssyncset.done $0x0  }
0x80: {  	s12 =	sadd.s32 $0x1CAC0, s12;
	[sflag:s7] =	ssyncadd.s32 $0xFFFFD800  }
0x81: {  	[spmem:s2] =	stream.indirect.scatter.add.f32 [tilespmem:s0], [sflag:$0x5], $0x80, s12, s30, $0xb8;
	[tilespmem:$0x1E1E0] =	vst v63  }
0x82: {  	_ =	swait.ge [sflag:s22], $0x2800  }
.Ltmp3:
0x83: {  	[sflag:s22] =	ssyncset.done $0x0;
	(pc) =	sbr.rel @p0 .LBB2_8-.Ltmp3, $4  }
0x84: {  	[sflag:s22] =	ssyncadd.s32 $0xFFFFD800  }
0x85: {  	[spmem:s3] =	stream.indirect.scatter.add.f32 [tilespmem:s6], [sflag:$0x5], $0x10, s12, s30, $0xb8;
	[tilespmem:$0x1E1E0] =	vst v63  }
0x86: {  	_ =	swait.ge [sflag:s22], $0x500  }
0x87: {  	s13 =	smov.u32 s29;
	s12 =	sshra.s32 s18, $0x2;
	[sflag:s22] =	ssyncset.done $0x0  }
0x88: {  	s13 =	sadd.s32 $0x1C2F0, s12;
	[sflag:s22] =	ssyncadd.s32 $0xFFFFFB00  }
0x89: {  	[tilespmem:s0], [sflag:$0x2] =	stream.indirect.gather [hbm4b:s1+s30], $0x80, s13, s30, $0xb8;
	[tilespmem:$0x1E1E0] =	vst v63  }
0x8a: {  	_ =	swait.ge [sflag:s4], $0x2800  }
0x8b: {  	[sflag:s4] =	ssyncset.done $0x0  }
0x8c: {  	s18 =	sadd.s32 $0x1CA70, s12;
	[sflag:s4] =	ssyncadd.s32 $0xFFFFD800  }
0x8d: {  	[spmem:s2] =	stream.indirect.scatter.add.f32 [tilespmem:s31], [sflag:$0x5], $0x80, s18, s30, $0xb8;
	[tilespmem:$0x1E1E0] =	vst v63  }
0x8e: {  	_ =	swait.ge [sflag:s22], $0x2800  }
0x8f: {  	[sflag:s22] =	ssyncset.done $0x0  }
0x90: {  	[sflag:s22] =	ssyncadd.s32 $0xFFFFD800  }
0x91: {  	[spmem:s3] =	stream.indirect.scatter.add.f32 [tilespmem:s6], [sflag:$0x5], $0x10, s18, s30, $0xb8;
	[tilespmem:$0x1E1E0] =	vst v63  }
0x92: {  	_ =	swait.ge [sflag:s22], $0x500  }
0x93: {  	[sflag:s22] =	ssyncset.done $0x0  }
0x94: {  	s29 =	sadd.s32 $0x1C340, s12;
	[sflag:s22] =	ssyncadd.s32 $0xFFFFFB00  }
0x95: {  	[tilespmem:s31], [sflag:$0x1] =	stream.indirect.gather [hbm4b:s1+s30], $0x80, s29, s30, $0xb8;
	[tilespmem:$0x1E1E0] =	vst v63  }
0x96: {  	_ =	swait.ge [sflag:s7], $0x2800  }
0x97: {  	[sflag:s7] =	ssyncset.done $0x0  }
0x98: {  	s13 =	sadd.s32 $0x1CAC0, s12;
	[sflag:s7] =	ssyncadd.s32 $0xFFFFD800  }
0x99: {  	[spmem:s2] =	stream.indirect.scatter.add.f32 [tilespmem:s0], [sflag:$0x5], $0x80, s13, s30, $0xb8;
	[tilespmem:$0x1E1E0] =	vst v63  }
0x9a: {  	_ =	swait.ge [sflag:s22], $0x2800  }
0x9b: {  	[sflag:s22] =	ssyncset.done $0x0  }
0x9c: {  	[sflag:s22] =	ssyncadd.s32 $0xFFFFD800  }
0x9d: {  	[spmem:s3] =	stream.indirect.scatter.add.f32 [tilespmem:s6], [sflag:$0x5], $0x10, s13, s30, $0xb8;
	[tilespmem:$0x1E1E0] =	vst v63  }
0x9e: {  	_ =	swait.ge [sflag:s22], $0x500  }
0x9f: {  	[sflag:s22] =	ssyncset.done $0x0  }
0xa0: {  	[sflag:s22] =	ssyncadd.s32 $0xFFFFFB00  }
0xa1: {  	_ =	swait.ge [sflag:s8], $0x7D0  }
0xa2: {  	[sflag:s8] =	ssyncset.done $0x0  }
0xa3: {  	[sflag:s8] =	ssyncadd.s32 $0xFFFFF830  }
0xa4: {  	_ =	swait.ge [sflag:s8], $0x7D0  }
0xa5: {  	[sflag:s8] =	ssyncset.done $0x0  }
0xa6: {  	[sflag:s8] =	ssyncadd.s32 $0xFFFFF830  }
0xa7: {  	[tilespmem:s0], [sflag:$0x2] =	stream.indirect.gather [hbm4b:s1+s30], $0x80, s28, s30, $0xb8;
	[tilespmem:$0x1E1E0] =	vst v63  }
0xa8: {  	_ =	swait.ge [sflag:s4], $0x2800  }
0xa9: {  	[sflag:s4] =	ssyncset.done $0x0  }
0xaa: {  	[sflag:s4] =	ssyncadd.s32 $0xFFFFD800  }
0xab: {  	[spmem:s2] =	stream.indirect.scatter.add.f32 [tilespmem:s31], [sflag:$0x5], $0x80, s9, s30, $0xb8;
	[tilespmem:$0x1E1E0] =	vst v63  }
0xac: {  	_ =	swait.ge [sflag:s22], $0x2800  }
0xad: {  	[sflag:s22] =	ssyncset.done $0x0  }
0xae: {  	[sflag:s22] =	ssyncadd.s32 $0xFFFFD800  }
0xaf: {  	[spmem:s3] =	stream.indirect.scatter.add.f32 [tilespmem:s6], [sflag:$0x5], $0x10, s9, s30, $0xb8;
	[tilespmem:$0x1E1E0] =	vst v63  }
0xb0: {  	_ =	swait.ge [sflag:s22], $0x500  }
0xb1: {  	[sflag:s22] =	ssyncset.done $0x0  }
0xb2: {  	s17 =	simm.s32 $0x0;
	s18 =	rddreg [dreg:$0x9];
	[sflag:s22] =	ssyncadd.s32 $0xFFFFFB00  }
0xb3: {  	[tilespmem:s24], [sflag:$0x3] =	stream.linear.gather [hbm4b:s18+s17], $0x7D0, $0x38;
	[tilespmem:$0x1E1E0] =	vst v63  }
0xb4: {  	s29 =	rddreg [dreg:$0xa]  }
0xb5: {  	[tilespmem:s25], [sflag:$0x3] =	stream.linear.gather [hbm4b:s29+s17], $0x7D0, $0x38;
	[tilespmem:$0x1E1E0] =	vst v63  }
0xb6: {  	s13 =	simm.s32 $0x1D290  }
0xb7: {  	[tilespmem:s31], [sflag:$0x1] =	stream.indirect.gather [hbm4b:s1+s30], $0x80, s13, s30, $0xb8;
	[tilespmem:$0x1E1E0] =	vst v63  }
0xb8: {  	_ =	swait.ge [sflag:s7], $0x2800  }
0xb9: {  	[sflag:s7] =	ssyncset.done $0x0  }
0xba: {  	s17 =	simm.s32 $0x1DA10;
	[sflag:s7] =	ssyncadd.s32 $0xFFFFD800  }
0xbb: {  	[spmem:s2] =	stream.indirect.scatter.add.f32 [tilespmem:s0], [sflag:$0x5], $0x80, s17, s30, $0xb8;
	[tilespmem:$0x1E1E0] =	vst v63  }
0xbc: {  	_ =	swait.ge [sflag:s22], $0x2800  }
0xbd: {  	[sflag:s22] =	ssyncset.done $0x0  }
0xbe: {  	[sflag:s22] =	ssyncadd.s32 $0xFFFFD800  }
0xbf: {  	[spmem:s3] =	stream.indirect.scatter.add.f32 [tilespmem:s6], [sflag:$0x5], $0x10, s17, s30, $0xb8;
	[tilespmem:$0x1E1E0] =	vst v63  }
0xc0: {  	_ =	swait.ge [sflag:s22], $0x500  }
0xc1: {  	[sflag:s22] =	ssyncset.done $0x0  }
0xc2: {  	s18 =	simm.s32 $0x1D2E0;
	[sflag:s22] =	ssyncadd.s32 $0xFFFFFB00  }
0xc3: {  	[tilespmem:s0], [sflag:$0x2] =	stream.indirect.gather [hbm4b:s1+s30], $0x80, s18, s30, $0xb8;
	[tilespmem:$0x1E1E0] =	vst v63  }
0xc4: {  	_ =	swait.ge [sflag:s4], $0x2800  }
0xc5: {  	[sflag:s4] =	ssyncset.done $0x0  }
0xc6: {  	s29 =	simm.s32 $0x1DA60;
	[sflag:s4] =	ssyncadd.s32 $0xFFFFD800  }
0xc7: {  	[spmem:s2] =	stream.indirect.scatter.add.f32 [tilespmem:s31], [sflag:$0x5], $0x80, s29, s30, $0xb8;
	[tilespmem:$0x1E1E0] =	vst v63  }
0xc8: {  	_ =	swait.ge [sflag:s22], $0x2800  }
0xc9: {  	[sflag:s22] =	ssyncset.done $0x0  }
0xca: {  	[sflag:s22] =	ssyncadd.s32 $0xFFFFD800  }
0xcb: {  	[spmem:s3] =	stream.indirect.scatter.add.f32 [tilespmem:s6], [sflag:$0x5], $0x10, s29, s30, $0xb8;
	[tilespmem:$0x1E1E0] =	vst v63  }
0xcc: {  	_ =	swait.ge [sflag:s22], $0x500  }
0xcd: {  	s12 =	simm.s32 $0xA0;
	s13 =	simm.s32 $0x500;
	[sflag:s22] =	ssyncset.done $0x0  }
.LBB2_10:
0xce: {  	s17 =	sadd.s32 $0x1D290, s12  }
0xcf: {  	[sflag:s22] =	ssyncadd.s32 $0xFFFFFB00;
	s18 =	smov.u32 s13;
	s29 =	sadd.s32 $0x280, s13  }
0xd0: {  	[tilespmem:s31], [sflag:$0x1] =	stream.indirect.gather [hbm4b:s1+s30], $0x80, s17, s30, $0xb8;
	[tilespmem:$0x1E1E0] =	vst v63  }
0xd1: {  	p0 =	sne.s32 s13, $0x1B80;
	_ =	swait.ge [sflag:s7], $0x2800  }
0xd2: {  	[sflag:s7] =	ssyncset.done $0x0  }
0xd3: {  	s13 =	sadd.s32 $0x1DA10, s12;
	[sflag:s7] =	ssyncadd.s32 $0xFFFFD800  }
0xd4: {  	[spmem:s2] =	stream.indirect.scatter.add.f32 [tilespmem:s0], [sflag:$0x5], $0x80, s13, s30, $0xb8;
	[tilespmem:$0x1E1E0] =	vst v63  }
0xd5: {  	_ =	swait.ge [sflag:s22], $0x2800  }
0xd6: {  	[sflag:s22] =	ssyncset.done $0x0  }
0xd7: {  	[sflag:s22] =	ssyncadd.s32 $0xFFFFD800  }
0xd8: {  	[spmem:s3] =	stream.indirect.scatter.add.f32 [tilespmem:s6], [sflag:$0x5], $0x10, s13, s30, $0xb8;
	[tilespmem:$0x1E1E0] =	vst v63  }
0xd9: {  	_ =	swait.ge [sflag:s22], $0x500  }
0xda: {  	[sflag:s22] =	ssyncset.done $0x0  }
0xdb: {  	s13 =	sadd.s32 $0x1D2E0, s12;
	[sflag:s22] =	ssyncadd.s32 $0xFFFFFB00  }
0xdc: {  	[tilespmem:s0], [sflag:$0x2] =	stream.indirect.gather [hbm4b:s1+s30], $0x80, s13, s30, $0xb8;
	[tilespmem:$0x1E1E0] =	vst v63  }
0xdd: {  	_ =	swait.ge [sflag:s4], $0x2800  }
0xde: {  	[sflag:s4] =	ssyncset.done $0x0  }
0xdf: {  	s12 =	sadd.s32 $0x1DA60, s12;
	[sflag:s4] =	ssyncadd.s32 $0xFFFFD800  }
0xe0: {  	[spmem:s2] =	stream.indirect.scatter.add.f32 [tilespmem:s31], [sflag:$0x5], $0x80, s12, s30, $0xb8;
	[tilespmem:$0x1E1E0] =	vst v63  }
0xe1: {  	_ =	swait.ge [sflag:s22], $0x2800  }
.Ltmp4:
0xe2: {  	[sflag:s22] =	ssyncset.done $0x0;
	(pc) =	sbr.rel @p0 .LBB2_10-.Ltmp4, $4  }
0xe3: {  	[sflag:s22] =	ssyncadd.s32 $0xFFFFD800  }
0xe4: {  	[spmem:s3] =	stream.indirect.scatter.add.f32 [tilespmem:s6], [sflag:$0x5], $0x10, s12, s30, $0xb8;
	[tilespmem:$0x1E1E0] =	vst v63  }
0xe5: {  	_ =	swait.ge [sflag:s22], $0x500  }
0xe6: {  	s13 =	smov.u32 s29;
	s12 =	sshra.s32 s18, $0x2;
	[sflag:s22] =	ssyncset.done $0x0  }
0xe7: {  	s13 =	sadd.s32 $0x1D290, s12;
	[sflag:s22] =	ssyncadd.s32 $0xFFFFFB00  }
0xe8: {  	[tilespmem:s31], [sflag:$0x1] =	stream.indirect.gather [hbm4b:s1+s30], $0x80, s13, s30, $0xb8;
	[tilespmem:$0x1E1E0] =	vst v63  }
0xe9: {  	_ =	swait.ge [sflag:s7], $0x2800  }
0xea: {  	[sflag:s7] =	ssyncset.done $0x0  }
0xeb: {  	s18 =	sadd.s32 $0x1DA10, s12;
	[sflag:s7] =	ssyncadd.s32 $0xFFFFD800  }
0xec: {  	[spmem:s2] =	stream.indirect.scatter.add.f32 [tilespmem:s0], [sflag:$0x5], $0x80, s18, s30, $0xb8;
	[tilespmem:$0x1E1E0] =	vst v63  }
0xed: {  	_ =	swait.ge [sflag:s22], $0x2800  }
0xee: {  	[sflag:s22] =	ssyncset.done $0x0  }
0xef: {  	[sflag:s22] =	ssyncadd.s32 $0xFFFFD800  }
0xf0: {  	[spmem:s3] =	stream.indirect.scatter.add.f32 [tilespmem:s6], [sflag:$0x5], $0x10, s18, s30, $0xb8;
	[tilespmem:$0x1E1E0] =	vst v63  }
0xf1: {  	_ =	swait.ge [sflag:s22], $0x500  }
0xf2: {  	[sflag:s22] =	ssyncset.done $0x0  }
0xf3: {  	s29 =	sadd.s32 $0x1D2E0, s12;
	[sflag:s22] =	ssyncadd.s32 $0xFFFFFB00  }
0xf4: {  	[tilespmem:s0], [sflag:$0x2] =	stream.indirect.gather [hbm4b:s1+s30], $0x80, s29, s30, $0xb8;
	[tilespmem:$0x1E1E0] =	vst v63  }
0xf5: {  	_ =	swait.ge [sflag:s4], $0x2800  }
0xf6: {  	[sflag:s4] =	ssyncset.done $0x0  }
0xf7: {  	s17 =	sadd.s32 $0x1DA60, s12;
	[sflag:s4] =	ssyncadd.s32 $0xFFFFD800  }
0xf8: {  	[spmem:s2] =	stream.indirect.scatter.add.f32 [tilespmem:s31], [sflag:$0x5], $0x80, s17, s30, $0xb8;
	[tilespmem:$0x1E1E0] =	vst v63  }
0xf9: {  	_ =	swait.ge [sflag:s22], $0x2800  }
0xfa: {  	[sflag:s22] =	ssyncset.done $0x0  }
0xfb: {  	[sflag:s22] =	ssyncadd.s32 $0xFFFFD800  }
0xfc: {  	[spmem:s3] =	stream.indirect.scatter.add.f32 [tilespmem:s6], [sflag:$0x5], $0x10, s17, s30, $0xb8;
	[tilespmem:$0x1E1E0] =	vst v63  }
0xfd: {  	_ =	swait.ge [sflag:s22], $0x500  }
0xfe: {  	[sflag:s22] =	ssyncset.done $0x0  }
0xff: {  	[sflag:s22] =	ssyncadd.s32 $0xFFFFFB00  }
0x100: {  	_ =	swait.ge [sflag:s26], $0x7D0  }
0x101: {  	[sflag:s26] =	ssyncset.done $0x0  }
0x102: {  	[sflag:s26] =	ssyncadd.s32 $0xFFFFF830  }
0x103: {  	_ =	swait.ge [sflag:s26], $0x7D0  }
0x104: {  	[sflag:s26] =	ssyncset.done $0x0  }
0x105: {  	[sflag:s26] =	ssyncadd.s32 $0xFFFFF830  }
0x106: {  	[tilespmem:s31], [sflag:$0x1] =	stream.indirect.gather [hbm4b:s1+s30], $0x80, s24, s30, $0xb8;
	[tilespmem:$0x1E1E0] =	vst v63  }
0x107: {  	_ =	swait.ge [sflag:s7], $0x2800  }
0x108: {  	[sflag:s7] =	ssyncset.done $0x0  }
0x109: {  	[sflag:s7] =	ssyncadd.s32 $0xFFFFD800  }
0x10a: {  	[spmem:s2] =	stream.indirect.scatter.add.f32 [tilespmem:s0], [sflag:$0x5], $0x80, s10, s30, $0xb8;
	[tilespmem:$0x1E1E0] =	vst v63  }
0x10b: {  	_ =	swait.ge [sflag:s22], $0x2800  }
0x10c: {  	[sflag:s22] =	ssyncset.done $0x0  }
0x10d: {  	[sflag:s22] =	ssyncadd.s32 $0xFFFFD800  }
0x10e: {  	[spmem:s3] =	stream.indirect.scatter.add.f32 [tilespmem:s6], [sflag:$0x5], $0x10, s10, s30, $0xb8;
	[tilespmem:$0x1E1E0] =	vst v63  }
0x10f: {  	_ =	swait.ge [sflag:s22], $0x500  }
0x110: {  	[sflag:s22] =	ssyncset.done $0x0  }
0x111: {  	s12 =	simm.s32 $0x0;
	s18 =	rddreg [dreg:$0xb];
	[sflag:s22] =	ssyncadd.s32 $0xFFFFFB00  }
0x112: {  	[tilespmem:s28], [sflag:$0x4] =	stream.linear.gather [hbm4b:s18+s12], $0x7D0, $0x38;
	[tilespmem:$0x1E1E0] =	vst v63  }
0x113: {  	s17 =	simm.s32 $0x1DA10;
	s29 =	rddreg [dreg:$0xc]  }
0x114: {  	[tilespmem:s17], [sflag:$0x4] =	stream.linear.gather [hbm4b:s29+s12], $0x7D0, $0x38;
	[tilespmem:$0x1E1E0] =	vst v63  }
0x115: {  	s13 =	simm.s32 $0x1C2F0  }
0x116: {  	[tilespmem:s0], [sflag:$0x2] =	stream.indirect.gather [hbm4b:s1+s30], $0x80, s13, s30, $0xb8;
	[tilespmem:$0x1E1E0] =	vst v63  }
0x117: {  	_ =	swait.ge [sflag:s4], $0x2800  }
0x118: {  	[sflag:s4] =	ssyncset.done $0x0  }
0x119: {  	s17 =	simm.s32 $0x1CA70;
	[sflag:s4] =	ssyncadd.s32 $0xFFFFD800  }
0x11a: {  	[spmem:s2] =	stream.indirect.scatter.add.f32 [tilespmem:s31], [sflag:$0x5], $0x80, s17, s30, $0xb8;
	[tilespmem:$0x1E1E0] =	vst v63  }
0x11b: {  	_ =	swait.ge [sflag:s22], $0x2800  }
0x11c: {  	[sflag:s22] =	ssyncset.done $0x0  }
0x11d: {  	[sflag:s22] =	ssyncadd.s32 $0xFFFFD800  }
0x11e: {  	[spmem:s3] =	stream.indirect.scatter.add.f32 [tilespmem:s6], [sflag:$0x5], $0x10, s17, s30, $0xb8;
	[tilespmem:$0x1E1E0] =	vst v63  }
0x11f: {  	_ =	swait.ge [sflag:s22], $0x500  }
0x120: {  	[sflag:s22] =	ssyncset.done $0x0  }
0x121: {  	s18 =	simm.s32 $0x1C340;
	[sflag:s22] =	ssyncadd.s32 $0xFFFFFB00  }
0x122: {  	[tilespmem:s31], [sflag:$0x1] =	stream.indirect.gather [hbm4b:s1+s30], $0x80, s18, s30, $0xb8;
	[tilespmem:$0x1E1E0] =	vst v63  }
0x123: {  	_ =	swait.ge [sflag:s7], $0x2800  }
0x124: {  	[sflag:s7] =	ssyncset.done $0x0  }
0x125: {  	s29 =	simm.s32 $0x1CAC0;
	[sflag:s7] =	ssyncadd.s32 $0xFFFFD800  }
0x126: {  	[spmem:s2] =	stream.indirect.scatter.add.f32 [tilespmem:s0], [sflag:$0x5], $0x80, s29, s30, $0xb8;
	[tilespmem:$0x1E1E0] =	vst v63  }
0x127: {  	_ =	swait.ge [sflag:s22], $0x2800  }
0x128: {  	[sflag:s22] =	ssyncset.done $0x0  }
0x129: {  	[sflag:s22] =	ssyncadd.s32 $0xFFFFD800  }
0x12a: {  	[spmem:s3] =	stream.indirect.scatter.add.f32 [tilespmem:s6], [sflag:$0x5], $0x10, s29, s30, $0xb8;
	[tilespmem:$0x1E1E0] =	vst v63  }
0x12b: {  	_ =	swait.ge [sflag:s22], $0x500  }
0x12c: {  	s12 =	simm.s32 $0xA0;
	s13 =	simm.s32 $0x500;
	[sflag:s22] =	ssyncset.done $0x0  }
.LBB2_12:
0x12d: {  	s17 =	sadd.s32 $0x1C2F0, s12  }
0x12e: {  	[sflag:s22] =	ssyncadd.s32 $0xFFFFFB00;
	s18 =	smov.u32 s13;
	s29 =	sadd.s32 $0x280, s13  }
0x12f: {  	[tilespmem:s0], [sflag:$0x2] =	stream.indirect.gather [hbm4b:s1+s30], $0x80, s17, s30, $0xb8;
	[tilespmem:$0x1E1E0] =	vst v63  }
0x130: {  	p0 =	sne.s32 s13, $0x1B80;
	_ =	swait.ge [sflag:s4], $0x2800  }
0x131: {  	[sflag:s4] =	ssyncset.done $0x0  }
0x132: {  	s13 =	sadd.s32 $0x1CA70, s12;
	[sflag:s4] =	ssyncadd.s32 $0xFFFFD800  }
0x133: {  	[spmem:s2] =	stream.indirect.scatter.add.f32 [tilespmem:s31], [sflag:$0x5], $0x80, s13, s30, $0xb8;
	[tilespmem:$0x1E1E0] =	vst v63  }
0x134: {  	_ =	swait.ge [sflag:s22], $0x2800  }
0x135: {  	[sflag:s22] =	ssyncset.done $0x0  }
0x136: {  	[sflag:s22] =	ssyncadd.s32 $0xFFFFD800  }
0x137: {  	[spmem:s3] =	stream.indirect.scatter.add.f32 [tilespmem:s6], [sflag:$0x5], $0x10, s13, s30, $0xb8;
	[tilespmem:$0x1E1E0] =	vst v63  }
0x138: {  	_ =	swait.ge [sflag:s22], $0x500  }
0x139: {  	[sflag:s22] =	ssyncset.done $0x0  }
0x13a: {  	s13 =	sadd.s32 $0x1C340, s12;
	[sflag:s22] =	ssyncadd.s32 $0xFFFFFB00  }
0x13b: {  	[tilespmem:s31], [sflag:$0x1] =	stream.indirect.gather [hbm4b:s1+s30], $0x80, s13, s30, $0xb8;
	[tilespmem:$0x1E1E0] =	vst v63  }
0x13c: {  	_ =	swait.ge [sflag:s7], $0x2800  }
0x13d: {  	[sflag:s7] =	ssyncset.done $0x0  }
0x13e: {  	s12 =	sadd.s32 $0x1CAC0, s12;
	[sflag:s7] =	ssyncadd.s32 $0xFFFFD800  }
0x13f: {  	[spmem:s2] =	stream.indirect.scatter.add.f32 [tilespmem:s0], [sflag:$0x5], $0x80, s12, s30, $0xb8;
	[tilespmem:$0x1E1E0] =	vst v63  }
0x140: {  	_ =	swait.ge [sflag:s22], $0x2800  }
.Ltmp5:
0x141: {  	[sflag:s22] =	ssyncset.done $0x0;
	(pc) =	sbr.rel @p0 .LBB2_12-.Ltmp5, $4  }
0x142: {  	[sflag:s22] =	ssyncadd.s32 $0xFFFFD800  }
0x143: {  	[spmem:s3] =	stream.indirect.scatter.add.f32 [tilespmem:s6], [sflag:$0x5], $0x10, s12, s30, $0xb8;
	[tilespmem:$0x1E1E0] =	vst v63  }
0x144: {  	_ =	swait.ge [sflag:s22], $0x500  }
0x145: {  	s13 =	smov.u32 s29;
	s12 =	sshra.s32 s18, $0x2;
	[sflag:s22] =	ssyncset.done $0x0  }
0x146: {  	s13 =	sadd.s32 $0x1C2F0, s12;
	[sflag:s22] =	ssyncadd.s32 $0xFFFFFB00  }
0x147: {  	[tilespmem:s0], [sflag:$0x2] =	stream.indirect.gather [hbm4b:s1+s30], $0x80, s13, s30, $0xb8;
	[tilespmem:$0x1E1E0] =	vst v63  }
0x148: {  	_ =	swait.ge [sflag:s4], $0x2800  }
0x149: {  	[sflag:s4] =	ssyncset.done $0x0  }
0x14a: {  	s18 =	sadd.s32 $0x1CA70, s12;
	[sflag:s4] =	ssyncadd.s32 $0xFFFFD800  }
0x14b: {  	[spmem:s2] =	stream.indirect.scatter.add.f32 [tilespmem:s31], [sflag:$0x5], $0x80, s18, s30, $0xb8;
	[tilespmem:$0x1E1E0] =	vst v63  }
0x14c: {  	_ =	swait.ge [sflag:s22], $0x2800  }
0x14d: {  	[sflag:s22] =	ssyncset.done $0x0  }
0x14e: {  	[sflag:s22] =	ssyncadd.s32 $0xFFFFD800  }
0x14f: {  	[spmem:s3] =	stream.indirect.scatter.add.f32 [tilespmem:s6], [sflag:$0x5], $0x10, s18, s30, $0xb8;
	[tilespmem:$0x1E1E0] =	vst v63  }
0x150: {  	_ =	swait.ge [sflag:s22], $0x500  }
0x151: {  	[sflag:s22] =	ssyncset.done $0x0  }
0x152: {  	s29 =	sadd.s32 $0x1C340, s12;
	[sflag:s22] =	ssyncadd.s32 $0xFFFFFB00  }
0x153: {  	[tilespmem:s31], [sflag:$0x1] =	stream.indirect.gather [hbm4b:s1+s30], $0x80, s29, s30, $0xb8;
	[tilespmem:$0x1E1E0] =	vst v63  }
0x154: {  	_ =	swait.ge [sflag:s7], $0x2800  }
0x155: {  	[sflag:s7] =	ssyncset.done $0x0  }
0x156: {  	s13 =	sadd.s32 $0x1CAC0, s12;
	[sflag:s7] =	ssyncadd.s32 $0xFFFFD800  }
0x157: {  	[spmem:s2] =	stream.indirect.scatter.add.f32 [tilespmem:s0], [sflag:$0x5], $0x80, s13, s30, $0xb8;
	[tilespmem:$0x1E1E0] =	vst v63  }
0x158: {  	_ =	swait.ge [sflag:s22], $0x2800  }
0x159: {  	[sflag:s22] =	ssyncset.done $0x0  }
0x15a: {  	[sflag:s22] =	ssyncadd.s32 $0xFFFFD800  }
0x15b: {  	[spmem:s3] =	stream.indirect.scatter.add.f32 [tilespmem:s6], [sflag:$0x5], $0x10, s13, s30, $0xb8;
	[tilespmem:$0x1E1E0] =	vst v63  }
0x15c: {  	_ =	swait.ge [sflag:s22], $0x500  }
0x15d: {  	[sflag:s22] =	ssyncset.done $0x0  }
0x15e: {  	[sflag:s22] =	ssyncadd.s32 $0xFFFFFB00  }
0x15f: {  	_ =	swait.ge [sflag:s8], $0x7D0  }
0x160: {  	[sflag:s8] =	ssyncset.done $0x0  }
0x161: {  	[sflag:s8] =	ssyncadd.s32 $0xFFFFF830  }
0x162: {  	_ =	swait.ge [sflag:s8], $0x7D0  }
0x163: {  	[sflag:s8] =	ssyncset.done $0x0  }
0x164: {  	[sflag:s8] =	ssyncadd.s32 $0xFFFFF830  }
0x165: {  	[tilespmem:s0], [sflag:$0x2] =	stream.indirect.gather [hbm4b:s1+s30], $0x80, s28, s30, $0xb8;
	[tilespmem:$0x1E1E0] =	vst v63  }
0x166: {  	_ =	swait.ge [sflag:s4], $0x2800  }
0x167: {  	[sflag:s4] =	ssyncset.done $0x0  }
0x168: {  	[sflag:s4] =	ssyncadd.s32 $0xFFFFD800  }
0x169: {  	[spmem:s2] =	stream.indirect.scatter.add.f32 [tilespmem:s31], [sflag:$0x5], $0x80, s9, s30, $0xb8;
	[tilespmem:$0x1E1E0] =	vst v63  }
0x16a: {  	_ =	swait.ge [sflag:s22], $0x2800  }
0x16b: {  	[sflag:s22] =	ssyncset.done $0x0  }
0x16c: {  	[sflag:s22] =	ssyncadd.s32 $0xFFFFD800  }
0x16d: {  	[spmem:s3] =	stream.indirect.scatter.add.f32 [tilespmem:s6], [sflag:$0x5], $0x10, s9, s30, $0xb8;
	[tilespmem:$0x1E1E0] =	vst v63  }
0x16e: {  	_ =	swait.ge [sflag:s22], $0x500  }
0x16f: {  	[sflag:s22] =	ssyncset.done $0x0  }
0x170: {  	s17 =	simm.s32 $0x0;
	s18 =	rddreg [dreg:$0xd];
	[sflag:s22] =	ssyncadd.s32 $0xFFFFFB00  }
0x171: {  	[tilespmem:s24], [sflag:$0x3] =	stream.linear.gather [hbm4b:s18+s17], $0x7D0, $0x38;
	[tilespmem:$0x1E1E0] =	vst v63  }
0x172: {  	s29 =	rddreg [dreg:$0xe]  }
0x173: {  	[tilespmem:s25], [sflag:$0x3] =	stream.linear.gather [hbm4b:s29+s17], $0x7D0, $0x38;
	[tilespmem:$0x1E1E0] =	vst v63  }
0x174: {  	s13 =	simm.s32 $0x1D290  }
0x175: {  	[tilespmem:s31], [sflag:$0x1] =	stream.indirect.gather [hbm4b:s1+s30], $0x80, s13, s30, $0xb8;
	[tilespmem:$0x1E1E0] =	vst v63  }
0x176: {  	_ =	swait.ge [sflag:s7], $0x2800  }
0x177: {  	[sflag:s7] =	ssyncset.done $0x0  }
0x178: {  	s17 =	simm.s32 $0x1DA10;
	[sflag:s7] =	ssyncadd.s32 $0xFFFFD800  }
0x179: {  	[spmem:s2] =	stream.indirect.scatter.add.f32 [tilespmem:s0], [sflag:$0x5], $0x80, s17, s30, $0xb8;
	[tilespmem:$0x1E1E0] =	vst v63  }
0x17a: {  	_ =	swait.ge [sflag:s22], $0x2800  }
0x17b: {  	[sflag:s22] =	ssyncset.done $0x0  }
0x17c: {  	[sflag:s22] =	ssyncadd.s32 $0xFFFFD800  }
0x17d: {  	[spmem:s3] =	stream.indirect.scatter.add.f32 [tilespmem:s6], [sflag:$0x5], $0x10, s17, s30, $0xb8;
	[tilespmem:$0x1E1E0] =	vst v63  }
0x17e: {  	_ =	swait.ge [sflag:s22], $0x500  }
0x17f: {  	[sflag:s22] =	ssyncset.done $0x0  }
0x180: {  	s18 =	simm.s32 $0x1D2E0;
	[sflag:s22] =	ssyncadd.s32 $0xFFFFFB00  }
0x181: {  	[tilespmem:s0], [sflag:$0x2] =	stream.indirect.gather [hbm4b:s1+s30], $0x80, s18, s30, $0xb8;
	[tilespmem:$0x1E1E0] =	vst v63  }
0x182: {  	_ =	swait.ge [sflag:s4], $0x2800  }
0x183: {  	[sflag:s4] =	ssyncset.done $0x0  }
0x184: {  	s29 =	simm.s32 $0x1DA60;
	[sflag:s4] =	ssyncadd.s32 $0xFFFFD800  }
0x185: {  	[spmem:s2] =	stream.indirect.scatter.add.f32 [tilespmem:s31], [sflag:$0x5], $0x80, s29, s30, $0xb8;
	[tilespmem:$0x1E1E0] =	vst v63  }
0x186: {  	_ =	swait.ge [sflag:s22], $0x2800  }
0x187: {  	[sflag:s22] =	ssyncset.done $0x0  }
0x188: {  	[sflag:s22] =	ssyncadd.s32 $0xFFFFD800  }
0x189: {  	[spmem:s3] =	stream.indirect.scatter.add.f32 [tilespmem:s6], [sflag:$0x5], $0x10, s29, s30, $0xb8;
	[tilespmem:$0x1E1E0] =	vst v63  }
0x18a: {  	_ =	swait.ge [sflag:s22], $0x500  }
0x18b: {  	s12 =	simm.s32 $0xA0;
	s13 =	simm.s32 $0x500;
	[sflag:s22] =	ssyncset.done $0x0  }
.LBB2_14:
0x18c: {  	s17 =	sadd.s32 $0x1D290, s12  }
0x18d: {  	[sflag:s22] =	ssyncadd.s32 $0xFFFFFB00;
	s18 =	smov.u32 s13;
	s29 =	sadd.s32 $0x280, s13  }
0x18e: {  	[tilespmem:s31], [sflag:$0x1] =	stream.indirect.gather [hbm4b:s1+s30], $0x80, s17, s30, $0xb8;
	[tilespmem:$0x1E1E0] =	vst v63  }
0x18f: {  	p0 =	sne.s32 s13, $0x1B80;
	_ =	swait.ge [sflag:s7], $0x2800  }
0x190: {  	[sflag:s7] =	ssyncset.done $0x0  }
0x191: {  	s13 =	sadd.s32 $0x1DA10, s12;
	[sflag:s7] =	ssyncadd.s32 $0xFFFFD800  }
0x192: {  	[spmem:s2] =	stream.indirect.scatter.add.f32 [tilespmem:s0], [sflag:$0x5], $0x80, s13, s30, $0xb8;
	[tilespmem:$0x1E1E0] =	vst v63  }
0x193: {  	_ =	swait.ge [sflag:s22], $0x2800  }
0x194: {  	[sflag:s22] =	ssyncset.done $0x0  }
0x195: {  	[sflag:s22] =	ssyncadd.s32 $0xFFFFD800  }
0x196: {  	[spmem:s3] =	stream.indirect.scatter.add.f32 [tilespmem:s6], [sflag:$0x5], $0x10, s13, s30, $0xb8;
	[tilespmem:$0x1E1E0] =	vst v63  }
0x197: {  	_ =	swait.ge [sflag:s22], $0x500  }
0x198: {  	[sflag:s22] =	ssyncset.done $0x0  }
0x199: {  	s13 =	sadd.s32 $0x1D2E0, s12;
	[sflag:s22] =	ssyncadd.s32 $0xFFFFFB00  }
0x19a: {  	[tilespmem:s0], [sflag:$0x2] =	stream.indirect.gather [hbm4b:s1+s30], $0x80, s13, s30, $0xb8;
	[tilespmem:$0x1E1E0] =	vst v63  }
0x19b: {  	_ =	swait.ge [sflag:s4], $0x2800  }
0x19c: {  	[sflag:s4] =	ssyncset.done $0x0  }
0x19d: {  	s12 =	sadd.s32 $0x1DA60, s12;
	[sflag:s4] =	ssyncadd.s32 $0xFFFFD800  }
0x19e: {  	[spmem:s2] =	stream.indirect.scatter.add.f32 [tilespmem:s31], [sflag:$0x5], $0x80, s12, s30, $0xb8;
	[tilespmem:$0x1E1E0] =	vst v63  }
0x19f: {  	_ =	swait.ge [sflag:s22], $0x2800  }
.Ltmp6:
0x1a0: {  	[sflag:s22] =	ssyncset.done $0x0;
	(pc) =	sbr.rel @p0 .LBB2_14-.Ltmp6, $4  }
0x1a1: {  	[sflag:s22] =	ssyncadd.s32 $0xFFFFD800  }
0x1a2: {  	[spmem:s3] =	stream.indirect.scatter.add.f32 [tilespmem:s6], [sflag:$0x5], $0x10, s12, s30, $0xb8;
	[tilespmem:$0x1E1E0] =	vst v63  }
0x1a3: {  	_ =	swait.ge [sflag:s22], $0x500  }
0x1a4: {  	s13 =	smov.u32 s29;
	s12 =	sshra.s32 s18, $0x2;
	[sflag:s22] =	ssyncset.done $0x0  }
0x1a5: {  	s13 =	sadd.s32 $0x1D290, s12;
	[sflag:s22] =	ssyncadd.s32 $0xFFFFFB00  }
0x1a6: {  	[tilespmem:s31], [sflag:$0x1] =	stream.indirect.gather [hbm4b:s1+s30], $0x80, s13, s30, $0xb8;
	[tilespmem:$0x1E1E0] =	vst v63  }
0x1a7: {  	_ =	swait.ge [sflag:s7], $0x2800  }
0x1a8: {  	[sflag:s7] =	ssyncset.done $0x0  }
0x1a9: {  	s17 =	sadd.s32 $0x1DA10, s12;
	[sflag:s7] =	ssyncadd.s32 $0xFFFFD800  }
0x1aa: {  	[spmem:s2] =	stream.indirect.scatter.add.f32 [tilespmem:s0], [sflag:$0x5], $0x80, s17, s30, $0xb8;
	[tilespmem:$0x1E1E0] =	vst v63  }
0x1ab: {  	_ =	swait.ge [sflag:s22], $0x2800  }
0x1ac: {  	[sflag:s22] =	ssyncset.done $0x0  }
0x1ad: {  	[sflag:s22] =	ssyncadd.s32 $0xFFFFD800  }
0x1ae: {  	[spmem:s3] =	stream.indirect.scatter.add.f32 [tilespmem:s6], [sflag:$0x5], $0x10, s17, s30, $0xb8;
	[tilespmem:$0x1E1E0] =	vst v63  }
0x1af: {  	_ =	swait.ge [sflag:s22], $0x500  }
0x1b0: {  	[sflag:s22] =	ssyncset.done $0x0  }
0x1b1: {  	s18 =	sadd.s32 $0x1D2E0, s12;
	[sflag:s22] =	ssyncadd.s32 $0xFFFFFB00  }
0x1b2: {  	[tilespmem:s0], [sflag:$0x2] =	stream.indirect.gather [hbm4b:s1+s30], $0x80, s18, s30, $0xb8;
	[tilespmem:$0x1E1E0] =	vst v63  }
0x1b3: {  	_ =	swait.ge [sflag:s4], $0x2800  }
0x1b4: {  	[sflag:s4] =	ssyncset.done $0x0  }
0x1b5: {  	s29 =	sadd.s32 $0x1DA60, s12;
	[sflag:s4] =	ssyncadd.s32 $0xFFFFD800  }
0x1b6: {  	[spmem:s2] =	stream.indirect.scatter.add.f32 [tilespmem:s31], [sflag:$0x5], $0x80, s29, s30, $0xb8;
	[tilespmem:$0x1E1E0] =	vst v63  }
0x1b7: {  	_ =	swait.ge [sflag:s22], $0x2800  }
0x1b8: {  	[sflag:s22] =	ssyncset.done $0x0  }
0x1b9: {  	[sflag:s22] =	ssyncadd.s32 $0xFFFFD800  }
0x1ba: {  	[spmem:s3] =	stream.indirect.scatter.add.f32 [tilespmem:s6], [sflag:$0x5], $0x10, s29, s30, $0xb8;
	[tilespmem:$0x1E1E0] =	vst v63  }
0x1bb: {  	_ =	swait.ge [sflag:s22], $0x500  }
0x1bc: {  	[sflag:s22] =	ssyncset.done $0x0  }
0x1bd: {  	[sflag:s22] =	ssyncadd.s32 $0xFFFFFB00  }
0x1be: {  	_ =	swait.ge [sflag:s26], $0x7D0  }
0x1bf: {  	[sflag:s26] =	ssyncset.done $0x0  }
0x1c0: {  	[sflag:s26] =	ssyncadd.s32 $0xFFFFF830  }
0x1c1: {  	_ =	swait.ge [sflag:s26], $0x7D0  }
0x1c2: {  	[sflag:s26] =	ssyncset.done $0x0  }
0x1c3: {  	[sflag:s26] =	ssyncadd.s32 $0xFFFFF830  }
0x1c4: {  	[tilespmem:s31], [sflag:$0x1] =	stream.indirect.gather [hbm4b:s1+s30], $0x80, s24, s30, $0xb8;
	[tilespmem:$0x1E1E0] =	vst v63  }
0x1c5: {  	_ =	swait.ge [sflag:s7], $0x2800  }
0x1c6: {  	[sflag:s7] =	ssyncset.done $0x0  }
0x1c7: {  	[sflag:s7] =	ssyncadd.s32 $0xFFFFD800  }
0x1c8: {  	[spmem:s2] =	stream.indirect.scatter.add.f32 [tilespmem:s0], [sflag:$0x5], $0x80, s10, s30, $0xb8;
	[tilespmem:$0x1E1E0] =	vst v63  }
0x1c9: {  	_ =	swait.ge [sflag:s22], $0x2800  }
0x1ca: {  	[sflag:s22] =	ssyncset.done $0x0  }
0x1cb: {  	[sflag:s22] =	ssyncadd.s32 $0xFFFFD800  }
0x1cc: {  	[spmem:s3] =	stream.indirect.scatter.add.f32 [tilespmem:s6], [sflag:$0x5], $0x10, s10, s30, $0xb8;
	[tilespmem:$0x1E1E0] =	vst v63  }
0x1cd: {  	_ =	swait.ge [sflag:s22], $0x500  }
0x1ce: {  	[sflag:s22] =	ssyncset.done $0x0  }
0x1cf: {  	s13 =	simm.s32 $0x1C2F0;
	[sflag:s22] =	ssyncadd.s32 $0xFFFFFB00  }
0x1d0: {  	[tilespmem:s0], [sflag:$0x2] =	stream.indirect.gather [hbm4b:s1+s30], $0x80, s13, s30, $0xb8;
	[tilespmem:$0x1E1E0] =	vst v63  }
0x1d1: {  	_ =	swait.ge [sflag:s4], $0x2800  }
0x1d2: {  	[sflag:s4] =	ssyncset.done $0x0  }
0x1d3: {  	s17 =	simm.s32 $0x1CA70;
	[sflag:s4] =	ssyncadd.s32 $0xFFFFD800  }
0x1d4: {  	[spmem:s2] =	stream.indirect.scatter.add.f32 [tilespmem:s31], [sflag:$0x5], $0x80, s17, s30, $0xb8;
	[tilespmem:$0x1E1E0] =	vst v63  }
0x1d5: {  	_ =	swait.ge [sflag:s22], $0x2800  }
0x1d6: {  	[sflag:s22] =	ssyncset.done $0x0  }
0x1d7: {  	[sflag:s22] =	ssyncadd.s32 $0xFFFFD800  }
0x1d8: {  	[spmem:s3] =	stream.indirect.scatter.add.f32 [tilespmem:s6], [sflag:$0x5], $0x10, s17, s30, $0xb8;
	[tilespmem:$0x1E1E0] =	vst v63  }
0x1d9: {  	_ =	swait.ge [sflag:s22], $0x500  }
0x1da: {  	[sflag:s22] =	ssyncset.done $0x0  }
0x1db: {  	s18 =	simm.s32 $0x1C340;
	[sflag:s22] =	ssyncadd.s32 $0xFFFFFB00  }
0x1dc: {  	[tilespmem:s31], [sflag:$0x1] =	stream.indirect.gather [hbm4b:s1+s30], $0x80, s18, s30, $0xb8;
	[tilespmem:$0x1E1E0] =	vst v63  }
0x1dd: {  	_ =	swait.ge [sflag:s7], $0x2800  }
0x1de: {  	[sflag:s7] =	ssyncset.done $0x0  }
0x1df: {  	s29 =	simm.s32 $0x1CAC0;
	[sflag:s7] =	ssyncadd.s32 $0xFFFFD800  }
0x1e0: {  	[spmem:s2] =	stream.indirect.scatter.add.f32 [tilespmem:s0], [sflag:$0x5], $0x80, s29, s30, $0xb8;
	[tilespmem:$0x1E1E0] =	vst v63  }
0x1e1: {  	_ =	swait.ge [sflag:s22], $0x2800  }
0x1e2: {  	[sflag:s22] =	ssyncset.done $0x0  }
0x1e3: {  	[sflag:s22] =	ssyncadd.s32 $0xFFFFD800  }
0x1e4: {  	[spmem:s3] =	stream.indirect.scatter.add.f32 [tilespmem:s6], [sflag:$0x5], $0x10, s29, s30, $0xb8;
	[tilespmem:$0x1E1E0] =	vst v63  }
0x1e5: {  	_ =	swait.ge [sflag:s22], $0x500  }
0x1e6: {  	s12 =	simm.s32 $0xA0;
	s13 =	simm.s32 $0x500;
	[sflag:s22] =	ssyncset.done $0x0  }
.LBB2_16:
0x1e7: {  	s17 =	sadd.s32 $0x1C2F0, s12  }
0x1e8: {  	[sflag:s22] =	ssyncadd.s32 $0xFFFFFB00;
	s18 =	smov.u32 s13;
	s29 =	sadd.s32 $0x280, s13  }
0x1e9: {  	[tilespmem:s0], [sflag:$0x2] =	stream.indirect.gather [hbm4b:s1+s30], $0x80, s17, s30, $0xb8;
	[tilespmem:$0x1E1E0] =	vst v63  }
0x1ea: {  	p0 =	sne.s32 s13, $0x1B80;
	_ =	swait.ge [sflag:s4], $0x2800  }
0x1eb: {  	[sflag:s4] =	ssyncset.done $0x0  }
0x1ec: {  	s13 =	sadd.s32 $0x1CA70, s12;
	[sflag:s4] =	ssyncadd.s32 $0xFFFFD800  }
0x1ed: {  	[spmem:s2] =	stream.indirect.scatter.add.f32 [tilespmem:s31], [sflag:$0x5], $0x80, s13, s30, $0xb8;
	[tilespmem:$0x1E1E0] =	vst v63  }
0x1ee: {  	_ =	swait.ge [sflag:s22], $0x2800  }
0x1ef: {  	[sflag:s22] =	ssyncset.done $0x0  }
0x1f0: {  	[sflag:s22] =	ssyncadd.s32 $0xFFFFD800  }
0x1f1: {  	[spmem:s3] =	stream.indirect.scatter.add.f32 [tilespmem:s6], [sflag:$0x5], $0x10, s13, s30, $0xb8;
	[tilespmem:$0x1E1E0] =	vst v63  }
0x1f2: {  	_ =	swait.ge [sflag:s22], $0x500  }
0x1f3: {  	[sflag:s22] =	ssyncset.done $0x0  }
0x1f4: {  	s13 =	sadd.s32 $0x1C340, s12;
	[sflag:s22] =	ssyncadd.s32 $0xFFFFFB00  }
0x1f5: {  	[tilespmem:s31], [sflag:$0x1] =	stream.indirect.gather [hbm4b:s1+s30], $0x80, s13, s30, $0xb8;
	[tilespmem:$0x1E1E0] =	vst v63  }
0x1f6: {  	_ =	swait.ge [sflag:s7], $0x2800  }
0x1f7: {  	[sflag:s7] =	ssyncset.done $0x0  }
0x1f8: {  	s12 =	sadd.s32 $0x1CAC0, s12;
	[sflag:s7] =	ssyncadd.s32 $0xFFFFD800  }
0x1f9: {  	[spmem:s2] =	stream.indirect.scatter.add.f32 [tilespmem:s0], [sflag:$0x5], $0x80, s12, s30, $0xb8;
	[tilespmem:$0x1E1E0] =	vst v63  }
0x1fa: {  	_ =	swait.ge [sflag:s22], $0x2800  }
.Ltmp7:
0x1fb: {  	[sflag:s22] =	ssyncset.done $0x0;
	(pc) =	sbr.rel @p0 .LBB2_16-.Ltmp7, $4  }
0x1fc: {  	[sflag:s22] =	ssyncadd.s32 $0xFFFFD800  }
0x1fd: {  	[spmem:s3] =	stream.indirect.scatter.add.f32 [tilespmem:s6], [sflag:$0x5], $0x10, s12, s30, $0xb8;
	[tilespmem:$0x1E1E0] =	vst v63  }
0x1fe: {  	_ =	swait.ge [sflag:s22], $0x500  }
0x1ff: {  	s13 =	smov.u32 s29;
	s12 =	sshra.s32 s18, $0x2;
	[sflag:s22] =	ssyncset.done $0x0  }
0x200: {  	s13 =	sadd.s32 $0x1C2F0, s12;
	[sflag:s22] =	ssyncadd.s32 $0xFFFFFB00  }
0x201: {  	[tilespmem:s0], [sflag:$0x2] =	stream.indirect.gather [hbm4b:s1+s30], $0x80, s13, s30, $0xb8;
	[tilespmem:$0x1E1E0] =	vst v63  }
0x202: {  	_ =	swait.ge [sflag:s4], $0x2800  }
0x203: {  	[sflag:s4] =	ssyncset.done $0x0  }
0x204: {  	s29 =	sadd.s32 $0x1CA70, s12;
	[sflag:s4] =	ssyncadd.s32 $0xFFFFD800  }
0x205: {  	[spmem:s2] =	stream.indirect.scatter.add.f32 [tilespmem:s31], [sflag:$0x5], $0x80, s29, s30, $0xb8;
	[tilespmem:$0x1E1E0] =	vst v63  }
0x206: {  	_ =	swait.ge [sflag:s22], $0x2800  }
0x207: {  	[sflag:s22] =	ssyncset.done $0x0  }
0x208: {  	[sflag:s22] =	ssyncadd.s32 $0xFFFFD800  }
0x209: {  	[spmem:s3] =	stream.indirect.scatter.add.f32 [tilespmem:s6], [sflag:$0x5], $0x10, s29, s30, $0xb8;
	[tilespmem:$0x1E1E0] =	vst v63  }
0x20a: {  	_ =	swait.ge [sflag:s22], $0x500  }
0x20b: {  	[sflag:s22] =	ssyncset.done $0x0  }
0x20c: {  	s17 =	sadd.s32 $0x1C340, s12;
	[sflag:s22] =	ssyncadd.s32 $0xFFFFFB00  }
0x20d: {  	[tilespmem:s31], [sflag:$0x1] =	stream.indirect.gather [hbm4b:s1+s30], $0x80, s17, s30, $0xb8;
	[tilespmem:$0x1E1E0] =	vst v63  }
0x20e: {  	_ =	swait.ge [sflag:s7], $0x2800  }
0x20f: {  	[sflag:s7] =	ssyncset.done $0x0  }
0x210: {  	s18 =	sadd.s32 $0x1CAC0, s12;
	[sflag:s7] =	ssyncadd.s32 $0xFFFFD800  }
0x211: {  	[spmem:s2] =	stream.indirect.scatter.add.f32 [tilespmem:s0], [sflag:$0x5], $0x80, s18, s30, $0xb8;
	[tilespmem:$0x1E1E0] =	vst v63  }
0x212: {  	_ =	swait.ge [sflag:s22], $0x2800  }
0x213: {  	[sflag:s22] =	ssyncset.done $0x0  }
0x214: {  	[sflag:s22] =	ssyncadd.s32 $0xFFFFD800  }
0x215: {  	[spmem:s3] =	stream.indirect.scatter.add.f32 [tilespmem:s6], [sflag:$0x5], $0x10, s18, s30, $0xb8;
	[tilespmem:$0x1E1E0] =	vst v63  }
0x216: {  	_ =	swait.ge [sflag:s22], $0x500  }
0x217: {  	[sflag:s22] =	ssyncset.done $0x0  }
0x218: {  	[sflag:s22] =	ssyncadd.s32 $0xFFFFFB00  }
0x219: {  	_ =	swait.ge [sflag:s4], $0x2800  }
0x21a: {  	[sflag:s4] =	ssyncset.done $0x0  }
0x21b: {  	[sflag:s4] =	ssyncadd.s32 $0xFFFFD800  }
0x21c: {  	[spmem:s2] =	stream.indirect.scatter.add.f32 [tilespmem:s31], [sflag:$0x5], $0x80, s9, s30, $0xb8;
	[tilespmem:$0x1E1E0] =	vst v63  }
0x21d: {  	_ =	swait.ge [sflag:s22], $0x2800  }
0x21e: {  	[sflag:s22] =	ssyncset.done $0x0  }
0x21f: {  	[sflag:s22] =	ssyncadd.s32 $0xFFFFD800  }
0x220: {  	[spmem:s3] =	stream.indirect.scatter.add.f32 [tilespmem:s6], [sflag:$0x5], $0x10, s9, s30, $0xb8;
	[tilespmem:$0x1E1E0] =	vst v63  }
0x221: {  	_ =	swait.ge [sflag:s22], $0x500  }
0x222: {  	[sflag:s22] =	ssyncset.done $0x0  }
0x223: {  	[sflag:s22] =	ssyncadd.s32 $0xFFFFFB00  }
0x224: {  	[bflag:$0x0] =	sbarrier.arrive $0xFFFF  }
0x225: {  	[tilespmem:s21], [sflag:$0x5] =	stream.linear.gather [spmem:s15], $0xC80, $0x38;
	[tilespmem:$0x1E1E0] =	vst v63  }
0x226: {  	_ =	swait.ge [sflag:s22], $0xC80  }
0x227: {  	[sflag:s22] =	ssyncset.done $0x0  }
0x228: {  	[sflag:s22] =	ssyncadd.s32 $0xFFFFF380  }
0x229: {  	[hbm4b:s20+s5] =	stream.linear.scatter [tilespmem:s21], [sflag:$0x5], $0xC80, $0x38;
	[tilespmem:$0x1E1E0] =	vst v63  }
0x22a: {  	_ =	swait.ge [sflag:s22], $0xC80  }
0x22b: {  	[sflag:s22] =	ssyncset.done $0x0  }
0x22c: {  	[sflag:s22] =	ssyncadd.s32 $0xFFFFF380  }
0x22d: {  	[tilespmem:s23], [sflag:$0x5] =	stream.linear.gather [spmem:s14], $0x190, $0x38;
	[tilespmem:$0x1E1E0] =	vst v63  }
0x22e: {  	_ =	swait.ge [sflag:s22], $0x190  }
0x22f: {  	[sflag:s22] =	ssyncset.done $0x0  }
0x230: {  	s29 =	sadd.s32 $0x0, s19;
	[sflag:s22] =	ssyncadd.s32 $0xFFFFFE70  }
0x231: {  	[hbm4b:s29+s5] =	stream.linear.scatter [tilespmem:s23], [sflag:$0x5], $0x190, $0x38;
	[tilespmem:$0x1E1E0] =	vst v63  }
0x232: {  	s12 =	simm.s32 $0x32;
	s13 =	sadd.s32 $0x190, s20;
	_ =	swait.ge [sflag:s22], $0x190  }
0x233: {  	s17 =	smov.u32 s14;
	s18 =	smov.u32 s15;
	[sflag:s22] =	ssyncset.done $0x0  }
.LBB2_18:
0x234: {  	[sflag:s22] =	ssyncadd.s32 $0xFFFFFE70  }
0x235: {  	s17 =	sadd.s32 $0x190, s17;
	s18 =	sadd.s32 $0xC80, s18;
	s29 =	smov.u32 s12  }
0x236: {  	[tilespmem:s21], [sflag:$0x5] =	stream.linear.gather [spmem:s18], $0xC80, $0x38;
	[tilespmem:$0x1E1E0] =	vst v63  }
0x237: {  	p0 =	sne.s32 s12, $0x4B0;
	s12 =	sadd.s32 $0x32, s12;
	_ =	swait.ge [sflag:s22], $0xC80  }
0x238: {  	[sflag:s22] =	ssyncset.done $0x0  }
0x239: {  	[sflag:s22] =	ssyncadd.s32 $0xFFFFF380  }
0x23a: {  	[hbm4b:s13+s5] =	stream.linear.scatter [tilespmem:s21], [sflag:$0x5], $0xC80, $0x38;
	[tilespmem:$0x1E1E0] =	vst v63  }
0x23b: {  	_ =	swait.ge [sflag:s22], $0xC80  }
0x23c: {  	[sflag:s22] =	ssyncset.done $0x0  }
0x23d: {  	[sflag:s22] =	ssyncadd.s32 $0xFFFFF380  }
0x23e: {  	[tilespmem:s23], [sflag:$0x5] =	stream.linear.gather [spmem:s17], $0x190, $0x38;
	[tilespmem:$0x1E1E0] =	vst v63  }
0x23f: {  	_ =	swait.ge [sflag:s22], $0x190  }
.Ltmp8:
0x240: {  	[sflag:s22] =	ssyncset.done $0x0;
	(pc) =	sbr.rel @p0 .LBB2_18-.Ltmp8, $4  }
0x241: {  	s29 =	sadd.s32 s29, s19;
	[sflag:s22] =	ssyncadd.s32 $0xFFFFFE70  }
0x242: {  	[hbm4b:s29+s5] =	stream.linear.scatter [tilespmem:s23], [sflag:$0x5], $0x190, $0x38;
	[tilespmem:$0x1E1E0] =	vst v63  }
0x243: {  	_ =	swait.ge [sflag:s22], $0x190  }
0x244: {  	s13 =	sadd.s32 $0x190, s13;
	[sflag:s22] =	ssyncset.done $0x0  }
0x245: {  	s11 =	sadd.s32 $0x1, s11  }
0x246: {  	p0 =	sne.s32 s11, s16  }
.Ltmp9:
0x247: {  	_ = 	snop;
	(pc) =	sbr.rel @p0 .LBB2_1-.Ltmp9, $2  }
0x248: {  	_ =	sdelay $0x2  }
0x249: {  	[sflag:s22] =	ssyncadd.s32 $0xFFFFFE70  }
0x24a: {  	_ =	sfence.sel $0x180000  }
0x24b: {  	[bflag:$0x0] =	sbarrier.arrive $0xFFFF  }
0x24c: {  	_ =	strace $0x90000047  }
0x24d: {  	s0 =	stileid.u32;
	[bflag:$0x2] =	sbarrier.arrive $0xFFFF  }
0x24e: {  	p0 =	sne.s32 s0, $0x0;
	s0 =	rddreg [dreg:$0x4]  }
0x24f: {  	s0 =	sadd.s32 @!p0 $0x100000, s0  }
0x250: {  	[sflag:s0] =	ssyncadd.tile.s32 @!p0 $0x1;
	_ =	shalt  }
.Lfunc_end2:
_tile_overlayer_lowered:
.L_overlay_start_2:
0x251: {  	(tag) =	ssettag $0x2  }
0x252: {  	s0 =	rddreg [dreg:$0x0];
	s2 =	stileid.u32  }
0x253: {  	s1 =	rddreg [dreg:$0x1];
	p0 =	sne.s32 s2, $0x0  }
0x254: {  	s3 =	rddreg [dreg:$0x2];
	[bflag:$0x3] =	sbarrier.arrive $0xFFFF;
	s2 =	simm.s32 @!p0 $0x1C05  }
0x255: {  	[timem:s3], [sflag:s2] =	dma.local @!p0 [hbm:s0], s1  }
0x256: {  	s0 =	simm.s32 @!p0 $0x5  }
0x257: {  	_ =	swait.ge @!p0 [sflag:s0], s1  }
0x258: {  	s1 =	ssub.s32 @!p0 $0x0, s1;
	[sflag:s0] =	ssyncset.done @!p0 $0x0  }
0x259: {  	[sflag:s0] =	ssyncadd.s32 @!p0 s1  }
0x25a: {  	[bflag:$0x3] =	sbarrier.arrive $0xFFFF  }
0x25b: {  	_ =	shalt  }

</sc_bundles>
